<compile_context>
chip_gen: v7x
topology: tpu7x:2x2x1
jax: 0.10.2.dev20260603
libtpu: 0.0.44.dev20260713+nightly
codegen_flags: <defaults>
</compile_context>

<pallas_src>
import functools
import jax
import jax.numpy as jnp
from jax import lax
from jax.experimental import pallas as pl
from jax.experimental.pallas import tpu as pltpu
from jax.experimental.pallas import tpu_sc as plsc

B = 4096
L = 200
D = 64
TOTAL = B * L

_info = plsc.get_sparse_core_info()
NC = _info.num_cores
NS = _info.num_subcores
NW = NC * NS
T_QUADS = L // 4

_mesh = plsc.VectorSubcoreMesh(core_axis_name="c", subcore_axis_name="s")


@functools.partial(
    pl.kernel,
    mesh=_mesh,
    out_type=jax.ShapeDtypeStruct((L, 8, 32, 8, 128), jnp.float32),
    scratch_types=[
        pltpu.VMEM((2, 128), jnp.int32),
        pltpu.VMEM((2, 128), jnp.int32),
        pltpu.VMEM((128, D), jnp.float32),
        pltpu.VMEM((128, D), jnp.float32),
        pltpu.VMEM((8, 8, 129), jnp.float32),
        pltpu.VMEM((8, 8, 129), jnp.float32),
        pltpu.SemaphoreType.DMA,
        pltpu.SemaphoreType.DMA,
        pltpu.SemaphoreType.DMA,
        pltpu.SemaphoreType.DMA,
        pltpu.SemaphoreType.DMA,
    ],
    compiler_params=pltpu.CompilerParams(use_tc_tiling_on_sc=False,
                                         needs_layout_passes=False),
)
def _gather_kernel(idx5_hbm, u_hbm, out_hbm,
                   idx_x, idx_y, g_a, g_b, o_a, o_b,
                   isem, gsem_a, gsem_b, wsem_a, wsem_b):
    bc = lax.axis_index("s") * NC + lax.axis_index("c")

    iot = lax.iota(jnp.int32, 16)
    frv = [(iot + 16 * c) >> 3 for c in range(4)]
    sv = [(iot + 16 * c) & 7 for c in range(4)]

    def idx_at(l):
        return idx5_hbm.at[l // 8, bc, l % 8]

    def out_at(l):
        return out_hbm.at[l, :, bc]

    def o_slice(o_v):
        return o_v.at[:, :, pl.ds(0, 128)]

    def drain_idx(l, dst):
        pltpu.make_async_copy(idx_at(l), dst, isem).wait()

    def shuffle(g_v, o_v):
        def blk(bb, blv):
            for u8 in range(8):
                for c in range(4):
                    vals = g_v[bb * 8 + u8, pl.ds(16 * c, 16)]
                    plsc.store_scatter(o_v, [frv[c], sv[c], blv], vals)
                blv = blv + 1
            return blv
        lax.fori_loop(0, 16, blk, iot * 0)

    pltpu.async_copy(idx_at(0), idx_x.at[0], isem)
    pltpu.async_copy(idx_at(1), idx_x.at[1], isem)
    drain_idx(0, idx_x.at[0])
    drain_idx(1, idx_x.at[1])
    pltpu.async_copy(u_hbm.at[idx_x.at[0]], g_a, gsem_a)

    def body(t, carry):
        l0 = 4 * t
        l1 = l0 + 1
        l2 = l0 + 2
        l3 = l0 + 3

        pltpu.async_copy(u_hbm.at[idx_x.at[1]], g_b, gsem_b)
        pltpu.async_copy(idx_at(l2), idx_y.at[0], isem)
        pltpu.async_copy(idx_at(l3), idx_y.at[1], isem)

        pltpu.make_async_copy(u_hbm.at[idx_x.at[0]], g_a, gsem_a).wait()

        @pl.when(t > 0)
        def _():
            pltpu.make_async_copy(o_slice(o_a), out_at(l0), wsem_a).wait()

        shuffle(g_a, o_a)
        pltpu.async_copy(o_slice(o_a), out_at(l0), wsem_a)

        pltpu.make_async_copy(u_hbm.at[idx_x.at[1]], g_b, gsem_b).wait()

        @pl.when(t > 0)
        def _():
            pltpu.make_async_copy(o_slice(o_b), out_at(l1), wsem_b).wait()

        shuffle(g_b, o_b)
        pltpu.async_copy(o_slice(o_b), out_at(l1), wsem_b)

        drain_idx(l2, idx_y.at[0])
        drain_idx(l3, idx_y.at[1])
        pltpu.async_copy(u_hbm.at[idx_y.at[0]], g_a, gsem_a)
        pltpu.async_copy(u_hbm.at[idx_y.at[1]], g_b, gsem_b)

        @pl.when(t < T_QUADS - 1)
        def _():
            pltpu.async_copy(idx_at(l0 + 4), idx_x.at[0], isem)
            pltpu.async_copy(idx_at(l1 + 4), idx_x.at[1], isem)

        pltpu.make_async_copy(u_hbm.at[idx_y.at[0]], g_a, gsem_a).wait()
        pltpu.make_async_copy(o_slice(o_a), out_at(l2), wsem_a).wait()
        shuffle(g_a, o_a)
        pltpu.async_copy(o_slice(o_a), out_at(l2), wsem_a)

        pltpu.make_async_copy(u_hbm.at[idx_y.at[1]], g_b, gsem_b).wait()
        pltpu.make_async_copy(o_slice(o_b), out_at(l3), wsem_b).wait()
        shuffle(g_b, o_b)
        pltpu.async_copy(o_slice(o_b), out_at(l3), wsem_b)

        @pl.when(t < T_QUADS - 1)
        def _():
            drain_idx(l0 + 4, idx_x.at[0])
            drain_idx(l1 + 4, idx_x.at[1])
            pltpu.async_copy(u_hbm.at[idx_x.at[0]], g_a, gsem_a)

        return carry

    lax.fori_loop(0, T_QUADS, body, 0)
    pltpu.make_async_copy(o_slice(o_a), out_at(L - 2), wsem_a).wait()
    pltpu.make_async_copy(o_slice(o_b), out_at(L - 1), wsem_b).wait()


def _mask_body(idx_ref, out_ref):
    out_ref[...] = (idx_ref[...] > 0).astype(jnp.int32)


_mask = pl.pallas_call(
    _mask_body,
    out_shape=jax.ShapeDtypeStruct((6400, 128), jnp.int32),
    grid=(8,),
    in_specs=[pl.BlockSpec((800, 128), lambda i: (i, 0))],
    out_specs=pl.BlockSpec((800, 128), lambda i: (i, 0)),
)


@jax.jit
def kernel(word_idx, tune_pre_trained, table):
    wi = word_idx.astype(jnp.int32)
    idx5 = wi.T.reshape(25, 8, 32, 128).transpose(0, 2, 1, 3)
    ol = _gather_kernel(idx5, table)
    static_emb = ol.transpose(2, 4, 0, 1, 3).reshape(B, L, D)
    mask = _mask(wi.reshape(6400, 128))
    bottom_existence = mask.reshape(B, L, 1).astype(jnp.bool_)
    return (static_emb, bottom_existence)

# --- scband reference (transcript-rebuilt; emitter-appended) ---
"""Pipeline reference for scband-input-leaves-3152505995329 (READ-ONLY COPY).

The authoritative reference and input builder live on the scoring server;
editing this copy changes nothing except your own understanding.
"""

import jax, jax.numpy as jnp
import numpy as np

NUM_TOKENS = 1000000
MODEL_DIM = 64
B = 4096
L = 200


def setup_inputs(seed: int = 0) -> dict:
    key = jax.random.key(seed)
    k1, k2 = jax.random.split(key)
    word_idx = jax.random.randint(k1, (B, L), 0, NUM_TOKENS)
    # nn.Embedding weight ~ N(0,1); padding_idx=0 row zeroed at init
    table = jax.random.normal(k2, (NUM_TOKENS, MODEL_DIM), dtype=jnp.float32)
    table = table.at[0].set(0.0)
    return {"word_idx": word_idx, "tune_pre_trained": 1, "table": table}


def reference(word_idx, tune_pre_trained, table):
    # pre_trained=False, initial_weight=None -> single main embedding, bound==0
    # tune_pre_trained only toggles torch.no_grad; forward math is identical
    static_emb = jnp.take(table, word_idx, axis=0)
    # nil_as_pad=True -> bottom_existence = word_idx > 0, unsqueezed at dim 2
    bottom_existence = (word_idx > 0)[:, :, None]
    # drop_out=0.0 -> Dropout is identity; activation=None -> no activation
    return (static_emb, bottom_existence)

if __name__ == "__main__":
    import jax
    _d = setup_inputs()
    print(jax.jit(kernel)(*tuple(_d.values())))

</pallas_src>

<mosaic_0001>
#map = affine_map<(d0, d1) -> (0, 0, 0, 0)>
#map1 = affine_map<(d0, d1) -> (0, 0)>
#map2 = affine_map<(d0, d1) -> (0, 0, 0, 0, 0)>
module attributes {stable_mosaic.version = 14 : i64} {
  func.func @_gather_kernel(%arg0: i32, %arg1: i32, %arg2: memref<25x32x8x128xi32, #tpu.memory_space<hbm>>, %arg3: memref<1000000x64xf32, #tpu.memory_space<hbm>>, %arg4: memref<200x8x32x8x128xf32, #tpu.memory_space<hbm>>, %arg5: memref<2x128xi32, #tpu.memory_space<vmem>>, %arg6: memref<2x128xi32, #tpu.memory_space<vmem>>, %arg7: memref<128x64xf32, #tpu.memory_space<vmem>>, %arg8: memref<128x64xf32, #tpu.memory_space<vmem>>, %arg9: memref<8x8x129xf32, #tpu.memory_space<vmem>>, %arg10: memref<8x8x129xf32, #tpu.memory_space<vmem>>, %arg11: memref<!tpu.dma_semaphore, #tpu.memory_space<semaphore_mem>>, %arg12: memref<!tpu.dma_semaphore, #tpu.memory_space<semaphore_mem>>, %arg13: memref<!tpu.dma_semaphore, #tpu.memory_space<semaphore_mem>>, %arg14: memref<!tpu.dma_semaphore, #tpu.memory_space<semaphore_mem>>, %arg15: memref<!tpu.dma_semaphore, #tpu.memory_space<semaphore_mem>>) attributes {dimension_semantics = [#tpu.dimension_semantics<core_parallel>, #tpu.dimension_semantics<subcore_parallel>], iteration_bounds = array<i64: 2, 16>, scalar_prefetch = 0 : i64, scratch_operands = 11 : i64, tpu.core_type = #tpu.core_type<sc_vector_subcore>, window_params = [{transform_indices = #map}, {transform_indices = #map1}, {transform_indices = #map2}]} {
    %mul3A = arith.constant 2 : i32
    %mul3A_0 = arith.muli %arg1, %mul3A : i32
    %add3A = arith.addi %mul3A_0, %arg0 : i32
    %iota3A = tpu.iota {dimensions = array<i32: 0>} : vector<16xi32>
    %add3A_1 = arith.constant 0 : i32
    %add3A_2 = vector.broadcast %add3A_1 : i32 to vector<16xi32>
    %add3A_3 = arith.addi %iota3A, %add3A_2 : vector<16xi32>
    %shift_right_arithmetic3A = arith.constant 3 : i32
    %shift_right_arithmetic3A_4 = vector.broadcast %shift_right_arithmetic3A : i32 to vector<16xi32>
    %shift_right_arithmetic3A_5 = arith.shrsi %add3A_3, %shift_right_arithmetic3A_4 : vector<16xi32>
    %add3A_6 = arith.constant 16 : i32
    %add3A_7 = vector.broadcast %add3A_6 : i32 to vector<16xi32>
    %add3A_8 = arith.addi %iota3A, %add3A_7 : vector<16xi32>
    %shift_right_arithmetic3A_9 = arith.constant 3 : i32
    %shift_right_arithmetic3A_10 = vector.broadcast %shift_right_arithmetic3A_9 : i32 to vector<16xi32>
    %shift_right_arithmetic3A_11 = arith.shrsi %add3A_8, %shift_right_arithmetic3A_10 : vector<16xi32>
    %add3A_12 = arith.constant 32 : i32
    %add3A_13 = vector.broadcast %add3A_12 : i32 to vector<16xi32>
    %add3A_14 = arith.addi %iota3A, %add3A_13 : vector<16xi32>
    %shift_right_arithmetic3A_15 = arith.constant 3 : i32
    %shift_right_arithmetic3A_16 = vector.broadcast %shift_right_arithmetic3A_15 : i32 to vector<16xi32>
    %shift_right_arithmetic3A_17 = arith.shrsi %add3A_14, %shift_right_arithmetic3A_16 : vector<16xi32>
    %add3A_18 = arith.constant 48 : i32
    %add3A_19 = vector.broadcast %add3A_18 : i32 to vector<16xi32>
    %add3A_20 = arith.addi %iota3A, %add3A_19 : vector<16xi32>
    %shift_right_arithmetic3A_21 = arith.constant 3 : i32
    %shift_right_arithmetic3A_22 = vector.broadcast %shift_right_arithmetic3A_21 : i32 to vector<16xi32>
    %shift_right_arithmetic3A_23 = arith.shrsi %add3A_20, %shift_right_arithmetic3A_22 : vector<16xi32>
    %add3A_24 = arith.constant 0 : i32
    %add3A_25 = vector.broadcast %add3A_24 : i32 to vector<16xi32>
    %add3A_26 = arith.addi %iota3A, %add3A_25 : vector<16xi32>
    %and3A = arith.constant 7 : i32
    %and3A_27 = vector.broadcast %and3A : i32 to vector<16xi32>
    %and3A_28 = arith.andi %add3A_26, %and3A_27 : vector<16xi32>
    %add3A_29 = arith.constant 16 : i32
    %add3A_30 = vector.broadcast %add3A_29 : i32 to vector<16xi32>
    %add3A_31 = arith.addi %iota3A, %add3A_30 : vector<16xi32>
    %and3A_32 = arith.constant 7 : i32
    %and3A_33 = vector.broadcast %and3A_32 : i32 to vector<16xi32>
    %and3A_34 = arith.andi %add3A_31, %and3A_33 : vector<16xi32>
    %add3A_35 = arith.constant 32 : i32
    %add3A_36 = vector.broadcast %add3A_35 : i32 to vector<16xi32>
    %add3A_37 = arith.addi %iota3A, %add3A_36 : vector<16xi32>
    %and3A_38 = arith.constant 7 : i32
    %and3A_39 = vector.broadcast %and3A_38 : i32 to vector<16xi32>
    %and3A_40 = arith.andi %add3A_37, %and3A_39 : vector<16xi32>
    %add3A_41 = arith.constant 48 : i32
    %add3A_42 = vector.broadcast %add3A_41 : i32 to vector<16xi32>
    %add3A_43 = arith.addi %iota3A, %add3A_42 : vector<16xi32>
    %and3A_44 = arith.constant 7 : i32
    %and3A_45 = vector.broadcast %and3A_44 : i32 to vector<16xi32>
    %and3A_46 = arith.andi %add3A_43, %and3A_45 : vector<16xi32>
    %dma_start3A = arith.constant 0 : i32
    %dma_start3A_47 = arith.constant 0 : i32
    %dma_start3A_48 = arith.constant 0 : i32
    %dma_start3A_49 = arith.constant 0 : i32
    %dma_start3A_50 = tpu.memref_slice %arg5[%dma_start3A_48, %dma_start3A_49] : memref<2x128xi32, #tpu.memory_space<vmem>> -> memref<1x128xi32, #tpu.memory_space<vmem>>
    %dma_start3A_51 = tpu.memref_squeeze %dma_start3A_50 : memref<1x128xi32, #tpu.memory_space<vmem>> -> memref<128xi32, #tpu.memory_space<vmem>>
    %dma_start3A_52 = arith.constant 0 : i32
    %dma_start3A_53 = tpu.memref_slice %arg2[%dma_start3A, %add3A, %dma_start3A_47, %dma_start3A_52] : memref<25x32x8x128xi32, #tpu.memory_space<hbm>> -> memref<1x1x1x128xi32, #tpu.memory_space<hbm>>
    %dma_start3A_54 = tpu.memref_squeeze %dma_start3A_53 : memref<1x1x1x128xi32, #tpu.memory_space<hbm>> -> memref<128xi32, #tpu.memory_space<hbm>>
    %dma_start3A_55 = arith.constant 0 : i32
    %dma_start3A_56 = tpu.memref_slice %arg5[%dma_start3A_48, %dma_start3A_55] : memref<2x128xi32, #tpu.memory_space<vmem>> -> memref<1x128xi32, #tpu.memory_space<vmem>>
    %dma_start3A_57 = tpu.memref_squeeze %dma_start3A_56 : memref<1x128xi32, #tpu.memory_space<vmem>> -> memref<128xi32, #tpu.memory_space<vmem>>
    %dma_start3A_58 = arith.constant 0 : i32
    %dma_start3A_59 = tpu.memref_slice %arg2[%dma_start3A, %add3A, %dma_start3A_47, %dma_start3A_58] : memref<25x32x8x128xi32, #tpu.memory_space<hbm>> -> memref<1x1x1x128xi32, #tpu.memory_space<hbm>>
    %dma_start3A_60 = tpu.memref_squeeze %dma_start3A_59 : memref<1x1x1x128xi32, #tpu.memory_space<hbm>> -> memref<128xi32, #tpu.memory_space<hbm>>
    tpu.enqueue_dma source(%dma_start3A_60 : memref<128xi32, #tpu.memory_space<hbm>>) target(%dma_start3A_57 : memref<128xi32, #tpu.memory_space<vmem>>) target_semaphore(%arg11 : memref<!tpu.dma_semaphore, #tpu.memory_space<semaphore_mem>>)
    %dma_start3A_61 = arith.constant 0 : i32
    %dma_start3A_62 = arith.constant 1 : i32
    %dma_start3A_63 = arith.constant 1 : i32
    %dma_start3A_64 = arith.constant 0 : i32
    %dma_start3A_65 = tpu.memref_slice %arg5[%dma_start3A_63, %dma_start3A_64] : memref<2x128xi32, #tpu.memory_space<vmem>> -> memref<1x128xi32, #tpu.memory_space<vmem>>
    %dma_start3A_66 = tpu.memref_squeeze %dma_start3A_65 : memref<1x128xi32, #tpu.memory_space<vmem>> -> memref<128xi32, #tpu.memory_space<vmem>>
    %dma_start3A_67 = arith.constant 0 : i32
    %dma_start3A_68 = tpu.memref_slice %arg2[%dma_start3A_61, %add3A, %dma_start3A_62, %dma_start3A_67] : memref<25x32x8x128xi32, #tpu.memory_space<hbm>> -> memref<1x1x1x128xi32, #tpu.memory_space<hbm>>
    %dma_start3A_69 = tpu.memref_squeeze %dma_start3A_68 : memref<1x1x1x128xi32, #tpu.memory_space<hbm>> -> memref<128xi32, #tpu.memory_space<hbm>>
    %dma_start3A_70 = arith.constant 0 : i32
    %dma_start3A_71 = tpu.memref_slice %arg5[%dma_start3A_63, %dma_start3A_70] : memref<2x128xi32, #tpu.memory_space<vmem>> -> memref<1x128xi32, #tpu.memory_space<vmem>>
    %dma_start3A_72 = tpu.memref_squeeze %dma_start3A_71 : memref<1x128xi32, #tpu.memory_space<vmem>> -> memref<128xi32, #tpu.memory_space<vmem>>
    %dma_start3A_73 = arith.constant 0 : i32
    %dma_start3A_74 = tpu.memref_slice %arg2[%dma_start3A_61, %add3A, %dma_start3A_62, %dma_start3A_73] : memref<25x32x8x128xi32, #tpu.memory_space<hbm>> -> memref<1x1x1x128xi32, #tpu.memory_space<hbm>>
    %dma_start3A_75 = tpu.memref_squeeze %dma_start3A_74 : memref<1x1x1x128xi32, #tpu.memory_space<hbm>> -> memref<128xi32, #tpu.memory_space<hbm>>
    tpu.enqueue_dma source(%dma_start3A_75 : memref<128xi32, #tpu.memory_space<hbm>>) target(%dma_start3A_72 : memref<128xi32, #tpu.memory_space<vmem>>) target_semaphore(%arg11 : memref<!tpu.dma_semaphore, #tpu.memory_space<semaphore_mem>>)
    %dma_wait3A = arith.constant 0 : i32
    %dma_wait3A_76 = arith.constant 0 : i32
    %dma_wait3A_77 = arith.constant 0 : i32
    %dma_wait3A_78 = arith.constant 0 : i32
    %dma_wait3A_79 = tpu.memref_slice %arg5[%dma_wait3A_77, %dma_wait3A_78] : memref<2x128xi32, #tpu.memory_space<vmem>> -> memref<1x128xi32, #tpu.memory_space<vmem>>
    %dma_wait3A_80 = tpu.memref_squeeze %dma_wait3A_79 : memref<1x128xi32, #tpu.memory_space<vmem>> -> memref<128xi32, #tpu.memory_space<vmem>>
    %dma_wait3A_81 = arith.constant 0 : i32
    %dma_wait3A_82 = tpu.memref_slice %arg2[%dma_wait3A, %add3A, %dma_wait3A_76, %dma_wait3A_81] : memref<25x32x8x128xi32, #tpu.memory_space<hbm>> -> memref<1x1x1x128xi32, #tpu.memory_space<hbm>>
    %dma_wait3A_83 = tpu.memref_squeeze %dma_wait3A_82 : memref<1x1x1x128xi32, #tpu.memory_space<hbm>> -> memref<128xi32, #tpu.memory_space<hbm>>
    %dma_wait3A_84 = arith.constant 0 : i32
    %dma_wait3A_85 = tpu.memref_slice %arg5[%dma_wait3A_77, %dma_wait3A_84] : memref<2x128xi32, #tpu.memory_space<vmem>> -> memref<1x128xi32, #tpu.memory_space<vmem>>
    %dma_wait3A_86 = tpu.memref_squeeze %dma_wait3A_85 : memref<1x128xi32, #tpu.memory_space<vmem>> -> memref<128xi32, #tpu.memory_space<vmem>>
    %dma_wait3A_87 = arith.constant 0 : i32
    %dma_wait3A_88 = tpu.memref_slice %arg2[%dma_wait3A, %add3A, %dma_wait3A_76, %dma_wait3A_87] : memref<25x32x8x128xi32, #tpu.memory_space<hbm>> -> memref<1x1x1x128xi32, #tpu.memory_space<hbm>>
    %dma_wait3A_89 = tpu.memref_squeeze %dma_wait3A_88 : memref<1x1x1x128xi32, #tpu.memory_space<hbm>> -> memref<128xi32, #tpu.memory_space<hbm>>
    tpu.wait_dma2 semaphore(%arg11 : memref<!tpu.dma_semaphore, #tpu.memory_space<semaphore_mem>>) src(%dma_wait3A_89 : memref<128xi32, #tpu.memory_space<hbm>>) dst(%dma_wait3A_86 : memref<128xi32, #tpu.memory_space<vmem>>)
    %dma_wait3A_90 = arith.constant 0 : i32
    %dma_wait3A_91 = arith.constant 1 : i32
    %dma_wait3A_92 = arith.constant 1 : i32
    %dma_wait3A_93 = arith.constant 0 : i32
    %dma_wait3A_94 = tpu.memref_slice %arg5[%dma_wait3A_92, %dma_wait3A_93] : memref<2x128xi32, #tpu.memory_space<vmem>> -> memref<1x128xi32, #tpu.memory_space<vmem>>
    %dma_wait3A_95 = tpu.memref_squeeze %dma_wait3A_94 : memref<1x128xi32, #tpu.memory_space<vmem>> -> memref<128xi32, #tpu.memory_space<vmem>>
    %dma_wait3A_96 = arith.constant 0 : i32
    %dma_wait3A_97 = tpu.memref_slice %arg2[%dma_wait3A_90, %add3A, %dma_wait3A_91, %dma_wait3A_96] : memref<25x32x8x128xi32, #tpu.memory_space<hbm>> -> memref<1x1x1x128xi32, #tpu.memory_space<hbm>>
    %dma_wait3A_98 = tpu.memref_squeeze %dma_wait3A_97 : memref<1x1x1x128xi32, #tpu.memory_space<hbm>> -> memref<128xi32, #tpu.memory_space<hbm>>
    %dma_wait3A_99 = arith.constant 0 : i32
    %dma_wait3A_100 = tpu.memref_slice %arg5[%dma_wait3A_92, %dma_wait3A_99] : memref<2x128xi32, #tpu.memory_space<vmem>> -> memref<1x128xi32, #tpu.memory_space<vmem>>
    %dma_wait3A_101 = tpu.memref_squeeze %dma_wait3A_100 : memref<1x128xi32, #tpu.memory_space<vmem>> -> memref<128xi32, #tpu.memory_space<vmem>>
    %dma_wait3A_102 = arith.constant 0 : i32
    %dma_wait3A_103 = tpu.memref_slice %arg2[%dma_wait3A_90, %add3A, %dma_wait3A_91, %dma_wait3A_102] : memref<25x32x8x128xi32, #tpu.memory_space<hbm>> -> memref<1x1x1x128xi32, #tpu.memory_space<hbm>>
    %dma_wait3A_104 = tpu.memref_squeeze %dma_wait3A_103 : memref<1x1x1x128xi32, #tpu.memory_space<hbm>> -> memref<128xi32, #tpu.memory_space<hbm>>
    tpu.wait_dma2 semaphore(%arg11 : memref<!tpu.dma_semaphore, #tpu.memory_space<semaphore_mem>>) src(%dma_wait3A_104 : memref<128xi32, #tpu.memory_space<hbm>>) dst(%dma_wait3A_101 : memref<128xi32, #tpu.memory_space<vmem>>)
    %dma_start3A_105 = arith.constant 0 : i32
    %dma_start3A_106 = arith.constant 0 : i32
    %dma_start3A_107 = tpu.memref_slice %arg5[%dma_start3A_105, %dma_start3A_106] : memref<2x128xi32, #tpu.memory_space<vmem>> -> memref<1x128xi32, #tpu.memory_space<vmem>>
    %dma_start3A_108 = tpu.memref_squeeze %dma_start3A_107 : memref<1x128xi32, #tpu.memory_space<vmem>> -> memref<128xi32, #tpu.memory_space<vmem>>
    %dma_start3A_109 = arith.constant 0 : i32
    %dma_start3A_110 = arith.constant 0 : i32
    %dma_start3A_111 = tpu.memref_slice %arg3[%dma_start3A_109, %dma_start3A_110] : memref<1000000x64xf32, #tpu.memory_space<hbm>> -> memref<1000000x64xf32, #tpu.memory_space<hbm>>
    tpu.enqueue_indirect_dma source(%dma_start3A_111 : memref<1000000x64xf32, #tpu.memory_space<hbm>>) target(%arg7 : memref<128x64xf32, #tpu.memory_space<vmem>>) offsets(%dma_start3A_108 : memref<128xi32, #tpu.memory_space<vmem>>) semaphore(%arg12 : memref<!tpu.dma_semaphore, #tpu.memory_space<semaphore_mem>>)
    %scan3A = arith.constant 0 : i32
    %scan3A_112 = arith.constant 0 : i32
    %scan3A_113 = arith.constant 50 : i32
    %scan3A_114 = arith.addi %scan3A_112, %scan3A_113 : i32
    %scan3A_115 = arith.constant 1 : i32
    scf.for %scan3A_155 = %scan3A_112 to %scan3A_114 step %scan3A_115  : i32 {
      %mul3A_156 = arith.constant 4 : i32
      %mul3A_157 = arith.muli %mul3A_156, %scan3A_155 : i32
      %add3A_158 = arith.constant 1 : i32
      %add3A_159 = arith.addi %mul3A_157, %add3A_158 : i32
      %add3A_160 = arith.constant 2 : i32
      %add3A_161 = arith.addi %mul3A_157, %add3A_160 : i32
      %add3A_162 = arith.constant 3 : i32
      %add3A_163 = arith.addi %mul3A_157, %add3A_162 : i32
      %dma_start3A_164 = arith.constant 1 : i32
      %dma_start3A_165 = arith.constant 0 : i32
      %dma_start3A_166 = tpu.memref_slice %arg5[%dma_start3A_164, %dma_start3A_165] : memref<2x128xi32, #tpu.memory_space<vmem>> -> memref<1x128xi32, #tpu.memory_space<vmem>>
      %dma_start3A_167 = tpu.memref_squeeze %dma_start3A_166 : memref<1x128xi32, #tpu.memory_space<vmem>> -> memref<128xi32, #tpu.memory_space<vmem>>
      %dma_start3A_168 = arith.constant 0 : i32
      %dma_start3A_169 = arith.constant 0 : i32
      %dma_start3A_170 = tpu.memref_slice %arg3[%dma_start3A_168, %dma_start3A_169] : memref<1000000x64xf32, #tpu.memory_space<hbm>> -> memref<1000000x64xf32, #tpu.memory_space<hbm>>
      tpu.enqueue_indirect_dma source(%dma_start3A_170 : memref<1000000x64xf32, #tpu.memory_space<hbm>>) target(%arg8 : memref<128x64xf32, #tpu.memory_space<vmem>>) offsets(%dma_start3A_167 : memref<128xi32, #tpu.memory_space<vmem>>) semaphore(%arg13 : memref<!tpu.dma_semaphore, #tpu.memory_space<semaphore_mem>>)
      %jit3A = arith.constant 8 : i32
      %div3A = arith.divsi %add3A_161, %jit3A : i32
      %sign3A = arith.constant 0 : i32
      %sign3A_171 = arith.cmpi sgt, %add3A_161, %sign3A : i32
      %sign3A_172 = arith.extui %sign3A_171 : i1 to i32
      %sign3A_173 = arith.constant 0 : i32
      %sign3A_174 = arith.cmpi slt, %add3A_161, %sign3A_173 : i32
      %sign3A_175 = arith.extui %sign3A_174 : i1 to i32
      %sign3A_176 = arith.subi %sign3A_172, %sign3A_175 : i32
      %sign3A_177 = arith.constant 0 : i32
      %sign3A_178 = arith.cmpi sgt, %jit3A, %sign3A_177 : i32
      %sign3A_179 = arith.extui %sign3A_178 : i1 to i32
      %sign3A_180 = arith.constant 0 : i32
      %sign3A_181 = arith.cmpi slt, %jit3A, %sign3A_180 : i32
      %sign3A_182 = arith.extui %sign3A_181 : i1 to i32
      %sign3A_183 = arith.subi %sign3A_179, %sign3A_182 : i32
      %ne3A = arith.cmpi ne, %sign3A_176, %sign3A_183 : i32
      %rem3A = arith.remsi %add3A_161, %jit3A : i32
      %ne3A_184 = arith.constant 0 : i32
      %ne3A_185 = arith.cmpi ne, %rem3A, %ne3A_184 : i32
      %and3A_186 = arith.andi %ne3A, %ne3A_185 : i1
      %sub3A = arith.constant 1 : i32
      %sub3A_187 = arith.subi %div3A, %sub3A : i32
      %select_n3A = arith.select %and3A_186, %sub3A_187, %div3A : i32
      %jit3A_188 = arith.constant 8 : i32
      %eq3A = arith.constant 0 : i32
      %eq3A_189 = arith.cmpi eq, %jit3A_188, %eq3A : i32
      %jit3A_190 = arith.constant 1 : i32
      %select_n3A_191 = arith.select %eq3A_189, %jit3A_190, %jit3A_188 : i32
      %rem3A_192 = arith.remsi %add3A_161, %select_n3A_191 : i32
      %ne3A_193 = arith.constant 0 : i32
      %ne3A_194 = arith.cmpi ne, %rem3A_192, %ne3A_193 : i32
      %lt3A = arith.constant 0 : i32
      %lt3A_195 = arith.cmpi slt, %rem3A_192, %lt3A : i32
      %lt3A_196 = arith.constant 0 : i32
      %lt3A_197 = arith.cmpi slt, %select_n3A_191, %lt3A_196 : i32
      %ne3A_198 = arith.xori %lt3A_195, %lt3A_197 : i1
      %and3A_199 = arith.andi %ne3A_198, %ne3A_194 : i1
      %add3A_200 = arith.addi %rem3A_192, %select_n3A_191 : i32
      %select_n3A_201 = arith.select %and3A_199, %add3A_200, %rem3A_192 : i32
      %dma_start3A_202 = arith.constant 0 : i32
      %dma_start3A_203 = arith.constant 0 : i32
      %dma_start3A_204 = tpu.memref_slice %arg6[%dma_start3A_202, %dma_start3A_203] : memref<2x128xi32, #tpu.memory_space<vmem>> -> memref<1x128xi32, #tpu.memory_space<vmem>>
      %dma_start3A_205 = tpu.memref_squeeze %dma_start3A_204 : memref<1x128xi32, #tpu.memory_space<vmem>> -> memref<128xi32, #tpu.memory_space<vmem>>
      %dma_start3A_206 = arith.constant 0 : i32
      %dma_start3A_207 = tpu.memref_slice %arg2[%select_n3A, %add3A, %select_n3A_201, %dma_start3A_206] : memref<25x32x8x128xi32, #tpu.memory_space<hbm>> -> memref<1x1x1x128xi32, #tpu.memory_space<hbm>>
      %dma_start3A_208 = tpu.memref_squeeze %dma_start3A_207 : memref<1x1x1x128xi32, #tpu.memory_space<hbm>> -> memref<128xi32, #tpu.memory_space<hbm>>
      %dma_start3A_209 = arith.constant 0 : i32
      %dma_start3A_210 = tpu.memref_slice %arg6[%dma_start3A_202, %dma_start3A_209] : memref<2x128xi32, #tpu.memory_space<vmem>> -> memref<1x128xi32, #tpu.memory_space<vmem>>
      %dma_start3A_211 = tpu.memref_squeeze %dma_start3A_210 : memref<1x128xi32, #tpu.memory_space<vmem>> -> memref<128xi32, #tpu.memory_space<vmem>>
      %dma_start3A_212 = arith.constant 0 : i32
      %dma_start3A_213 = tpu.memref_slice %arg2[%select_n3A, %add3A, %select_n3A_201, %dma_start3A_212] : memref<25x32x8x128xi32, #tpu.memory_space<hbm>> -> memref<1x1x1x128xi32, #tpu.memory_space<hbm>>
      %dma_start3A_214 = tpu.memref_squeeze %dma_start3A_213 : memref<1x1x1x128xi32, #tpu.memory_space<hbm>> -> memref<128xi32, #tpu.memory_space<hbm>>
      tpu.enqueue_dma source(%dma_start3A_214 : memref<128xi32, #tpu.memory_space<hbm>>) target(%dma_start3A_211 : memref<128xi32, #tpu.memory_space<vmem>>) target_semaphore(%arg11 : memref<!tpu.dma_semaphore, #tpu.memory_space<semaphore_mem>>)
      %jit3A_215 = arith.constant 8 : i32
      %div3A_216 = arith.divsi %add3A_163, %jit3A_215 : i32
      %sign3A_217 = arith.constant 0 : i32
      %sign3A_218 = arith.cmpi sgt, %add3A_163, %sign3A_217 : i32
      %sign3A_219 = arith.extui %sign3A_218 : i1 to i32
      %sign3A_220 = arith.constant 0 : i32
      %sign3A_221 = arith.cmpi slt, %add3A_163, %sign3A_220 : i32
      %sign3A_222 = arith.extui %sign3A_221 : i1 to i32
      %sign3A_223 = arith.subi %sign3A_219, %sign3A_222 : i32
      %sign3A_224 = arith.constant 0 : i32
      %sign3A_225 = arith.cmpi sgt, %jit3A_215, %sign3A_224 : i32
      %sign3A_226 = arith.extui %sign3A_225 : i1 to i32
      %sign3A_227 = arith.constant 0 : i32
      %sign3A_228 = arith.cmpi slt, %jit3A_215, %sign3A_227 : i32
      %sign3A_229 = arith.extui %sign3A_228 : i1 to i32
      %sign3A_230 = arith.subi %sign3A_226, %sign3A_229 : i32
      %ne3A_231 = arith.cmpi ne, %sign3A_223, %sign3A_230 : i32
      %rem3A_232 = arith.remsi %add3A_163, %jit3A_215 : i32
      %ne3A_233 = arith.constant 0 : i32
      %ne3A_234 = arith.cmpi ne, %rem3A_232, %ne3A_233 : i32
      %and3A_235 = arith.andi %ne3A_231, %ne3A_234 : i1
      %sub3A_236 = arith.constant 1 : i32
      %sub3A_237 = arith.subi %div3A_216, %sub3A_236 : i32
      %select_n3A_238 = arith.select %and3A_235, %sub3A_237, %div3A_216 : i32
      %jit3A_239 = arith.constant 8 : i32
      %eq3A_240 = arith.constant 0 : i32
      %eq3A_241 = arith.cmpi eq, %jit3A_239, %eq3A_240 : i32
      %jit3A_242 = arith.constant 1 : i32
      %select_n3A_243 = arith.select %eq3A_241, %jit3A_242, %jit3A_239 : i32
      %rem3A_244 = arith.remsi %add3A_163, %select_n3A_243 : i32
      %ne3A_245 = arith.constant 0 : i32
      %ne3A_246 = arith.cmpi ne, %rem3A_244, %ne3A_245 : i32
      %lt3A_247 = arith.constant 0 : i32
      %lt3A_248 = arith.cmpi slt, %rem3A_244, %lt3A_247 : i32
      %lt3A_249 = arith.constant 0 : i32
      %lt3A_250 = arith.cmpi slt, %select_n3A_243, %lt3A_249 : i32
      %ne3A_251 = arith.xori %lt3A_248, %lt3A_250 : i1
      %and3A_252 = arith.andi %ne3A_251, %ne3A_246 : i1
      %add3A_253 = arith.addi %rem3A_244, %select_n3A_243 : i32
      %select_n3A_254 = arith.select %and3A_252, %add3A_253, %rem3A_244 : i32
      %dma_start3A_255 = arith.constant 1 : i32
      %dma_start3A_256 = arith.constant 0 : i32
      %dma_start3A_257 = tpu.memref_slice %arg6[%dma_start3A_255, %dma_start3A_256] : memref<2x128xi32, #tpu.memory_space<vmem>> -> memref<1x128xi32, #tpu.memory_space<vmem>>
      %dma_start3A_258 = tpu.memref_squeeze %dma_start3A_257 : memref<1x128xi32, #tpu.memory_space<vmem>> -> memref<128xi32, #tpu.memory_space<vmem>>
      %dma_start3A_259 = arith.constant 0 : i32
      %dma_start3A_260 = tpu.memref_slice %arg2[%select_n3A_238, %add3A, %select_n3A_254, %dma_start3A_259] : memref<25x32x8x128xi32, #tpu.memory_space<hbm>> -> memref<1x1x1x128xi32, #tpu.memory_space<hbm>>
      %dma_start3A_261 = tpu.memref_squeeze %dma_start3A_260 : memref<1x1x1x128xi32, #tpu.memory_space<hbm>> -> memref<128xi32, #tpu.memory_space<hbm>>
      %dma_start3A_262 = arith.constant 0 : i32
      %dma_start3A_263 = tpu.memref_slice %arg6[%dma_start3A_255, %dma_start3A_262] : memref<2x128xi32, #tpu.memory_space<vmem>> -> memref<1x128xi32, #tpu.memory_space<vmem>>
      %dma_start3A_264 = tpu.memref_squeeze %dma_start3A_263 : memref<1x128xi32, #tpu.memory_space<vmem>> -> memref<128xi32, #tpu.memory_space<vmem>>
      %dma_start3A_265 = arith.constant 0 : i32
      %dma_start3A_266 = tpu.memref_slice %arg2[%select_n3A_238, %add3A, %select_n3A_254, %dma_start3A_265] : memref<25x32x8x128xi32, #tpu.memory_space<hbm>> -> memref<1x1x1x128xi32, #tpu.memory_space<hbm>>
      %dma_start3A_267 = tpu.memref_squeeze %dma_start3A_266 : memref<1x1x1x128xi32, #tpu.memory_space<hbm>> -> memref<128xi32, #tpu.memory_space<hbm>>
      tpu.enqueue_dma source(%dma_start3A_267 : memref<128xi32, #tpu.memory_space<hbm>>) target(%dma_start3A_264 : memref<128xi32, #tpu.memory_space<vmem>>) target_semaphore(%arg11 : memref<!tpu.dma_semaphore, #tpu.memory_space<semaphore_mem>>)
      %dma_wait3A_268 = arith.constant 0 : i32
      %dma_wait3A_269 = arith.constant 0 : i32
      %dma_wait3A_270 = tpu.memref_slice %arg5[%dma_wait3A_268, %dma_wait3A_269] : memref<2x128xi32, #tpu.memory_space<vmem>> -> memref<1x128xi32, #tpu.memory_space<vmem>>
      %dma_wait3A_271 = tpu.memref_squeeze %dma_wait3A_270 : memref<1x128xi32, #tpu.memory_space<vmem>> -> memref<128xi32, #tpu.memory_space<vmem>>
      %dma_wait3A_272 = arith.constant 0 : i32
      %dma_wait3A_273 = arith.constant 0 : i32
      %dma_wait3A_274 = tpu.memref_slice %arg3[%dma_wait3A_272, %dma_wait3A_273] : memref<1000000x64xf32, #tpu.memory_space<hbm>> -> memref<1000000x64xf32, #tpu.memory_space<hbm>>
      tpu.wait_indirect_dma semaphore(%arg12 : memref<!tpu.dma_semaphore, #tpu.memory_space<semaphore_mem>>) src(%dma_wait3A_274 : memref<1000000x64xf32, #tpu.memory_space<hbm>>) dst(%arg7 : memref<128x64xf32, #tpu.memory_space<vmem>>)
      %gt3A = arith.constant 0 : i32
      %gt3A_275 = arith.cmpi sgt, %scan3A_155, %gt3A : i32
      %convert_element_type3A = arith.extui %gt3A_275 : i1 to i32
      %cond3A = arith.constant 0 : i32
      %cond3A_276 = arith.cmpi ne, %convert_element_type3A, %cond3A : i32
      scf.if %cond3A_276 {
        %dma_wait3A_577 = arith.constant 0 : i32
        %dma_wait3A_578 = arith.constant 0 : i32
        %dma_wait3A_579 = arith.constant 0 : i32
        %dma_wait3A_580 = tpu.memref_slice %arg9[%dma_wait3A_577, %dma_wait3A_578, %dma_wait3A_579] : memref<8x8x129xf32, #tpu.memory_space<vmem>> -> memref<8x8x128xf32, #tpu.memory_space<vmem>>
        %dma_wait3A_581 = arith.constant 0 : i32
        %dma_wait3A_582 = arith.constant 0 : i32
        %dma_wait3A_583 = arith.constant 0 : i32
        %dma_wait3A_584 = tpu.memref_slice %arg4[%mul3A_157, %dma_wait3A_581, %add3A, %dma_wait3A_582, %dma_wait3A_583] : memref<200x8x32x8x128xf32, #tpu.memory_space<hbm>> -> memref<1x8x1x8x128xf32, #tpu.memory_space<hbm>>
        %dma_wait3A_585 = tpu.memref_squeeze %dma_wait3A_584 : memref<1x8x1x8x128xf32, #tpu.memory_space<hbm>> -> memref<8x8x128xf32, #tpu.memory_space<hbm>>
        %dma_wait3A_586 = arith.constant 0 : i32
        %dma_wait3A_587 = arith.constant 0 : i32
        %dma_wait3A_588 = arith.constant 0 : i32
        %dma_wait3A_589 = tpu.memref_slice %arg4[%mul3A_157, %dma_wait3A_586, %add3A, %dma_wait3A_587, %dma_wait3A_588] : memref<200x8x32x8x128xf32, #tpu.memory_space<hbm>> -> memref<1x8x1x8x128xf32, #tpu.memory_space<hbm>>
        %dma_wait3A_590 = tpu.memref_squeeze %dma_wait3A_589 : memref<1x8x1x8x128xf32, #tpu.memory_space<hbm>> -> memref<8x8x128xf32, #tpu.memory_space<hbm>>
        %dma_wait3A_591 = arith.constant 0 : i32
        %dma_wait3A_592 = arith.constant 0 : i32
        %dma_wait3A_593 = arith.constant 0 : i32
        %dma_wait3A_594 = tpu.memref_slice %arg9[%dma_wait3A_591, %dma_wait3A_592, %dma_wait3A_593] : memref<8x8x129xf32, #tpu.memory_space<vmem>> -> memref<8x8x128xf32, #tpu.memory_space<vmem>>
        tpu.wait_dma2 semaphore(%arg14 : memref<!tpu.dma_semaphore, #tpu.memory_space<semaphore_mem>>) src(%dma_wait3A_594 : memref<8x8x128xf32, #tpu.memory_space<vmem>>) dst(%dma_wait3A_590 : memref<8x8x128xf32, #tpu.memory_space<hbm>>)
      } else {
      }
      %mul3A_277 = arith.constant 0 : i32
      %mul3A_278 = vector.broadcast %mul3A_277 : i32 to vector<16xi32>
      %mul3A_279 = arith.muli %iota3A, %mul3A_278 : vector<16xi32>
      %scan3A_280 = arith.constant 0 : i32
      %scan3A_281 = arith.constant 16 : i32
      %scan3A_282 = arith.addi %scan3A_280, %scan3A_281 : i32
      %scan3A_283 = arith.constant 1 : i32
      %scan3A_284 = scf.for %scan3A_577 = %scan3A_280 to %scan3A_282 step %scan3A_283 iter_args(%scan3A_578 = %mul3A_279) -> (vector<16xi32>)  : i32 {
        %mul3A_579 = arith.constant 8 : i32
        %mul3A_580 = arith.muli %scan3A_577, %mul3A_579 : i32
        %add3A_581 = arith.constant 0 : i32
        %add3A_582 = arith.addi %mul3A_580, %add3A_581 : i32
        %get3A = arith.index_cast %add3A_582 : i32 to index
        %get3A_583 = arith.constant 0 : index
        %get3A_584 = tpu.vector_load %arg7[%get3A, %get3A_583] {strides = array<i32>} : memref<128x64xf32, #tpu.memory_space<vmem>>, vector<16xf32>,
        tpu.vector_store_idx %arg9[%shift_right_arithmetic3A_5, %and3A_28, %scan3A_578], %get3A_584 : memref<8x8x129xf32, #tpu.memory_space<vmem>>[vector<16xi32>, vector<16xi32>, vector<16xi32>], vector<16xf32>,
        %mul3A_585 = arith.constant 8 : i32
        %mul3A_586 = arith.muli %scan3A_577, %mul3A_585 : i32
        %add3A_587 = arith.constant 0 : i32
        %add3A_588 = arith.addi %mul3A_586, %add3A_587 : i32
        %get3A_589 = arith.index_cast %add3A_588 : i32 to index
        %get3A_590 = arith.constant 16 : index
        %get3A_591 = tpu.vector_load %arg7[%get3A_589, %get3A_590] {strides = array<i32>} : memref<128x64xf32, #tpu.memory_space<vmem>>, vector<16xf32>,
        tpu.vector_store_idx %arg9[%shift_right_arithmetic3A_11, %and3A_34, %scan3A_578], %get3A_591 : memref<8x8x129xf32, #tpu.memory_space<vmem>>[vector<16xi32>, vector<16xi32>, vector<16xi32>], vector<16xf32>,
        %mul3A_592 = arith.constant 8 : i32
        %mul3A_593 = arith.muli %scan3A_577, %mul3A_592 : i32
        %add3A_594 = arith.constant 0 : i32
        %add3A_595 = arith.addi %mul3A_593, %add3A_594 : i32
        %get3A_596 = arith.index_cast %add3A_595 : i32 to index
        %get3A_597 = arith.constant 32 : index
        %get3A_598 = tpu.vector_load %arg7[%get3A_596, %get3A_597] {strides = array<i32>} : memref<128x64xf32, #tpu.memory_space<vmem>>, vector<16xf32>,
        tpu.vector_store_idx %arg9[%shift_right_arithmetic3A_17, %and3A_40, %scan3A_578], %get3A_598 : memref<8x8x129xf32, #tpu.memory_space<vmem>>[vector<16xi32>, vector<16xi32>, vector<16xi32>], vector<16xf32>,
        %mul3A_599 = arith.constant 8 : i32
        %mul3A_600 = arith.muli %scan3A_577, %mul3A_599 : i32
        %add3A_601 = arith.constant 0 : i32
        %add3A_602 = arith.addi %mul3A_600, %add3A_601 : i32
        %get3A_603 = arith.index_cast %add3A_602 : i32 to index
        %get3A_604 = arith.constant 48 : index
        %get3A_605 = tpu.vector_load %arg7[%get3A_603, %get3A_604] {strides = array<i32>} : memref<128x64xf32, #tpu.memory_space<vmem>>, vector<16xf32>,
        tpu.vector_store_idx %arg9[%shift_right_arithmetic3A_23, %and3A_46, %scan3A_578], %get3A_605 : memref<8x8x129xf32, #tpu.memory_space<vmem>>[vector<16xi32>, vector<16xi32>, vector<16xi32>], vector<16xf32>,
        %add3A_606 = arith.constant 1 : i32
        %add3A_607 = vector.broadcast %add3A_606 : i32 to vector<16xi32>
        %add3A_608 = arith.addi %scan3A_578, %add3A_607 : vector<16xi32>
        %mul3A_609 = arith.constant 8 : i32
        %mul3A_610 = arith.muli %scan3A_577, %mul3A_609 : i32
        %add3A_611 = arith.constant 1 : i32
        %add3A_612 = arith.addi %mul3A_610, %add3A_611 : i32
        %get3A_613 = arith.index_cast %add3A_612 : i32 to index
        %get3A_614 = arith.constant 0 : index
        %get3A_615 = tpu.vector_load %arg7[%get3A_613, %get3A_614] {strides = array<i32>} : memref<128x64xf32, #tpu.memory_space<vmem>>, vector<16xf32>,
        tpu.vector_store_idx %arg9[%shift_right_arithmetic3A_5, %and3A_28, %add3A_608], %get3A_615 : memref<8x8x129xf32, #tpu.memory_space<vmem>>[vector<16xi32>, vector<16xi32>, vector<16xi32>], vector<16xf32>,
        %mul3A_616 = arith.constant 8 : i32
        %mul3A_617 = arith.muli %scan3A_577, %mul3A_616 : i32
        %add3A_618 = arith.constant 1 : i32
        %add3A_619 = arith.addi %mul3A_617, %add3A_618 : i32
        %get3A_620 = arith.index_cast %add3A_619 : i32 to index
        %get3A_621 = arith.constant 16 : index
        %get3A_622 = tpu.vector_load %arg7[%get3A_620, %get3A_621] {strides = array<i32>} : memref<128x64xf32, #tpu.memory_space<vmem>>, vector<16xf32>,
        tpu.vector_store_idx %arg9[%shift_right_arithmetic3A_11, %and3A_34, %add3A_608], %get3A_622 : memref<8x8x129xf32, #tpu.memory_space<vmem>>[vector<16xi32>, vector<16xi32>, vector<16xi32>], vector<16xf32>,
        %mul3A_623 = arith.constant 8 : i32
        %mul3A_624 = arith.muli %scan3A_577, %mul3A_623 : i32
        %add3A_625 = arith.constant 1 : i32
        %add3A_626 = arith.addi %mul3A_624, %add3A_625 : i32
        %get3A_627 = arith.index_cast %add3A_626 : i32 to index
        %get3A_628 = arith.constant 32 : index
        %get3A_629 = tpu.vector_load %arg7[%get3A_627, %get3A_628] {strides = array<i32>} : memref<128x64xf32, #tpu.memory_space<vmem>>, vector<16xf32>,
        tpu.vector_store_idx %arg9[%shift_right_arithmetic3A_17, %and3A_40, %add3A_608], %get3A_629 : memref<8x8x129xf32, #tpu.memory_space<vmem>>[vector<16xi32>, vector<16xi32>, vector<16xi32>], vector<16xf32>,
        %mul3A_630 = arith.constant 8 : i32
        %mul3A_631 = arith.muli %scan3A_577, %mul3A_630 : i32
        %add3A_632 = arith.constant 1 : i32
        %add3A_633 = arith.addi %mul3A_631, %add3A_632 : i32
        %get3A_634 = arith.index_cast %add3A_633 : i32 to index
        %get3A_635 = arith.constant 48 : index
        %get3A_636 = tpu.vector_load %arg7[%get3A_634, %get3A_635] {strides = array<i32>} : memref<128x64xf32, #tpu.memory_space<vmem>>, vector<16xf32>,
        tpu.vector_store_idx %arg9[%shift_right_arithmetic3A_23, %and3A_46, %add3A_608], %get3A_636 : memref<8x8x129xf32, #tpu.memory_space<vmem>>[vector<16xi32>, vector<16xi32>, vector<16xi32>], vector<16xf32>,
        %add3A_637 = arith.constant 1 : i32
        %add3A_638 = vector.broadcast %add3A_637 : i32 to vector<16xi32>
        %add3A_639 = arith.addi %add3A_608, %add3A_638 : vector<16xi32>
        %mul3A_640 = arith.constant 8 : i32
        %mul3A_641 = arith.muli %scan3A_577, %mul3A_640 : i32
        %add3A_642 = arith.constant 2 : i32
        %add3A_643 = arith.addi %mul3A_641, %add3A_642 : i32
        %get3A_644 = arith.index_cast %add3A_643 : i32 to index
        %get3A_645 = arith.constant 0 : index
        %get3A_646 = tpu.vector_load %arg7[%get3A_644, %get3A_645] {strides = array<i32>} : memref<128x64xf32, #tpu.memory_space<vmem>>, vector<16xf32>,
        tpu.vector_store_idx %arg9[%shift_right_arithmetic3A_5, %and3A_28, %add3A_639], %get3A_646 : memref<8x8x129xf32, #tpu.memory_space<vmem>>[vector<16xi32>, vector<16xi32>, vector<16xi32>], vector<16xf32>,
        %mul3A_647 = arith.constant 8 : i32
        %mul3A_648 = arith.muli %scan3A_577, %mul3A_647 : i32
        %add3A_649 = arith.constant 2 : i32
        %add3A_650 = arith.addi %mul3A_648, %add3A_649 : i32
        %get3A_651 = arith.index_cast %add3A_650 : i32 to index
        %get3A_652 = arith.constant 16 : index
        %get3A_653 = tpu.vector_load %arg7[%get3A_651, %get3A_652] {strides = array<i32>} : memref<128x64xf32, #tpu.memory_space<vmem>>, vector<16xf32>,
        tpu.vector_store_idx %arg9[%shift_right_arithmetic3A_11, %and3A_34, %add3A_639], %get3A_653 : memref<8x8x129xf32, #tpu.memory_space<vmem>>[vector<16xi32>, vector<16xi32>, vector<16xi32>], vector<16xf32>,
        %mul3A_654 = arith.constant 8 : i32
        %mul3A_655 = arith.muli %scan3A_577, %mul3A_654 : i32
        %add3A_656 = arith.constant 2 : i32
        %add3A_657 = arith.addi %mul3A_655, %add3A_656 : i32
        %get3A_658 = arith.index_cast %add3A_657 : i32 to index
        %get3A_659 = arith.constant 32 : index
        %get3A_660 = tpu.vector_load %arg7[%get3A_658, %get3A_659] {strides = array<i32>} : memref<128x64xf32, #tpu.memory_space<vmem>>, vector<16xf32>,
        tpu.vector_store_idx %arg9[%shift_right_arithmetic3A_17, %and3A_40, %add3A_639], %get3A_660 : memref<8x8x129xf32, #tpu.memory_space<vmem>>[vector<16xi32>, vector<16xi32>, vector<16xi32>], vector<16xf32>,
        %mul3A_661 = arith.constant 8 : i32
        %mul3A_662 = arith.muli %scan3A_577, %mul3A_661 : i32
        %add3A_663 = arith.constant 2 : i32
        %add3A_664 = arith.addi %mul3A_662, %add3A_663 : i32
        %get3A_665 = arith.index_cast %add3A_664 : i32 to index
        %get3A_666 = arith.constant 48 : index
        %get3A_667 = tpu.vector_load %arg7[%get3A_665, %get3A_666] {strides = array<i32>} : memref<128x64xf32, #tpu.memory_space<vmem>>, vector<16xf32>,
        tpu.vector_store_idx %arg9[%shift_right_arithmetic3A_23, %and3A_46, %add3A_639], %get3A_667 : memref<8x8x129xf32, #tpu.memory_space<vmem>>[vector<16xi32>, vector<16xi32>, vector<16xi32>], vector<16xf32>,
        %add3A_668 = arith.constant 1 : i32
        %add3A_669 = vector.broadcast %add3A_668 : i32 to vector<16xi32>
        %add3A_670 = arith.addi %add3A_639, %add3A_669 : vector<16xi32>
        %mul3A_671 = arith.constant 8 : i32
        %mul3A_672 = arith.muli %scan3A_577, %mul3A_671 : i32
        %add3A_673 = arith.constant 3 : i32
        %add3A_674 = arith.addi %mul3A_672, %add3A_673 : i32
        %get3A_675 = arith.index_cast %add3A_674 : i32 to index
        %get3A_676 = arith.constant 0 : index
        %get3A_677 = tpu.vector_load %arg7[%get3A_675, %get3A_676] {strides = array<i32>} : memref<128x64xf32, #tpu.memory_space<vmem>>, vector<16xf32>,
        tpu.vector_store_idx %arg9[%shift_right_arithmetic3A_5, %and3A_28, %add3A_670], %get3A_677 : memref<8x8x129xf32, #tpu.memory_space<vmem>>[vector<16xi32>, vector<16xi32>, vector<16xi32>], vector<16xf32>,
        %mul3A_678 = arith.constant 8 : i32
        %mul3A_679 = arith.muli %scan3A_577, %mul3A_678 : i32
        %add3A_680 = arith.constant 3 : i32
        %add3A_681 = arith.addi %mul3A_679, %add3A_680 : i32
        %get3A_682 = arith.index_cast %add3A_681 : i32 to index
        %get3A_683 = arith.constant 16 : index
        %get3A_684 = tpu.vector_load %arg7[%get3A_682, %get3A_683] {strides = array<i32>} : memref<128x64xf32, #tpu.memory_space<vmem>>, vector<16xf32>,
        tpu.vector_store_idx %arg9[%shift_right_arithmetic3A_11, %and3A_34, %add3A_670], %get3A_684 : memref<8x8x129xf32, #tpu.memory_space<vmem>>[vector<16xi32>, vector<16xi32>, vector<16xi32>], vector<16xf32>,
        %mul3A_685 = arith.constant 8 : i32
        %mul3A_686 = arith.muli %scan3A_577, %mul3A_685 : i32
        %add3A_687 = arith.constant 3 : i32
        %add3A_688 = arith.addi %mul3A_686, %add3A_687 : i32
        %get3A_689 = arith.index_cast %add3A_688 : i32 to index
        %get3A_690 = arith.constant 32 : index
        %get3A_691 = tpu.vector_load %arg7[%get3A_689, %get3A_690] {strides = array<i32>} : memref<128x64xf32, #tpu.memory_space<vmem>>, vector<16xf32>,
        tpu.vector_store_idx %arg9[%shift_right_arithmetic3A_17, %and3A_40, %add3A_670], %get3A_691 : memref<8x8x129xf32, #tpu.memory_space<vmem>>[vector<16xi32>, vector<16xi32>, vector<16xi32>], vector<16xf32>,
        %mul3A_692 = arith.constant 8 : i32
        %mul3A_693 = arith.muli %scan3A_577, %mul3A_692 : i32
        %add3A_694 = arith.constant 3 : i32
        %add3A_695 = arith.addi %mul3A_693, %add3A_694 : i32
        %get3A_696 = arith.index_cast %add3A_695 : i32 to index
        %get3A_697 = arith.constant 48 : index
        %get3A_698 = tpu.vector_load %arg7[%get3A_696, %get3A_697] {strides = array<i32>} : memref<128x64xf32, #tpu.memory_space<vmem>>, vector<16xf32>,
        tpu.vector_store_idx %arg9[%shift_right_arithmetic3A_23, %and3A_46, %add3A_670], %get3A_698 : memref<8x8x129xf32, #tpu.memory_space<vmem>>[vector<16xi32>, vector<16xi32>, vector<16xi32>], vector<16xf32>,
        %add3A_699 = arith.constant 1 : i32
        %add3A_700 = vector.broadcast %add3A_699 : i32 to vector<16xi32>
        %add3A_701 = arith.addi %add3A_670, %add3A_700 : vector<16xi32>
        %mul3A_702 = arith.constant 8 : i32
        %mul3A_703 = arith.muli %scan3A_577, %mul3A_702 : i32
        %add3A_704 = arith.constant 4 : i32
        %add3A_705 = arith.addi %mul3A_703, %add3A_704 : i32
        %get3A_706 = arith.index_cast %add3A_705 : i32 to index
        %get3A_707 = arith.constant 0 : index
        %get3A_708 = tpu.vector_load %arg7[%get3A_706, %get3A_707] {strides = array<i32>} : memref<128x64xf32, #tpu.memory_space<vmem>>, vector<16xf32>,
        tpu.vector_store_idx %arg9[%shift_right_arithmetic3A_5, %and3A_28, %add3A_701], %get3A_708 : memref<8x8x129xf32, #tpu.memory_space<vmem>>[vector<16xi32>, vector<16xi32>, vector<16xi32>], vector<16xf32>,
        %mul3A_709 = arith.constant 8 : i32
        %mul3A_710 = arith.muli %scan3A_577, %mul3A_709 : i32
        %add3A_711 = arith.constant 4 : i32
        %add3A_712 = arith.addi %mul3A_710, %add3A_711 : i32
        %get3A_713 = arith.index_cast %add3A_712 : i32 to index
        %get3A_714 = arith.constant 16 : index
        %get3A_715 = tpu.vector_load %arg7[%get3A_713, %get3A_714] {strides = array<i32>} : memref<128x64xf32, #tpu.memory_space<vmem>>, vector<16xf32>,
        tpu.vector_store_idx %arg9[%shift_right_arithmetic3A_11, %and3A_34, %add3A_701], %get3A_715 : memref<8x8x129xf32, #tpu.memory_space<vmem>>[vector<16xi32>, vector<16xi32>, vector<16xi32>], vector<16xf32>,
        %mul3A_716 = arith.constant 8 : i32
        %mul3A_717 = arith.muli %scan3A_577, %mul3A_716 : i32
        %add3A_718 = arith.constant 4 : i32
        %add3A_719 = arith.addi %mul3A_717, %add3A_718 : i32
        %get3A_720 = arith.index_cast %add3A_719 : i32 to index
        %get3A_721 = arith.constant 32 : index
        %get3A_722 = tpu.vector_load %arg7[%get3A_720, %get3A_721] {strides = array<i32>} : memref<128x64xf32, #tpu.memory_space<vmem>>, vector<16xf32>,
        tpu.vector_store_idx %arg9[%shift_right_arithmetic3A_17, %and3A_40, %add3A_701], %get3A_722 : memref<8x8x129xf32, #tpu.memory_space<vmem>>[vector<16xi32>, vector<16xi32>, vector<16xi32>], vector<16xf32>,
        %mul3A_723 = arith.constant 8 : i32
        %mul3A_724 = arith.muli %scan3A_577, %mul3A_723 : i32
        %add3A_725 = arith.constant 4 : i32
        %add3A_726 = arith.addi %mul3A_724, %add3A_725 : i32
        %get3A_727 = arith.index_cast %add3A_726 : i32 to index
        %get3A_728 = arith.constant 48 : index
        %get3A_729 = tpu.vector_load %arg7[%get3A_727, %get3A_728] {strides = array<i32>} : memref<128x64xf32, #tpu.memory_space<vmem>>, vector<16xf32>,
        tpu.vector_store_idx %arg9[%shift_right_arithmetic3A_23, %and3A_46, %add3A_701], %get3A_729 : memref<8x8x129xf32, #tpu.memory_space<vmem>>[vector<16xi32>, vector<16xi32>, vector<16xi32>], vector<16xf32>,
        %add3A_730 = arith.constant 1 : i32
        %add3A_731 = vector.broadcast %add3A_730 : i32 to vector<16xi32>
        %add3A_732 = arith.addi %add3A_701, %add3A_731 : vector<16xi32>
        %mul3A_733 = arith.constant 8 : i32
        %mul3A_734 = arith.muli %scan3A_577, %mul3A_733 : i32
        %add3A_735 = arith.constant 5 : i32
        %add3A_736 = arith.addi %mul3A_734, %add3A_735 : i32
        %get3A_737 = arith.index_cast %add3A_736 : i32 to index
        %get3A_738 = arith.constant 0 : index
        %get3A_739 = tpu.vector_load %arg7[%get3A_737, %get3A_738] {strides = array<i32>} : memref<128x64xf32, #tpu.memory_space<vmem>>, vector<16xf32>,
        tpu.vector_store_idx %arg9[%shift_right_arithmetic3A_5, %and3A_28, %add3A_732], %get3A_739 : memref<8x8x129xf32, #tpu.memory_space<vmem>>[vector<16xi32>, vector<16xi32>, vector<16xi32>], vector<16xf32>,
        %mul3A_740 = arith.constant 8 : i32
        %mul3A_741 = arith.muli %scan3A_577, %mul3A_740 : i32
        %add3A_742 = arith.constant 5 : i32
        %add3A_743 = arith.addi %mul3A_741, %add3A_742 : i32
        %get3A_744 = arith.index_cast %add3A_743 : i32 to index
        %get3A_745 = arith.constant 16 : index
        %get3A_746 = tpu.vector_load %arg7[%get3A_744, %get3A_745] {strides = array<i32>} : memref<128x64xf32, #tpu.memory_space<vmem>>, vector<16xf32>,
        tpu.vector_store_idx %arg9[%shift_right_arithmetic3A_11, %and3A_34, %add3A_732], %get3A_746 : memref<8x8x129xf32, #tpu.memory_space<vmem>>[vector<16xi32>, vector<16xi32>, vector<16xi32>], vector<16xf32>,
        %mul3A_747 = arith.constant 8 : i32
        %mul3A_748 = arith.muli %scan3A_577, %mul3A_747 : i32
        %add3A_749 = arith.constant 5 : i32
        %add3A_750 = arith.addi %mul3A_748, %add3A_749 : i32
        %get3A_751 = arith.index_cast %add3A_750 : i32 to index
        %get3A_752 = arith.constant 32 : index
        %get3A_753 = tpu.vector_load %arg7[%get3A_751, %get3A_752] {strides = array<i32>} : memref<128x64xf32, #tpu.memory_space<vmem>>, vector<16xf32>,
        tpu.vector_store_idx %arg9[%shift_right_arithmetic3A_17, %and3A_40, %add3A_732], %get3A_753 : memref<8x8x129xf32, #tpu.memory_space<vmem>>[vector<16xi32>, vector<16xi32>, vector<16xi32>], vector<16xf32>,
        %mul3A_754 = arith.constant 8 : i32
        %mul3A_755 = arith.muli %scan3A_577, %mul3A_754 : i32
        %add3A_756 = arith.constant 5 : i32
        %add3A_757 = arith.addi %mul3A_755, %add3A_756 : i32
        %get3A_758 = arith.index_cast %add3A_757 : i32 to index
        %get3A_759 = arith.constant 48 : index
        %get3A_760 = tpu.vector_load %arg7[%get3A_758, %get3A_759] {strides = array<i32>} : memref<128x64xf32, #tpu.memory_space<vmem>>, vector<16xf32>,
        tpu.vector_store_idx %arg9[%shift_right_arithmetic3A_23, %and3A_46, %add3A_732], %get3A_760 : memref<8x8x129xf32, #tpu.memory_space<vmem>>[vector<16xi32>, vector<16xi32>, vector<16xi32>], vector<16xf32>,
        %add3A_761 = arith.constant 1 : i32
        %add3A_762 = vector.broadcast %add3A_761 : i32 to vector<16xi32>
        %add3A_763 = arith.addi %add3A_732, %add3A_762 : vector<16xi32>
        %mul3A_764 = arith.constant 8 : i32
        %mul3A_765 = arith.muli %scan3A_577, %mul3A_764 : i32
        %add3A_766 = arith.constant 6 : i32
        %add3A_767 = arith.addi %mul3A_765, %add3A_766 : i32
        %get3A_768 = arith.index_cast %add3A_767 : i32 to index
        %get3A_769 = arith.constant 0 : index
        %get3A_770 = tpu.vector_load %arg7[%get3A_768, %get3A_769] {strides = array<i32>} : memref<128x64xf32, #tpu.memory_space<vmem>>, vector<16xf32>,
        tpu.vector_store_idx %arg9[%shift_right_arithmetic3A_5, %and3A_28, %add3A_763], %get3A_770 : memref<8x8x129xf32, #tpu.memory_space<vmem>>[vector<16xi32>, vector<16xi32>, vector<16xi32>], vector<16xf32>,
        %mul3A_771 = arith.constant 8 : i32
        %mul3A_772 = arith.muli %scan3A_577, %mul3A_771 : i32
        %add3A_773 = arith.constant 6 : i32
        %add3A_774 = arith.addi %mul3A_772, %add3A_773 : i32
        %get3A_775 = arith.index_cast %add3A_774 : i32 to index
        %get3A_776 = arith.constant 16 : index
        %get3A_777 = tpu.vector_load %arg7[%get3A_775, %get3A_776] {strides = array<i32>} : memref<128x64xf32, #tpu.memory_space<vmem>>, vector<16xf32>,
        tpu.vector_store_idx %arg9[%shift_right_arithmetic3A_11, %and3A_34, %add3A_763], %get3A_777 : memref<8x8x129xf32, #tpu.memory_space<vmem>>[vector<16xi32>, vector<16xi32>, vector<16xi32>], vector<16xf32>,
        %mul3A_778 = arith.constant 8 : i32
        %mul3A_779 = arith.muli %scan3A_577, %mul3A_778 : i32
        %add3A_780 = arith.constant 6 : i32
        %add3A_781 = arith.addi %mul3A_779, %add3A_780 : i32
        %get3A_782 = arith.index_cast %add3A_781 : i32 to index
        %get3A_783 = arith.constant 32 : index
        %get3A_784 = tpu.vector_load %arg7[%get3A_782, %get3A_783] {strides = array<i32>} : memref<128x64xf32, #tpu.memory_space<vmem>>, vector<16xf32>,
        tpu.vector_store_idx %arg9[%shift_right_arithmetic3A_17, %and3A_40, %add3A_763], %get3A_784 : memref<8x8x129xf32, #tpu.memory_space<vmem>>[vector<16xi32>, vector<16xi32>, vector<16xi32>], vector<16xf32>,
        %mul3A_785 = arith.constant 8 : i32
        %mul3A_786 = arith.muli %scan3A_577, %mul3A_785 : i32
        %add3A_787 = arith.constant 6 : i32
        %add3A_788 = arith.addi %mul3A_786, %add3A_787 : i32
        %get3A_789 = arith.index_cast %add3A_788 : i32 to index
        %get3A_790 = arith.constant 48 : index
        %get3A_791 = tpu.vector_load %arg7[%get3A_789, %get3A_790] {strides = array<i32>} : memref<128x64xf32, #tpu.memory_space<vmem>>, vector<16xf32>,
        tpu.vector_store_idx %arg9[%shift_right_arithmetic3A_23, %and3A_46, %add3A_763], %get3A_791 : memref<8x8x129xf32, #tpu.memory_space<vmem>>[vector<16xi32>, vector<16xi32>, vector<16xi32>], vector<16xf32>,
        %add3A_792 = arith.constant 1 : i32
        %add3A_793 = vector.broadcast %add3A_792 : i32 to vector<16xi32>
        %add3A_794 = arith.addi %add3A_763, %add3A_793 : vector<16xi32>
        %mul3A_795 = arith.constant 8 : i32
        %mul3A_796 = arith.muli %scan3A_577, %mul3A_795 : i32
        %add3A_797 = arith.constant 7 : i32
        %add3A_798 = arith.addi %mul3A_796, %add3A_797 : i32
        %get3A_799 = arith.index_cast %add3A_798 : i32 to index
        %get3A_800 = arith.constant 0 : index
        %get3A_801 = tpu.vector_load %arg7[%get3A_799, %get3A_800] {strides = array<i32>} : memref<128x64xf32, #tpu.memory_space<vmem>>, vector<16xf32>,
        tpu.vector_store_idx %arg9[%shift_right_arithmetic3A_5, %and3A_28, %add3A_794], %get3A_801 : memref<8x8x129xf32, #tpu.memory_space<vmem>>[vector<16xi32>, vector<16xi32>, vector<16xi32>], vector<16xf32>,
        %mul3A_802 = arith.constant 8 : i32
        %mul3A_803 = arith.muli %scan3A_577, %mul3A_802 : i32
        %add3A_804 = arith.constant 7 : i32
        %add3A_805 = arith.addi %mul3A_803, %add3A_804 : i32
        %get3A_806 = arith.index_cast %add3A_805 : i32 to index
        %get3A_807 = arith.constant 16 : index
        %get3A_808 = tpu.vector_load %arg7[%get3A_806, %get3A_807] {strides = array<i32>} : memref<128x64xf32, #tpu.memory_space<vmem>>, vector<16xf32>,
        tpu.vector_store_idx %arg9[%shift_right_arithmetic3A_11, %and3A_34, %add3A_794], %get3A_808 : memref<8x8x129xf32, #tpu.memory_space<vmem>>[vector<16xi32>, vector<16xi32>, vector<16xi32>], vector<16xf32>,
        %mul3A_809 = arith.constant 8 : i32
        %mul3A_810 = arith.muli %scan3A_577, %mul3A_809 : i32
        %add3A_811 = arith.constant 7 : i32
        %add3A_812 = arith.addi %mul3A_810, %add3A_811 : i32
        %get3A_813 = arith.index_cast %add3A_812 : i32 to index
        %get3A_814 = arith.constant 32 : index
        %get3A_815 = tpu.vector_load %arg7[%get3A_813, %get3A_814] {strides = array<i32>} : memref<128x64xf32, #tpu.memory_space<vmem>>, vector<16xf32>,
        tpu.vector_store_idx %arg9[%shift_right_arithmetic3A_17, %and3A_40, %add3A_794], %get3A_815 : memref<8x8x129xf32, #tpu.memory_space<vmem>>[vector<16xi32>, vector<16xi32>, vector<16xi32>], vector<16xf32>,
        %mul3A_816 = arith.constant 8 : i32
        %mul3A_817 = arith.muli %scan3A_577, %mul3A_816 : i32
        %add3A_818 = arith.constant 7 : i32
        %add3A_819 = arith.addi %mul3A_817, %add3A_818 : i32
        %get3A_820 = arith.index_cast %add3A_819 : i32 to index
        %get3A_821 = arith.constant 48 : index
        %get3A_822 = tpu.vector_load %arg7[%get3A_820, %get3A_821] {strides = array<i32>} : memref<128x64xf32, #tpu.memory_space<vmem>>, vector<16xf32>,
        tpu.vector_store_idx %arg9[%shift_right_arithmetic3A_23, %and3A_46, %add3A_794], %get3A_822 : memref<8x8x129xf32, #tpu.memory_space<vmem>>[vector<16xi32>, vector<16xi32>, vector<16xi32>], vector<16xf32>,
        %add3A_823 = arith.constant 1 : i32
        %add3A_824 = vector.broadcast %add3A_823 : i32 to vector<16xi32>
        %add3A_825 = arith.addi %add3A_794, %add3A_824 : vector<16xi32>
        scf.yield %add3A_825 : vector<16xi32>
      }
      %scan3A_285 = arith.constant 16 : i32
      %dma_start3A_286 = arith.constant 0 : i32
      %dma_start3A_287 = arith.constant 0 : i32
      %dma_start3A_288 = arith.constant 0 : i32
      %dma_start3A_289 = tpu.memref_slice %arg9[%dma_start3A_286, %dma_start3A_287, %dma_start3A_288] : memref<8x8x129xf32, #tpu.memory_space<vmem>> -> memref<8x8x128xf32, #tpu.memory_space<vmem>>
      %dma_start3A_290 = arith.constant 0 : i32
      %dma_start3A_291 = arith.constant 0 : i32
      %dma_start3A_292 = arith.constant 0 : i32
      %dma_start3A_293 = tpu.memref_slice %arg4[%mul3A_157, %dma_start3A_290, %add3A, %dma_start3A_291, %dma_start3A_292] : memref<200x8x32x8x128xf32, #tpu.memory_space<hbm>> -> memref<1x8x1x8x128xf32, #tpu.memory_space<hbm>>
      %dma_start3A_294 = tpu.memref_squeeze %dma_start3A_293 : memref<1x8x1x8x128xf32, #tpu.memory_space<hbm>> -> memref<8x8x128xf32, #tpu.memory_space<hbm>>
      %dma_start3A_295 = arith.constant 0 : i32
      %dma_start3A_296 = arith.constant 0 : i32
      %dma_start3A_297 = arith.constant 0 : i32
      %dma_start3A_298 = tpu.memref_slice %arg4[%mul3A_157, %dma_start3A_295, %add3A, %dma_start3A_296, %dma_start3A_297] : memref<200x8x32x8x128xf32, #tpu.memory_space<hbm>> -> memref<1x8x1x8x128xf32, #tpu.memory_space<hbm>>
      %dma_start3A_299 = tpu.memref_squeeze %dma_start3A_298 : memref<1x8x1x8x128xf32, #tpu.memory_space<hbm>> -> memref<8x8x128xf32, #tpu.memory_space<hbm>>
      %dma_start3A_300 = arith.constant 0 : i32
      %dma_start3A_301 = arith.constant 0 : i32
      %dma_start3A_302 = arith.constant 0 : i32
      %dma_start3A_303 = tpu.memref_slice %arg9[%dma_start3A_300, %dma_start3A_301, %dma_start3A_302] : memref<8x8x129xf32, #tpu.memory_space<vmem>> -> memref<8x8x128xf32, #tpu.memory_space<vmem>>
      tpu.enqueue_dma source(%dma_start3A_303 : memref<8x8x128xf32, #tpu.memory_space<vmem>>) target(%dma_start3A_299 : memref<8x8x128xf32, #tpu.memory_space<hbm>>) target_semaphore(%arg14 : memref<!tpu.dma_semaphore, #tpu.memory_space<semaphore_mem>>)
      %dma_wait3A_304 = arith.constant 1 : i32
      %dma_wait3A_305 = arith.constant 0 : i32
      %dma_wait3A_306 = tpu.memref_slice %arg5[%dma_wait3A_304, %dma_wait3A_305] : memref<2x128xi32, #tpu.memory_space<vmem>> -> memref<1x128xi32, #tpu.memory_space<vmem>>
      %dma_wait3A_307 = tpu.memref_squeeze %dma_wait3A_306 : memref<1x128xi32, #tpu.memory_space<vmem>> -> memref<128xi32, #tpu.memory_space<vmem>>
      %dma_wait3A_308 = arith.constant 0 : i32
      %dma_wait3A_309 = arith.constant 0 : i32
      %dma_wait3A_310 = tpu.memref_slice %arg3[%dma_wait3A_308, %dma_wait3A_309] : memref<1000000x64xf32, #tpu.memory_space<hbm>> -> memref<1000000x64xf32, #tpu.memory_space<hbm>>
      tpu.wait_indirect_dma semaphore(%arg13 : memref<!tpu.dma_semaphore, #tpu.memory_space<semaphore_mem>>) src(%dma_wait3A_310 : memref<1000000x64xf32, #tpu.memory_space<hbm>>) dst(%arg8 : memref<128x64xf32, #tpu.memory_space<vmem>>)
      %gt3A_311 = arith.constant 0 : i32
      %gt3A_312 = arith.cmpi sgt, %scan3A_155, %gt3A_311 : i32
      %convert_element_type3A_313 = arith.extui %gt3A_312 : i1 to i32
      %cond3A_314 = arith.constant 0 : i32
      %cond3A_315 = arith.cmpi ne, %convert_element_type3A_313, %cond3A_314 : i32
      scf.if %cond3A_315 {
        %dma_wait3A_577 = arith.constant 0 : i32
        %dma_wait3A_578 = arith.constant 0 : i32
        %dma_wait3A_579 = arith.constant 0 : i32
        %dma_wait3A_580 = tpu.memref_slice %arg10[%dma_wait3A_577, %dma_wait3A_578, %dma_wait3A_579] : memref<8x8x129xf32, #tpu.memory_space<vmem>> -> memref<8x8x128xf32, #tpu.memory_space<vmem>>
        %dma_wait3A_581 = arith.constant 0 : i32
        %dma_wait3A_582 = arith.constant 0 : i32
        %dma_wait3A_583 = arith.constant 0 : i32
        %dma_wait3A_584 = tpu.memref_slice %arg4[%add3A_159, %dma_wait3A_581, %add3A, %dma_wait3A_582, %dma_wait3A_583] : memref<200x8x32x8x128xf32, #tpu.memory_space<hbm>> -> memref<1x8x1x8x128xf32, #tpu.memory_space<hbm>>
        %dma_wait3A_585 = tpu.memref_squeeze %dma_wait3A_584 : memref<1x8x1x8x128xf32, #tpu.memory_space<hbm>> -> memref<8x8x128xf32, #tpu.memory_space<hbm>>
        %dma_wait3A_586 = arith.constant 0 : i32
        %dma_wait3A_587 = arith.constant 0 : i32
        %dma_wait3A_588 = arith.constant 0 : i32
        %dma_wait3A_589 = tpu.memref_slice %arg4[%add3A_159, %dma_wait3A_586, %add3A, %dma_wait3A_587, %dma_wait3A_588] : memref<200x8x32x8x128xf32, #tpu.memory_space<hbm>> -> memref<1x8x1x8x128xf32, #tpu.memory_space<hbm>>
        %dma_wait3A_590 = tpu.memref_squeeze %dma_wait3A_589 : memref<1x8x1x8x128xf32, #tpu.memory_space<hbm>> -> memref<8x8x128xf32, #tpu.memory_space<hbm>>
        %dma_wait3A_591 = arith.constant 0 : i32
        %dma_wait3A_592 = arith.constant 0 : i32
        %dma_wait3A_593 = arith.constant 0 : i32
        %dma_wait3A_594 = tpu.memref_slice %arg10[%dma_wait3A_591, %dma_wait3A_592, %dma_wait3A_593] : memref<8x8x129xf32, #tpu.memory_space<vmem>> -> memref<8x8x128xf32, #tpu.memory_space<vmem>>
        tpu.wait_dma2 semaphore(%arg15 : memref<!tpu.dma_semaphore, #tpu.memory_space<semaphore_mem>>) src(%dma_wait3A_594 : memref<8x8x128xf32, #tpu.memory_space<vmem>>) dst(%dma_wait3A_590 : memref<8x8x128xf32, #tpu.memory_space<hbm>>)
      } else {
      }
      %mul3A_316 = arith.constant 0 : i32
      %mul3A_317 = vector.broadcast %mul3A_316 : i32 to vector<16xi32>
      %mul3A_318 = arith.muli %iota3A, %mul3A_317 : vector<16xi32>
      %scan3A_319 = arith.constant 0 : i32
      %scan3A_320 = arith.constant 16 : i32
      %scan3A_321 = arith.addi %scan3A_319, %scan3A_320 : i32
      %scan3A_322 = arith.constant 1 : i32
      %scan3A_323 = scf.for %scan3A_577 = %scan3A_319 to %scan3A_321 step %scan3A_322 iter_args(%scan3A_578 = %mul3A_318) -> (vector<16xi32>)  : i32 {
        %mul3A_579 = arith.constant 8 : i32
        %mul3A_580 = arith.muli %scan3A_577, %mul3A_579 : i32
        %add3A_581 = arith.constant 0 : i32
        %add3A_582 = arith.addi %mul3A_580, %add3A_581 : i32
        %get3A = arith.index_cast %add3A_582 : i32 to index
        %get3A_583 = arith.constant 0 : index
        %get3A_584 = tpu.vector_load %arg8[%get3A, %get3A_583] {strides = array<i32>} : memref<128x64xf32, #tpu.memory_space<vmem>>, vector<16xf32>,
        tpu.vector_store_idx %arg10[%shift_right_arithmetic3A_5, %and3A_28, %scan3A_578], %get3A_584 : memref<8x8x129xf32, #tpu.memory_space<vmem>>[vector<16xi32>, vector<16xi32>, vector<16xi32>], vector<16xf32>,
        %mul3A_585 = arith.constant 8 : i32
        %mul3A_586 = arith.muli %scan3A_577, %mul3A_585 : i32
        %add3A_587 = arith.constant 0 : i32
        %add3A_588 = arith.addi %mul3A_586, %add3A_587 : i32
        %get3A_589 = arith.index_cast %add3A_588 : i32 to index
        %get3A_590 = arith.constant 16 : index
        %get3A_591 = tpu.vector_load %arg8[%get3A_589, %get3A_590] {strides = array<i32>} : memref<128x64xf32, #tpu.memory_space<vmem>>, vector<16xf32>,
        tpu.vector_store_idx %arg10[%shift_right_arithmetic3A_11, %and3A_34, %scan3A_578], %get3A_591 : memref<8x8x129xf32, #tpu.memory_space<vmem>>[vector<16xi32>, vector<16xi32>, vector<16xi32>], vector<16xf32>,
        %mul3A_592 = arith.constant 8 : i32
        %mul3A_593 = arith.muli %scan3A_577, %mul3A_592 : i32
        %add3A_594 = arith.constant 0 : i32
        %add3A_595 = arith.addi %mul3A_593, %add3A_594 : i32
        %get3A_596 = arith.index_cast %add3A_595 : i32 to index
        %get3A_597 = arith.constant 32 : index
        %get3A_598 = tpu.vector_load %arg8[%get3A_596, %get3A_597] {strides = array<i32>} : memref<128x64xf32, #tpu.memory_space<vmem>>, vector<16xf32>,
        tpu.vector_store_idx %arg10[%shift_right_arithmetic3A_17, %and3A_40, %scan3A_578], %get3A_598 : memref<8x8x129xf32, #tpu.memory_space<vmem>>[vector<16xi32>, vector<16xi32>, vector<16xi32>], vector<16xf32>,
        %mul3A_599 = arith.constant 8 : i32
        %mul3A_600 = arith.muli %scan3A_577, %mul3A_599 : i32
        %add3A_601 = arith.constant 0 : i32
        %add3A_602 = arith.addi %mul3A_600, %add3A_601 : i32
        %get3A_603 = arith.index_cast %add3A_602 : i32 to index
        %get3A_604 = arith.constant 48 : index
        %get3A_605 = tpu.vector_load %arg8[%get3A_603, %get3A_604] {strides = array<i32>} : memref<128x64xf32, #tpu.memory_space<vmem>>, vector<16xf32>,
        tpu.vector_store_idx %arg10[%shift_right_arithmetic3A_23, %and3A_46, %scan3A_578], %get3A_605 : memref<8x8x129xf32, #tpu.memory_space<vmem>>[vector<16xi32>, vector<16xi32>, vector<16xi32>], vector<16xf32>,
        %add3A_606 = arith.constant 1 : i32
        %add3A_607 = vector.broadcast %add3A_606 : i32 to vector<16xi32>
        %add3A_608 = arith.addi %scan3A_578, %add3A_607 : vector<16xi32>
        %mul3A_609 = arith.constant 8 : i32
        %mul3A_610 = arith.muli %scan3A_577, %mul3A_609 : i32
        %add3A_611 = arith.constant 1 : i32
        %add3A_612 = arith.addi %mul3A_610, %add3A_611 : i32
        %get3A_613 = arith.index_cast %add3A_612 : i32 to index
        %get3A_614 = arith.constant 0 : index
        %get3A_615 = tpu.vector_load %arg8[%get3A_613, %get3A_614] {strides = array<i32>} : memref<128x64xf32, #tpu.memory_space<vmem>>, vector<16xf32>,
        tpu.vector_store_idx %arg10[%shift_right_arithmetic3A_5, %and3A_28, %add3A_608], %get3A_615 : memref<8x8x129xf32, #tpu.memory_space<vmem>>[vector<16xi32>, vector<16xi32>, vector<16xi32>], vector<16xf32>,
        %mul3A_616 = arith.constant 8 : i32
        %mul3A_617 = arith.muli %scan3A_577, %mul3A_616 : i32
        %add3A_618 = arith.constant 1 : i32
        %add3A_619 = arith.addi %mul3A_617, %add3A_618 : i32
        %get3A_620 = arith.index_cast %add3A_619 : i32 to index
        %get3A_621 = arith.constant 16 : index
        %get3A_622 = tpu.vector_load %arg8[%get3A_620, %get3A_621] {strides = array<i32>} : memref<128x64xf32, #tpu.memory_space<vmem>>, vector<16xf32>,
        tpu.vector_store_idx %arg10[%shift_right_arithmetic3A_11, %and3A_34, %add3A_608], %get3A_622 : memref<8x8x129xf32, #tpu.memory_space<vmem>>[vector<16xi32>, vector<16xi32>, vector<16xi32>], vector<16xf32>,
        %mul3A_623 = arith.constant 8 : i32
        %mul3A_624 = arith.muli %scan3A_577, %mul3A_623 : i32
        %add3A_625 = arith.constant 1 : i32
        %add3A_626 = arith.addi %mul3A_624, %add3A_625 : i32
        %get3A_627 = arith.index_cast %add3A_626 : i32 to index
        %get3A_628 = arith.constant 32 : index
        %get3A_629 = tpu.vector_load %arg8[%get3A_627, %get3A_628] {strides = array<i32>} : memref<128x64xf32, #tpu.memory_space<vmem>>, vector<16xf32>,
        tpu.vector_store_idx %arg10[%shift_right_arithmetic3A_17, %and3A_40, %add3A_608], %get3A_629 : memref<8x8x129xf32, #tpu.memory_space<vmem>>[vector<16xi32>, vector<16xi32>, vector<16xi32>], vector<16xf32>,
        %mul3A_630 = arith.constant 8 : i32
        %mul3A_631 = arith.muli %scan3A_577, %mul3A_630 : i32
        %add3A_632 = arith.constant 1 : i32
        %add3A_633 = arith.addi %mul3A_631, %add3A_632 : i32
        %get3A_634 = arith.index_cast %add3A_633 : i32 to index
        %get3A_635 = arith.constant 48 : index
        %get3A_636 = tpu.vector_load %arg8[%get3A_634, %get3A_635] {strides = array<i32>} : memref<128x64xf32, #tpu.memory_space<vmem>>, vector<16xf32>,
        tpu.vector_store_idx %arg10[%shift_right_arithmetic3A_23, %and3A_46, %add3A_608], %get3A_636 : memref<8x8x129xf32, #tpu.memory_space<vmem>>[vector<16xi32>, vector<16xi32>, vector<16xi32>], vector<16xf32>,
        %add3A_637 = arith.constant 1 : i32
        %add3A_638 = vector.broadcast %add3A_637 : i32 to vector<16xi32>
        %add3A_639 = arith.addi %add3A_608, %add3A_638 : vector<16xi32>
        %mul3A_640 = arith.constant 8 : i32
        %mul3A_641 = arith.muli %scan3A_577, %mul3A_640 : i32
        %add3A_642 = arith.constant 2 : i32
        %add3A_643 = arith.addi %mul3A_641, %add3A_642 : i32
        %get3A_644 = arith.index_cast %add3A_643 : i32 to index
        %get3A_645 = arith.constant 0 : index
        %get3A_646 = tpu.vector_load %arg8[%get3A_644, %get3A_645] {strides = array<i32>} : memref<128x64xf32, #tpu.memory_space<vmem>>, vector<16xf32>,
        tpu.vector_store_idx %arg10[%shift_right_arithmetic3A_5, %and3A_28, %add3A_639], %get3A_646 : memref<8x8x129xf32, #tpu.memory_space<vmem>>[vector<16xi32>, vector<16xi32>, vector<16xi32>], vector<16xf32>,
        %mul3A_647 = arith.constant 8 : i32
        %mul3A_648 = arith.muli %scan3A_577, %mul3A_647 : i32
        %add3A_649 = arith.constant 2 : i32
        %add3A_650 = arith.addi %mul3A_648, %add3A_649 : i32
        %get3A_651 = arith.index_cast %add3A_650 : i32 to index
        %get3A_652 = arith.constant 16 : index
        %get3A_653 = tpu.vector_load %arg8[%get3A_651, %get3A_652] {strides = array<i32>} : memref<128x64xf32, #tpu.memory_space<vmem>>, vector<16xf32>,
        tpu.vector_store_idx %arg10[%shift_right_arithmetic3A_11, %and3A_34, %add3A_639], %get3A_653 : memref<8x8x129xf32, #tpu.memory_space<vmem>>[vector<16xi32>, vector<16xi32>, vector<16xi32>], vector<16xf32>,
        %mul3A_654 = arith.constant 8 : i32
        %mul3A_655 = arith.muli %scan3A_577, %mul3A_654 : i32
        %add3A_656 = arith.constant 2 : i32
        %add3A_657 = arith.addi %mul3A_655, %add3A_656 : i32
        %get3A_658 = arith.index_cast %add3A_657 : i32 to index
        %get3A_659 = arith.constant 32 : index
        %get3A_660 = tpu.vector_load %arg8[%get3A_658, %get3A_659] {strides = array<i32>} : memref<128x64xf32, #tpu.memory_space<vmem>>, vector<16xf32>,
        tpu.vector_store_idx %arg10[%shift_right_arithmetic3A_17, %and3A_40, %add3A_639], %get3A_660 : memref<8x8x129xf32, #tpu.memory_space<vmem>>[vector<16xi32>, vector<16xi32>, vector<16xi32>], vector<16xf32>,
        %mul3A_661 = arith.constant 8 : i32
        %mul3A_662 = arith.muli %scan3A_577, %mul3A_661 : i32
        %add3A_663 = arith.constant 2 : i32
        %add3A_664 = arith.addi %mul3A_662, %add3A_663 : i32
        %get3A_665 = arith.index_cast %add3A_664 : i32 to index
        %get3A_666 = arith.constant 48 : index
        %get3A_667 = tpu.vector_load %arg8[%get3A_665, %get3A_666] {strides = array<i32>} : memref<128x64xf32, #tpu.memory_space<vmem>>, vector<16xf32>,
        tpu.vector_store_idx %arg10[%shift_right_arithmetic3A_23, %and3A_46, %add3A_639], %get3A_667 : memref<8x8x129xf32, #tpu.memory_space<vmem>>[vector<16xi32>, vector<16xi32>, vector<16xi32>], vector<16xf32>,
        %add3A_668 = arith.constant 1 : i32
        %add3A_669 = vector.broadcast %add3A_668 : i32 to vector<16xi32>
        %add3A_670 = arith.addi %add3A_639, %add3A_669 : vector<16xi32>
        %mul3A_671 = arith.constant 8 : i32
        %mul3A_672 = arith.muli %scan3A_577, %mul3A_671 : i32
        %add3A_673 = arith.constant 3 : i32
        %add3A_674 = arith.addi %mul3A_672, %add3A_673 : i32
        %get3A_675 = arith.index_cast %add3A_674 : i32 to index
        %get3A_676 = arith.constant 0 : index
        %get3A_677 = tpu.vector_load %arg8[%get3A_675, %get3A_676] {strides = array<i32>} : memref<128x64xf32, #tpu.memory_space<vmem>>, vector<16xf32>,
        tpu.vector_store_idx %arg10[%shift_right_arithmetic3A_5, %and3A_28, %add3A_670], %get3A_677 : memref<8x8x129xf32, #tpu.memory_space<vmem>>[vector<16xi32>, vector<16xi32>, vector<16xi32>], vector<16xf32>,
        %mul3A_678 = arith.constant 8 : i32
        %mul3A_679 = arith.muli %scan3A_577, %mul3A_678 : i32
        %add3A_680 = arith.constant 3 : i32
        %add3A_681 = arith.addi %mul3A_679, %add3A_680 : i32
        %get3A_682 = arith.index_cast %add3A_681 : i32 to index
        %get3A_683 = arith.constant 16 : index
        %get3A_684 = tpu.vector_load %arg8[%get3A_682, %get3A_683] {strides = array<i32>} : memref<128x64xf32, #tpu.memory_space<vmem>>, vector<16xf32>,
        tpu.vector_store_idx %arg10[%shift_right_arithmetic3A_11, %and3A_34, %add3A_670], %get3A_684 : memref<8x8x129xf32, #tpu.memory_space<vmem>>[vector<16xi32>, vector<16xi32>, vector<16xi32>], vector<16xf32>,
        %mul3A_685 = arith.constant 8 : i32
        %mul3A_686 = arith.muli %scan3A_577, %mul3A_685 : i32
        %add3A_687 = arith.constant 3 : i32
        %add3A_688 = arith.addi %mul3A_686, %add3A_687 : i32
        %get3A_689 = arith.index_cast %add3A_688 : i32 to index
        %get3A_690 = arith.constant 32 : index
        %get3A_691 = tpu.vector_load %arg8[%get3A_689, %get3A_690] {strides = array<i32>} : memref<128x64xf32, #tpu.memory_space<vmem>>, vector<16xf32>,
        tpu.vector_store_idx %arg10[%shift_right_arithmetic3A_17, %and3A_40, %add3A_670], %get3A_691 : memref<8x8x129xf32, #tpu.memory_space<vmem>>[vector<16xi32>, vector<16xi32>, vector<16xi32>], vector<16xf32>,
        %mul3A_692 = arith.constant 8 : i32
        %mul3A_693 = arith.muli %scan3A_577, %mul3A_692 : i32
        %add3A_694 = arith.constant 3 : i32
        %add3A_695 = arith.addi %mul3A_693, %add3A_694 : i32
        %get3A_696 = arith.index_cast %add3A_695 : i32 to index
        %get3A_697 = arith.constant 48 : index
        %get3A_698 = tpu.vector_load %arg8[%get3A_696, %get3A_697] {strides = array<i32>} : memref<128x64xf32, #tpu.memory_space<vmem>>, vector<16xf32>,
        tpu.vector_store_idx %arg10[%shift_right_arithmetic3A_23, %and3A_46, %add3A_670], %get3A_698 : memref<8x8x129xf32, #tpu.memory_space<vmem>>[vector<16xi32>, vector<16xi32>, vector<16xi32>], vector<16xf32>,
        %add3A_699 = arith.constant 1 : i32
        %add3A_700 = vector.broadcast %add3A_699 : i32 to vector<16xi32>
        %add3A_701 = arith.addi %add3A_670, %add3A_700 : vector<16xi32>
        %mul3A_702 = arith.constant 8 : i32
        %mul3A_703 = arith.muli %scan3A_577, %mul3A_702 : i32
        %add3A_704 = arith.constant 4 : i32
        %add3A_705 = arith.addi %mul3A_703, %add3A_704 : i32
        %get3A_706 = arith.index_cast %add3A_705 : i32 to index
        %get3A_707 = arith.constant 0 : index
        %get3A_708 = tpu.vector_load %arg8[%get3A_706, %get3A_707] {strides = array<i32>} : memref<128x64xf32, #tpu.memory_space<vmem>>, vector<16xf32>,
        tpu.vector_store_idx %arg10[%shift_right_arithmetic3A_5, %and3A_28, %add3A_701], %get3A_708 : memref<8x8x129xf32, #tpu.memory_space<vmem>>[vector<16xi32>, vector<16xi32>, vector<16xi32>], vector<16xf32>,
        %mul3A_709 = arith.constant 8 : i32
        %mul3A_710 = arith.muli %scan3A_577, %mul3A_709 : i32
        %add3A_711 = arith.constant 4 : i32
        %add3A_712 = arith.addi %mul3A_710, %add3A_711 : i32
        %get3A_713 = arith.index_cast %add3A_712 : i32 to index
        %get3A_714 = arith.constant 16 : index
        %get3A_715 = tpu.vector_load %arg8[%get3A_713, %get3A_714] {strides = array<i32>} : memref<128x64xf32, #tpu.memory_space<vmem>>, vector<16xf32>,
        tpu.vector_store_idx %arg10[%shift_right_arithmetic3A_11, %and3A_34, %add3A_701], %get3A_715 : memref<8x8x129xf32, #tpu.memory_space<vmem>>[vector<16xi32>, vector<16xi32>, vector<16xi32>], vector<16xf32>,
        %mul3A_716 = arith.constant 8 : i32
        %mul3A_717 = arith.muli %scan3A_577, %mul3A_716 : i32
        %add3A_718 = arith.constant 4 : i32
        %add3A_719 = arith.addi %mul3A_717, %add3A_718 : i32
        %get3A_720 = arith.index_cast %add3A_719 : i32 to index
        %get3A_721 = arith.constant 32 : index
        %get3A_722 = tpu.vector_load %arg8[%get3A_720, %get3A_721] {strides = array<i32>} : memref<128x64xf32, #tpu.memory_space<vmem>>, vector<16xf32>,
        tpu.vector_store_idx %arg10[%shift_right_arithmetic3A_17, %and3A_40, %add3A_701], %get3A_722 : memref<8x8x129xf32, #tpu.memory_space<vmem>>[vector<16xi32>, vector<16xi32>, vector<16xi32>], vector<16xf32>,
        %mul3A_723 = arith.constant 8 : i32
        %mul3A_724 = arith.muli %scan3A_577, %mul3A_723 : i32
        %add3A_725 = arith.constant 4 : i32
        %add3A_726 = arith.addi %mul3A_724, %add3A_725 : i32
        %get3A_727 = arith.index_cast %add3A_726 : i32 to index
        %get3A_728 = arith.constant 48 : index
        %get3A_729 = tpu.vector_load %arg8[%get3A_727, %get3A_728] {strides = array<i32>} : memref<128x64xf32, #tpu.memory_space<vmem>>, vector<16xf32>,
        tpu.vector_store_idx %arg10[%shift_right_arithmetic3A_23, %and3A_46, %add3A_701], %get3A_729 : memref<8x8x129xf32, #tpu.memory_space<vmem>>[vector<16xi32>, vector<16xi32>, vector<16xi32>], vector<16xf32>,
        %add3A_730 = arith.constant 1 : i32
        %add3A_731 = vector.broadcast %add3A_730 : i32 to vector<16xi32>
        %add3A_732 = arith.addi %add3A_701, %add3A_731 : vector<16xi32>
        %mul3A_733 = arith.constant 8 : i32
        %mul3A_734 = arith.muli %scan3A_577, %mul3A_733 : i32
        %add3A_735 = arith.constant 5 : i32
        %add3A_736 = arith.addi %mul3A_734, %add3A_735 : i32
        %get3A_737 = arith.index_cast %add3A_736 : i32 to index
        %get3A_738 = arith.constant 0 : index
        %get3A_739 = tpu.vector_load %arg8[%get3A_737, %get3A_738] {strides = array<i32>} : memref<128x64xf32, #tpu.memory_space<vmem>>, vector<16xf32>,
        tpu.vector_store_idx %arg10[%shift_right_arithmetic3A_5, %and3A_28, %add3A_732], %get3A_739 : memref<8x8x129xf32, #tpu.memory_space<vmem>>[vector<16xi32>, vector<16xi32>, vector<16xi32>], vector<16xf32>,
        %mul3A_740 = arith.constant 8 : i32
        %mul3A_741 = arith.muli %scan3A_577, %mul3A_740 : i32
        %add3A_742 = arith.constant 5 : i32
        %add3A_743 = arith.addi %mul3A_741, %add3A_742 : i32
        %get3A_744 = arith.index_cast %add3A_743 : i32 to index
        %get3A_745 = arith.constant 16 : index
        %get3A_746 = tpu.vector_load %arg8[%get3A_744, %get3A_745] {strides = array<i32>} : memref<128x64xf32, #tpu.memory_space<vmem>>, vector<16xf32>,
        tpu.vector_store_idx %arg10[%shift_right_arithmetic3A_11, %and3A_34, %add3A_732], %get3A_746 : memref<8x8x129xf32, #tpu.memory_space<vmem>>[vector<16xi32>, vector<16xi32>, vector<16xi32>], vector<16xf32>,
        %mul3A_747 = arith.constant 8 : i32
        %mul3A_748 = arith.muli %scan3A_577, %mul3A_747 : i32
        %add3A_749 = arith.constant 5 : i32
        %add3A_750 = arith.addi %mul3A_748, %add3A_749 : i32
        %get3A_751 = arith.index_cast %add3A_750 : i32 to index
        %get3A_752 = arith.constant 32 : index
        %get3A_753 = tpu.vector_load %arg8[%get3A_751, %get3A_752] {strides = array<i32>} : memref<128x64xf32, #tpu.memory_space<vmem>>, vector<16xf32>,
        tpu.vector_store_idx %arg10[%shift_right_arithmetic3A_17, %and3A_40, %add3A_732], %get3A_753 : memref<8x8x129xf32, #tpu.memory_space<vmem>>[vector<16xi32>, vector<16xi32>, vector<16xi32>], vector<16xf32>,
        %mul3A_754 = arith.constant 8 : i32
        %mul3A_755 = arith.muli %scan3A_577, %mul3A_754 : i32
        %add3A_756 = arith.constant 5 : i32
        %add3A_757 = arith.addi %mul3A_755, %add3A_756 : i32
        %get3A_758 = arith.index_cast %add3A_757 : i32 to index
        %get3A_759 = arith.constant 48 : index
        %get3A_760 = tpu.vector_load %arg8[%get3A_758, %get3A_759] {strides = array<i32>} : memref<128x64xf32, #tpu.memory_space<vmem>>, vector<16xf32>,
        tpu.vector_store_idx %arg10[%shift_right_arithmetic3A_23, %and3A_46, %add3A_732], %get3A_760 : memref<8x8x129xf32, #tpu.memory_space<vmem>>[vector<16xi32>, vector<16xi32>, vector<16xi32>], vector<16xf32>,
        %add3A_761 = arith.constant 1 : i32
        %add3A_762 = vector.broadcast %add3A_761 : i32 to vector<16xi32>
        %add3A_763 = arith.addi %add3A_732, %add3A_762 : vector<16xi32>
        %mul3A_764 = arith.constant 8 : i32
        %mul3A_765 = arith.muli %scan3A_577, %mul3A_764 : i32
        %add3A_766 = arith.constant 6 : i32
        %add3A_767 = arith.addi %mul3A_765, %add3A_766 : i32
        %get3A_768 = arith.index_cast %add3A_767 : i32 to index
        %get3A_769 = arith.constant 0 : index
        %get3A_770 = tpu.vector_load %arg8[%get3A_768, %get3A_769] {strides = array<i32>} : memref<128x64xf32, #tpu.memory_space<vmem>>, vector<16xf32>,
        tpu.vector_store_idx %arg10[%shift_right_arithmetic3A_5, %and3A_28, %add3A_763], %get3A_770 : memref<8x8x129xf32, #tpu.memory_space<vmem>>[vector<16xi32>, vector<16xi32>, vector<16xi32>], vector<16xf32>,
        %mul3A_771 = arith.constant 8 : i32
        %mul3A_772 = arith.muli %scan3A_577, %mul3A_771 : i32
        %add3A_773 = arith.constant 6 : i32
        %add3A_774 = arith.addi %mul3A_772, %add3A_773 : i32
        %get3A_775 = arith.index_cast %add3A_774 : i32 to index
        %get3A_776 = arith.constant 16 : index
        %get3A_777 = tpu.vector_load %arg8[%get3A_775, %get3A_776] {strides = array<i32>} : memref<128x64xf32, #tpu.memory_space<vmem>>, vector<16xf32>,
        tpu.vector_store_idx %arg10[%shift_right_arithmetic3A_11, %and3A_34, %add3A_763], %get3A_777 : memref<8x8x129xf32, #tpu.memory_space<vmem>>[vector<16xi32>, vector<16xi32>, vector<16xi32>], vector<16xf32>,
        %mul3A_778 = arith.constant 8 : i32
        %mul3A_779 = arith.muli %scan3A_577, %mul3A_778 : i32
        %add3A_780 = arith.constant 6 : i32
        %add3A_781 = arith.addi %mul3A_779, %add3A_780 : i32
        %get3A_782 = arith.index_cast %add3A_781 : i32 to index
        %get3A_783 = arith.constant 32 : index
        %get3A_784 = tpu.vector_load %arg8[%get3A_782, %get3A_783] {strides = array<i32>} : memref<128x64xf32, #tpu.memory_space<vmem>>, vector<16xf32>,
        tpu.vector_store_idx %arg10[%shift_right_arithmetic3A_17, %and3A_40, %add3A_763], %get3A_784 : memref<8x8x129xf32, #tpu.memory_space<vmem>>[vector<16xi32>, vector<16xi32>, vector<16xi32>], vector<16xf32>,
        %mul3A_785 = arith.constant 8 : i32
        %mul3A_786 = arith.muli %scan3A_577, %mul3A_785 : i32
        %add3A_787 = arith.constant 6 : i32
        %add3A_788 = arith.addi %mul3A_786, %add3A_787 : i32
        %get3A_789 = arith.index_cast %add3A_788 : i32 to index
        %get3A_790 = arith.constant 48 : index
        %get3A_791 = tpu.vector_load %arg8[%get3A_789, %get3A_790] {strides = array<i32>} : memref<128x64xf32, #tpu.memory_space<vmem>>, vector<16xf32>,
        tpu.vector_store_idx %arg10[%shift_right_arithmetic3A_23, %and3A_46, %add3A_763], %get3A_791 : memref<8x8x129xf32, #tpu.memory_space<vmem>>[vector<16xi32>, vector<16xi32>, vector<16xi32>], vector<16xf32>,
        %add3A_792 = arith.constant 1 : i32
        %add3A_793 = vector.broadcast %add3A_792 : i32 to vector<16xi32>
        %add3A_794 = arith.addi %add3A_763, %add3A_793 : vector<16xi32>
        %mul3A_795 = arith.constant 8 : i32
        %mul3A_796 = arith.muli %scan3A_577, %mul3A_795 : i32
        %add3A_797 = arith.constant 7 : i32
        %add3A_798 = arith.addi %mul3A_796, %add3A_797 : i32
        %get3A_799 = arith.index_cast %add3A_798 : i32 to index
        %get3A_800 = arith.constant 0 : index
        %get3A_801 = tpu.vector_load %arg8[%get3A_799, %get3A_800] {strides = array<i32>} : memref<128x64xf32, #tpu.memory_space<vmem>>, vector<16xf32>,
        tpu.vector_store_idx %arg10[%shift_right_arithmetic3A_5, %and3A_28, %add3A_794], %get3A_801 : memref<8x8x129xf32, #tpu.memory_space<vmem>>[vector<16xi32>, vector<16xi32>, vector<16xi32>], vector<16xf32>,
        %mul3A_802 = arith.constant 8 : i32
        %mul3A_803 = arith.muli %scan3A_577, %mul3A_802 : i32
        %add3A_804 = arith.constant 7 : i32
        %add3A_805 = arith.addi %mul3A_803, %add3A_804 : i32
        %get3A_806 = arith.index_cast %add3A_805 : i32 to index
        %get3A_807 = arith.constant 16 : index
        %get3A_808 = tpu.vector_load %arg8[%get3A_806, %get3A_807] {strides = array<i32>} : memref<128x64xf32, #tpu.memory_space<vmem>>, vector<16xf32>,
        tpu.vector_store_idx %arg10[%shift_right_arithmetic3A_11, %and3A_34, %add3A_794], %get3A_808 : memref<8x8x129xf32, #tpu.memory_space<vmem>>[vector<16xi32>, vector<16xi32>, vector<16xi32>], vector<16xf32>,
        %mul3A_809 = arith.constant 8 : i32
        %mul3A_810 = arith.muli %scan3A_577, %mul3A_809 : i32
        %add3A_811 = arith.constant 7 : i32
        %add3A_812 = arith.addi %mul3A_810, %add3A_811 : i32
        %get3A_813 = arith.index_cast %add3A_812 : i32 to index
        %get3A_814 = arith.constant 32 : index
        %get3A_815 = tpu.vector_load %arg8[%get3A_813, %get3A_814] {strides = array<i32>} : memref<128x64xf32, #tpu.memory_space<vmem>>, vector<16xf32>,
        tpu.vector_store_idx %arg10[%shift_right_arithmetic3A_17, %and3A_40, %add3A_794], %get3A_815 : memref<8x8x129xf32, #tpu.memory_space<vmem>>[vector<16xi32>, vector<16xi32>, vector<16xi32>], vector<16xf32>,
        %mul3A_816 = arith.constant 8 : i32
        %mul3A_817 = arith.muli %scan3A_577, %mul3A_816 : i32
        %add3A_818 = arith.constant 7 : i32
        %add3A_819 = arith.addi %mul3A_817, %add3A_818 : i32
        %get3A_820 = arith.index_cast %add3A_819 : i32 to index
        %get3A_821 = arith.constant 48 : index
        %get3A_822 = tpu.vector_load %arg8[%get3A_820, %get3A_821] {strides = array<i32>} : memref<128x64xf32, #tpu.memory_space<vmem>>, vector<16xf32>,
        tpu.vector_store_idx %arg10[%shift_right_arithmetic3A_23, %and3A_46, %add3A_794], %get3A_822 : memref<8x8x129xf32, #tpu.memory_space<vmem>>[vector<16xi32>, vector<16xi32>, vector<16xi32>], vector<16xf32>,
        %add3A_823 = arith.constant 1 : i32
        %add3A_824 = vector.broadcast %add3A_823 : i32 to vector<16xi32>
        %add3A_825 = arith.addi %add3A_794, %add3A_824 : vector<16xi32>
        scf.yield %add3A_825 : vector<16xi32>
      }
      %scan3A_324 = arith.constant 16 : i32
      %dma_start3A_325 = arith.constant 0 : i32
      %dma_start3A_326 = arith.constant 0 : i32
      %dma_start3A_327 = arith.constant 0 : i32
      %dma_start3A_328 = tpu.memref_slice %arg10[%dma_start3A_325, %dma_start3A_326, %dma_start3A_327] : memref<8x8x129xf32, #tpu.memory_space<vmem>> -> memref<8x8x128xf32, #tpu.memory_space<vmem>>
      %dma_start3A_329 = arith.constant 0 : i32
      %dma_start3A_330 = arith.constant 0 : i32
      %dma_start3A_331 = arith.constant 0 : i32
      %dma_start3A_332 = tpu.memref_slice %arg4[%add3A_159, %dma_start3A_329, %add3A, %dma_start3A_330, %dma_start3A_331] : memref<200x8x32x8x128xf32, #tpu.memory_space<hbm>> -> memref<1x8x1x8x128xf32, #tpu.memory_space<hbm>>
      %dma_start3A_333 = tpu.memref_squeeze %dma_start3A_332 : memref<1x8x1x8x128xf32, #tpu.memory_space<hbm>> -> memref<8x8x128xf32, #tpu.memory_space<hbm>>
      %dma_start3A_334 = arith.constant 0 : i32
      %dma_start3A_335 = arith.constant 0 : i32
      %dma_start3A_336 = arith.constant 0 : i32
      %dma_start3A_337 = tpu.memref_slice %arg4[%add3A_159, %dma_start3A_334, %add3A, %dma_start3A_335, %dma_start3A_336] : memref<200x8x32x8x128xf32, #tpu.memory_space<hbm>> -> memref<1x8x1x8x128xf32, #tpu.memory_space<hbm>>
      %dma_start3A_338 = tpu.memref_squeeze %dma_start3A_337 : memref<1x8x1x8x128xf32, #tpu.memory_space<hbm>> -> memref<8x8x128xf32, #tpu.memory_space<hbm>>
      %dma_start3A_339 = arith.constant 0 : i32
      %dma_start3A_340 = arith.constant 0 : i32
      %dma_start3A_341 = arith.constant 0 : i32
      %dma_start3A_342 = tpu.memref_slice %arg10[%dma_start3A_339, %dma_start3A_340, %dma_start3A_341] : memref<8x8x129xf32, #tpu.memory_space<vmem>> -> memref<8x8x128xf32, #tpu.memory_space<vmem>>
      tpu.enqueue_dma source(%dma_start3A_342 : memref<8x8x128xf32, #tpu.memory_space<vmem>>) target(%dma_start3A_338 : memref<8x8x128xf32, #tpu.memory_space<hbm>>) target_semaphore(%arg15 : memref<!tpu.dma_semaphore, #tpu.memory_space<semaphore_mem>>)
      %jit3A_343 = arith.constant 8 : i32
      %div3A_344 = arith.divsi %add3A_161, %jit3A_343 : i32
      %sign3A_345 = arith.constant 0 : i32
      %sign3A_346 = arith.cmpi sgt, %add3A_161, %sign3A_345 : i32
      %sign3A_347 = arith.extui %sign3A_346 : i1 to i32
      %sign3A_348 = arith.constant 0 : i32
      %sign3A_349 = arith.cmpi slt, %add3A_161, %sign3A_348 : i32
      %sign3A_350 = arith.extui %sign3A_349 : i1 to i32
      %sign3A_351 = arith.subi %sign3A_347, %sign3A_350 : i32
      %sign3A_352 = arith.constant 0 : i32
      %sign3A_353 = arith.cmpi sgt, %jit3A_343, %sign3A_352 : i32
      %sign3A_354 = arith.extui %sign3A_353 : i1 to i32
      %sign3A_355 = arith.constant 0 : i32
      %sign3A_356 = arith.cmpi slt, %jit3A_343, %sign3A_355 : i32
      %sign3A_357 = arith.extui %sign3A_356 : i1 to i32
      %sign3A_358 = arith.subi %sign3A_354, %sign3A_357 : i32
      %ne3A_359 = arith.cmpi ne, %sign3A_351, %sign3A_358 : i32
      %rem3A_360 = arith.remsi %add3A_161, %jit3A_343 : i32
      %ne3A_361 = arith.constant 0 : i32
      %ne3A_362 = arith.cmpi ne, %rem3A_360, %ne3A_361 : i32
      %and3A_363 = arith.andi %ne3A_359, %ne3A_362 : i1
      %sub3A_364 = arith.constant 1 : i32
      %sub3A_365 = arith.subi %div3A_344, %sub3A_364 : i32
      %select_n3A_366 = arith.select %and3A_363, %sub3A_365, %div3A_344 : i32
      %jit3A_367 = arith.constant 8 : i32
      %eq3A_368 = arith.constant 0 : i32
      %eq3A_369 = arith.cmpi eq, %jit3A_367, %eq3A_368 : i32
      %jit3A_370 = arith.constant 1 : i32
      %select_n3A_371 = arith.select %eq3A_369, %jit3A_370, %jit3A_367 : i32
      %rem3A_372 = arith.remsi %add3A_161, %select_n3A_371 : i32
      %ne3A_373 = arith.constant 0 : i32
      %ne3A_374 = arith.cmpi ne, %rem3A_372, %ne3A_373 : i32
      %lt3A_375 = arith.constant 0 : i32
      %lt3A_376 = arith.cmpi slt, %rem3A_372, %lt3A_375 : i32
      %lt3A_377 = arith.constant 0 : i32
      %lt3A_378 = arith.cmpi slt, %select_n3A_371, %lt3A_377 : i32
      %ne3A_379 = arith.xori %lt3A_376, %lt3A_378 : i1
      %and3A_380 = arith.andi %ne3A_379, %ne3A_374 : i1
      %add3A_381 = arith.addi %rem3A_372, %select_n3A_371 : i32
      %select_n3A_382 = arith.select %and3A_380, %add3A_381, %rem3A_372 : i32
      %dma_wait3A_383 = arith.constant 0 : i32
      %dma_wait3A_384 = arith.constant 0 : i32
      %dma_wait3A_385 = tpu.memref_slice %arg6[%dma_wait3A_383, %dma_wait3A_384] : memref<2x128xi32, #tpu.memory_space<vmem>> -> memref<1x128xi32, #tpu.memory_space<vmem>>
      %dma_wait3A_386 = tpu.memref_squeeze %dma_wait3A_385 : memref<1x128xi32, #tpu.memory_space<vmem>> -> memref<128xi32, #tpu.memory_space<vmem>>
      %dma_wait3A_387 = arith.constant 0 : i32
      %dma_wait3A_388 = tpu.memref_slice %arg2[%select_n3A_366, %add3A, %select_n3A_382, %dma_wait3A_387] : memref<25x32x8x128xi32, #tpu.memory_space<hbm>> -> memref<1x1x1x128xi32, #tpu.memory_space<hbm>>
      %dma_wait3A_389 = tpu.memref_squeeze %dma_wait3A_388 : memref<1x1x1x128xi32, #tpu.memory_space<hbm>> -> memref<128xi32, #tpu.memory_space<hbm>>
      %dma_wait3A_390 = arith.constant 0 : i32
      %dma_wait3A_391 = tpu.memref_slice %arg6[%dma_wait3A_383, %dma_wait3A_390] : memref<2x128xi32, #tpu.memory_space<vmem>> -> memref<1x128xi32, #tpu.memory_space<vmem>>
      %dma_wait3A_392 = tpu.memref_squeeze %dma_wait3A_391 : memref<1x128xi32, #tpu.memory_space<vmem>> -> memref<128xi32, #tpu.memory_space<vmem>>
      %dma_wait3A_393 = arith.constant 0 : i32
      %dma_wait3A_394 = tpu.memref_slice %arg2[%select_n3A_366, %add3A, %select_n3A_382, %dma_wait3A_393] : memref<25x32x8x128xi32, #tpu.memory_space<hbm>> -> memref<1x1x1x128xi32, #tpu.memory_space<hbm>>
      %dma_wait3A_395 = tpu.memref_squeeze %dma_wait3A_394 : memref<1x1x1x128xi32, #tpu.memory_space<hbm>> -> memref<128xi32, #tpu.memory_space<hbm>>
      tpu.wait_dma2 semaphore(%arg11 : memref<!tpu.dma_semaphore, #tpu.memory_space<semaphore_mem>>) src(%dma_wait3A_395 : memref<128xi32, #tpu.memory_space<hbm>>) dst(%dma_wait3A_392 : memref<128xi32, #tpu.memory_space<vmem>>)
      %jit3A_396 = arith.constant 8 : i32
      %div3A_397 = arith.divsi %add3A_163, %jit3A_396 : i32
      %sign3A_398 = arith.constant 0 : i32
      %sign3A_399 = arith.cmpi sgt, %add3A_163, %sign3A_398 : i32
      %sign3A_400 = arith.extui %sign3A_399 : i1 to i32
      %sign3A_401 = arith.constant 0 : i32
      %sign3A_402 = arith.cmpi slt, %add3A_163, %sign3A_401 : i32
      %sign3A_403 = arith.extui %sign3A_402 : i1 to i32
      %sign3A_404 = arith.subi %sign3A_400, %sign3A_403 : i32
      %sign3A_405 = arith.constant 0 : i32
      %sign3A_406 = arith.cmpi sgt, %jit3A_396, %sign3A_405 : i32
      %sign3A_407 = arith.extui %sign3A_406 : i1 to i32
      %sign3A_408 = arith.constant 0 : i32
      %sign3A_409 = arith.cmpi slt, %jit3A_396, %sign3A_408 : i32
      %sign3A_410 = arith.extui %sign3A_409 : i1 to i32
      %sign3A_411 = arith.subi %sign3A_407, %sign3A_410 : i32
      %ne3A_412 = arith.cmpi ne, %sign3A_404, %sign3A_411 : i32
      %rem3A_413 = arith.remsi %add3A_163, %jit3A_396 : i32
      %ne3A_414 = arith.constant 0 : i32
      %ne3A_415 = arith.cmpi ne, %rem3A_413, %ne3A_414 : i32
      %and3A_416 = arith.andi %ne3A_412, %ne3A_415 : i1
      %sub3A_417 = arith.constant 1 : i32
      %sub3A_418 = arith.subi %div3A_397, %sub3A_417 : i32
      %select_n3A_419 = arith.select %and3A_416, %sub3A_418, %div3A_397 : i32
      %jit3A_420 = arith.constant 8 : i32
      %eq3A_421 = arith.constant 0 : i32
      %eq3A_422 = arith.cmpi eq, %jit3A_420, %eq3A_421 : i32
      %jit3A_423 = arith.constant 1 : i32
      %select_n3A_424 = arith.select %eq3A_422, %jit3A_423, %jit3A_420 : i32
      %rem3A_425 = arith.remsi %add3A_163, %select_n3A_424 : i32
      %ne3A_426 = arith.constant 0 : i32
      %ne3A_427 = arith.cmpi ne, %rem3A_425, %ne3A_426 : i32
      %lt3A_428 = arith.constant 0 : i32
      %lt3A_429 = arith.cmpi slt, %rem3A_425, %lt3A_428 : i32
      %lt3A_430 = arith.constant 0 : i32
      %lt3A_431 = arith.cmpi slt, %select_n3A_424, %lt3A_430 : i32
      %ne3A_432 = arith.xori %lt3A_429, %lt3A_431 : i1
      %and3A_433 = arith.andi %ne3A_432, %ne3A_427 : i1
      %add3A_434 = arith.addi %rem3A_425, %select_n3A_424 : i32
      %select_n3A_435 = arith.select %and3A_433, %add3A_434, %rem3A_425 : i32
      %dma_wait3A_436 = arith.constant 1 : i32
      %dma_wait3A_437 = arith.constant 0 : i32
      %dma_wait3A_438 = tpu.memref_slice %arg6[%dma_wait3A_436, %dma_wait3A_437] : memref<2x128xi32, #tpu.memory_space<vmem>> -> memref<1x128xi32, #tpu.memory_space<vmem>>
      %dma_wait3A_439 = tpu.memref_squeeze %dma_wait3A_438 : memref<1x128xi32, #tpu.memory_space<vmem>> -> memref<128xi32, #tpu.memory_space<vmem>>
      %dma_wait3A_440 = arith.constant 0 : i32
      %dma_wait3A_441 = tpu.memref_slice %arg2[%select_n3A_419, %add3A, %select_n3A_435, %dma_wait3A_440] : memref<25x32x8x128xi32, #tpu.memory_space<hbm>> -> memref<1x1x1x128xi32, #tpu.memory_space<hbm>>
      %dma_wait3A_442 = tpu.memref_squeeze %dma_wait3A_441 : memref<1x1x1x128xi32, #tpu.memory_space<hbm>> -> memref<128xi32, #tpu.memory_space<hbm>>
      %dma_wait3A_443 = arith.constant 0 : i32
      %dma_wait3A_444 = tpu.memref_slice %arg6[%dma_wait3A_436, %dma_wait3A_443] : memref<2x128xi32, #tpu.memory_space<vmem>> -> memref<1x128xi32, #tpu.memory_space<vmem>>
      %dma_wait3A_445 = tpu.memref_squeeze %dma_wait3A_444 : memref<1x128xi32, #tpu.memory_space<vmem>> -> memref<128xi32, #tpu.memory_space<vmem>>
      %dma_wait3A_446 = arith.constant 0 : i32
      %dma_wait3A_447 = tpu.memref_slice %arg2[%select_n3A_419, %add3A, %select_n3A_435, %dma_wait3A_446] : memref<25x32x8x128xi32, #tpu.memory_space<hbm>> -> memref<1x1x1x128xi32, #tpu.memory_space<hbm>>
      %dma_wait3A_448 = tpu.memref_squeeze %dma_wait3A_447 : memref<1x1x1x128xi32, #tpu.memory_space<hbm>> -> memref<128xi32, #tpu.memory_space<hbm>>
      tpu.wait_dma2 semaphore(%arg11 : memref<!tpu.dma_semaphore, #tpu.memory_space<semaphore_mem>>) src(%dma_wait3A_448 : memref<128xi32, #tpu.memory_space<hbm>>) dst(%dma_wait3A_445 : memref<128xi32, #tpu.memory_space<vmem>>)
      %dma_start3A_449 = arith.constant 0 : i32
      %dma_start3A_450 = arith.constant 0 : i32
      %dma_start3A_451 = tpu.memref_slice %arg6[%dma_start3A_449, %dma_start3A_450] : memref<2x128xi32, #tpu.memory_space<vmem>> -> memref<1x128xi32, #tpu.memory_space<vmem>>
      %dma_start3A_452 = tpu.memref_squeeze %dma_start3A_451 : memref<1x128xi32, #tpu.memory_space<vmem>> -> memref<128xi32, #tpu.memory_space<vmem>>
      %dma_start3A_453 = arith.constant 0 : i32
      %dma_start3A_454 = arith.constant 0 : i32
      %dma_start3A_455 = tpu.memref_slice %arg3[%dma_start3A_453, %dma_start3A_454] : memref<1000000x64xf32, #tpu.memory_space<hbm>> -> memref<1000000x64xf32, #tpu.memory_space<hbm>>
      tpu.enqueue_indirect_dma source(%dma_start3A_455 : memref<1000000x64xf32, #tpu.memory_space<hbm>>) target(%arg7 : memref<128x64xf32, #tpu.memory_space<vmem>>) offsets(%dma_start3A_452 : memref<128xi32, #tpu.memory_space<vmem>>) semaphore(%arg12 : memref<!tpu.dma_semaphore, #tpu.memory_space<semaphore_mem>>)
      %dma_start3A_456 = arith.constant 1 : i32
      %dma_start3A_457 = arith.constant 0 : i32
      %dma_start3A_458 = tpu.memref_slice %arg6[%dma_start3A_456, %dma_start3A_457] : memref<2x128xi32, #tpu.memory_space<vmem>> -> memref<1x128xi32, #tpu.memory_space<vmem>>
      %dma_start3A_459 = tpu.memref_squeeze %dma_start3A_458 : memref<1x128xi32, #tpu.memory_space<vmem>> -> memref<128xi32, #tpu.memory_space<vmem>>
      %dma_start3A_460 = arith.constant 0 : i32
      %dma_start3A_461 = arith.constant 0 : i32
      %dma_start3A_462 = tpu.memref_slice %arg3[%dma_start3A_460, %dma_start3A_461] : memref<1000000x64xf32, #tpu.memory_space<hbm>> -> memref<1000000x64xf32, #tpu.memory_space<hbm>>
      tpu.enqueue_indirect_dma source(%dma_start3A_462 : memref<1000000x64xf32, #tpu.memory_space<hbm>>) target(%arg8 : memref<128x64xf32, #tpu.memory_space<vmem>>) offsets(%dma_start3A_459 : memref<128xi32, #tpu.memory_space<vmem>>) semaphore(%arg13 : memref<!tpu.dma_semaphore, #tpu.memory_space<semaphore_mem>>)
      %lt3A_463 = arith.constant 49 : i32
      %lt3A_464 = arith.cmpi slt, %scan3A_155, %lt3A_463 : i32
      %convert_element_type3A_465 = arith.extui %lt3A_464 : i1 to i32
      %cond3A_466 = arith.constant 0 : i32
      %cond3A_467 = arith.cmpi ne, %convert_element_type3A_465, %cond3A_466 : i32
      scf.if %cond3A_467 {
        %add3A_577 = arith.constant 4 : i32
        %add3A_578 = arith.addi %mul3A_157, %add3A_577 : i32
        %jit3A_579 = arith.constant 8 : i32
        %div3A_580 = arith.divsi %add3A_578, %jit3A_579 : i32
        %sign3A_581 = arith.constant 0 : i32
        %sign3A_582 = arith.cmpi sgt, %add3A_578, %sign3A_581 : i32
        %sign3A_583 = arith.extui %sign3A_582 : i1 to i32
        %sign3A_584 = arith.constant 0 : i32
        %sign3A_585 = arith.cmpi slt, %add3A_578, %sign3A_584 : i32
        %sign3A_586 = arith.extui %sign3A_585 : i1 to i32
        %sign3A_587 = arith.subi %sign3A_583, %sign3A_586 : i32
        %sign3A_588 = arith.constant 0 : i32
        %sign3A_589 = arith.cmpi sgt, %jit3A_579, %sign3A_588 : i32
        %sign3A_590 = arith.extui %sign3A_589 : i1 to i32
        %sign3A_591 = arith.constant 0 : i32
        %sign3A_592 = arith.cmpi slt, %jit3A_579, %sign3A_591 : i32
        %sign3A_593 = arith.extui %sign3A_592 : i1 to i32
        %sign3A_594 = arith.subi %sign3A_590, %sign3A_593 : i32
        %ne3A_595 = arith.cmpi ne, %sign3A_587, %sign3A_594 : i32
        %rem3A_596 = arith.remsi %add3A_578, %jit3A_579 : i32
        %ne3A_597 = arith.constant 0 : i32
        %ne3A_598 = arith.cmpi ne, %rem3A_596, %ne3A_597 : i32
        %and3A_599 = arith.andi %ne3A_595, %ne3A_598 : i1
        %sub3A_600 = arith.constant 1 : i32
        %sub3A_601 = arith.subi %div3A_580, %sub3A_600 : i32
        %select_n3A_602 = arith.select %and3A_599, %sub3A_601, %div3A_580 : i32
        %jit3A_603 = arith.constant 8 : i32
        %eq3A_604 = arith.constant 0 : i32
        %eq3A_605 = arith.cmpi eq, %jit3A_603, %eq3A_604 : i32
        %jit3A_606 = arith.constant 1 : i32
        %select_n3A_607 = arith.select %eq3A_605, %jit3A_606, %jit3A_603 : i32
        %rem3A_608 = arith.remsi %add3A_578, %select_n3A_607 : i32
        %ne3A_609 = arith.constant 0 : i32
        %ne3A_610 = arith.cmpi ne, %rem3A_608, %ne3A_609 : i32
        %lt3A_611 = arith.constant 0 : i32
        %lt3A_612 = arith.cmpi slt, %rem3A_608, %lt3A_611 : i32
        %lt3A_613 = arith.constant 0 : i32
        %lt3A_614 = arith.cmpi slt, %select_n3A_607, %lt3A_613 : i32
        %ne3A_615 = arith.xori %lt3A_612, %lt3A_614 : i1
        %and3A_616 = arith.andi %ne3A_615, %ne3A_610 : i1
        %add3A_617 = arith.addi %rem3A_608, %select_n3A_607 : i32
        %select_n3A_618 = arith.select %and3A_616, %add3A_617, %rem3A_608 : i32
        %dma_start3A_619 = arith.constant 0 : i32
        %dma_start3A_620 = arith.constant 0 : i32
        %dma_start3A_621 = tpu.memref_slice %arg5[%dma_start3A_619, %dma_start3A_620] : memref<2x128xi32, #tpu.memory_space<vmem>> -> memref<1x128xi32, #tpu.memory_space<vmem>>
        %dma_start3A_622 = tpu.memref_squeeze %dma_start3A_621 : memref<1x128xi32, #tpu.memory_space<vmem>> -> memref<128xi32, #tpu.memory_space<vmem>>
        %dma_start3A_623 = arith.constant 0 : i32
        %dma_start3A_624 = tpu.memref_slice %arg2[%select_n3A_602, %add3A, %select_n3A_618, %dma_start3A_623] : memref<25x32x8x128xi32, #tpu.memory_space<hbm>> -> memref<1x1x1x128xi32, #tpu.memory_space<hbm>>
        %dma_start3A_625 = tpu.memref_squeeze %dma_start3A_624 : memref<1x1x1x128xi32, #tpu.memory_space<hbm>> -> memref<128xi32, #tpu.memory_space<hbm>>
        %dma_start3A_626 = arith.constant 0 : i32
        %dma_start3A_627 = tpu.memref_slice %arg5[%dma_start3A_619, %dma_start3A_626] : memref<2x128xi32, #tpu.memory_space<vmem>> -> memref<1x128xi32, #tpu.memory_space<vmem>>
        %dma_start3A_628 = tpu.memref_squeeze %dma_start3A_627 : memref<1x128xi32, #tpu.memory_space<vmem>> -> memref<128xi32, #tpu.memory_space<vmem>>
        %dma_start3A_629 = arith.constant 0 : i32
        %dma_start3A_630 = tpu.memref_slice %arg2[%select_n3A_602, %add3A, %select_n3A_618, %dma_start3A_629] : memref<25x32x8x128xi32, #tpu.memory_space<hbm>> -> memref<1x1x1x128xi32, #tpu.memory_space<hbm>>
        %dma_start3A_631 = tpu.memref_squeeze %dma_start3A_630 : memref<1x1x1x128xi32, #tpu.memory_space<hbm>> -> memref<128xi32, #tpu.memory_space<hbm>>
        tpu.enqueue_dma source(%dma_start3A_631 : memref<128xi32, #tpu.memory_space<hbm>>) target(%dma_start3A_628 : memref<128xi32, #tpu.memory_space<vmem>>) target_semaphore(%arg11 : memref<!tpu.dma_semaphore, #tpu.memory_space<semaphore_mem>>)
        %add3A_632 = arith.constant 4 : i32
        %add3A_633 = arith.addi %add3A_159, %add3A_632 : i32
        %jit3A_634 = arith.constant 8 : i32
        %div3A_635 = arith.divsi %add3A_633, %jit3A_634 : i32
        %sign3A_636 = arith.constant 0 : i32
        %sign3A_637 = arith.cmpi sgt, %add3A_633, %sign3A_636 : i32
        %sign3A_638 = arith.extui %sign3A_637 : i1 to i32
        %sign3A_639 = arith.constant 0 : i32
        %sign3A_640 = arith.cmpi slt, %add3A_633, %sign3A_639 : i32
        %sign3A_641 = arith.extui %sign3A_640 : i1 to i32
        %sign3A_642 = arith.subi %sign3A_638, %sign3A_641 : i32
        %sign3A_643 = arith.constant 0 : i32
        %sign3A_644 = arith.cmpi sgt, %jit3A_634, %sign3A_643 : i32
        %sign3A_645 = arith.extui %sign3A_644 : i1 to i32
        %sign3A_646 = arith.constant 0 : i32
        %sign3A_647 = arith.cmpi slt, %jit3A_634, %sign3A_646 : i32
        %sign3A_648 = arith.extui %sign3A_647 : i1 to i32
        %sign3A_649 = arith.subi %sign3A_645, %sign3A_648 : i32
        %ne3A_650 = arith.cmpi ne, %sign3A_642, %sign3A_649 : i32
        %rem3A_651 = arith.remsi %add3A_633, %jit3A_634 : i32
        %ne3A_652 = arith.constant 0 : i32
        %ne3A_653 = arith.cmpi ne, %rem3A_651, %ne3A_652 : i32
        %and3A_654 = arith.andi %ne3A_650, %ne3A_653 : i1
        %sub3A_655 = arith.constant 1 : i32
        %sub3A_656 = arith.subi %div3A_635, %sub3A_655 : i32
        %select_n3A_657 = arith.select %and3A_654, %sub3A_656, %div3A_635 : i32
        %jit3A_658 = arith.constant 8 : i32
        %eq3A_659 = arith.constant 0 : i32
        %eq3A_660 = arith.cmpi eq, %jit3A_658, %eq3A_659 : i32
        %jit3A_661 = arith.constant 1 : i32
        %select_n3A_662 = arith.select %eq3A_660, %jit3A_661, %jit3A_658 : i32
        %rem3A_663 = arith.remsi %add3A_633, %select_n3A_662 : i32
        %ne3A_664 = arith.constant 0 : i32
        %ne3A_665 = arith.cmpi ne, %rem3A_663, %ne3A_664 : i32
        %lt3A_666 = arith.constant 0 : i32
        %lt3A_667 = arith.cmpi slt, %rem3A_663, %lt3A_666 : i32
        %lt3A_668 = arith.constant 0 : i32
        %lt3A_669 = arith.cmpi slt, %select_n3A_662, %lt3A_668 : i32
        %ne3A_670 = arith.xori %lt3A_667, %lt3A_669 : i1
        %and3A_671 = arith.andi %ne3A_670, %ne3A_665 : i1
        %add3A_672 = arith.addi %rem3A_663, %select_n3A_662 : i32
        %select_n3A_673 = arith.select %and3A_671, %add3A_672, %rem3A_663 : i32
        %dma_start3A_674 = arith.constant 1 : i32
        %dma_start3A_675 = arith.constant 0 : i32
        %dma_start3A_676 = tpu.memref_slice %arg5[%dma_start3A_674, %dma_start3A_675] : memref<2x128xi32, #tpu.memory_space<vmem>> -> memref<1x128xi32, #tpu.memory_space<vmem>>
        %dma_start3A_677 = tpu.memref_squeeze %dma_start3A_676 : memref<1x128xi32, #tpu.memory_space<vmem>> -> memref<128xi32, #tpu.memory_space<vmem>>
        %dma_start3A_678 = arith.constant 0 : i32
        %dma_start3A_679 = tpu.memref_slice %arg2[%select_n3A_657, %add3A, %select_n3A_673, %dma_start3A_678] : memref<25x32x8x128xi32, #tpu.memory_space<hbm>> -> memref<1x1x1x128xi32, #tpu.memory_space<hbm>>
        %dma_start3A_680 = tpu.memref_squeeze %dma_start3A_679 : memref<1x1x1x128xi32, #tpu.memory_space<hbm>> -> memref<128xi32, #tpu.memory_space<hbm>>
        %dma_start3A_681 = arith.constant 0 : i32
        %dma_start3A_682 = tpu.memref_slice %arg5[%dma_start3A_674, %dma_start3A_681] : memref<2x128xi32, #tpu.memory_space<vmem>> -> memref<1x128xi32, #tpu.memory_space<vmem>>
        %dma_start3A_683 = tpu.memref_squeeze %dma_start3A_682 : memref<1x128xi32, #tpu.memory_space<vmem>> -> memref<128xi32, #tpu.memory_space<vmem>>
        %dma_start3A_684 = arith.constant 0 : i32
        %dma_start3A_685 = tpu.memref_slice %arg2[%select_n3A_657, %add3A, %select_n3A_673, %dma_start3A_684] : memref<25x32x8x128xi32, #tpu.memory_space<hbm>> -> memref<1x1x1x128xi32, #tpu.memory_space<hbm>>
        %dma_start3A_686 = tpu.memref_squeeze %dma_start3A_685 : memref<1x1x1x128xi32, #tpu.memory_space<hbm>> -> memref<128xi32, #tpu.memory_space<hbm>>
        tpu.enqueue_dma source(%dma_start3A_686 : memref<128xi32, #tpu.memory_space<hbm>>) target(%dma_start3A_683 : memref<128xi32, #tpu.memory_space<vmem>>) target_semaphore(%arg11 : memref<!tpu.dma_semaphore, #tpu.memory_space<semaphore_mem>>)
      } else {
      }
      %dma_wait3A_468 = arith.constant 0 : i32
      %dma_wait3A_469 = arith.constant 0 : i32
      %dma_wait3A_470 = tpu.memref_slice %arg6[%dma_wait3A_468, %dma_wait3A_469] : memref<2x128xi32, #tpu.memory_space<vmem>> -> memref<1x128xi32, #tpu.memory_space<vmem>>
      %dma_wait3A_471 = tpu.memref_squeeze %dma_wait3A_470 : memref<1x128xi32, #tpu.memory_space<vmem>> -> memref<128xi32, #tpu.memory_space<vmem>>
      %dma_wait3A_472 = arith.constant 0 : i32
      %dma_wait3A_473 = arith.constant 0 : i32
      %dma_wait3A_474 = tpu.memref_slice %arg3[%dma_wait3A_472, %dma_wait3A_473] : memref<1000000x64xf32, #tpu.memory_space<hbm>> -> memref<1000000x64xf32, #tpu.memory_space<hbm>>
      tpu.wait_indirect_dma semaphore(%arg12 : memref<!tpu.dma_semaphore, #tpu.memory_space<semaphore_mem>>) src(%dma_wait3A_474 : memref<1000000x64xf32, #tpu.memory_space<hbm>>) dst(%arg7 : memref<128x64xf32, #tpu.memory_space<vmem>>)
      %dma_wait3A_475 = arith.constant 0 : i32
      %dma_wait3A_476 = arith.constant 0 : i32
      %dma_wait3A_477 = arith.constant 0 : i32
      %dma_wait3A_478 = tpu.memref_slice %arg9[%dma_wait3A_475, %dma_wait3A_476, %dma_wait3A_477] : memref<8x8x129xf32, #tpu.memory_space<vmem>> -> memref<8x8x128xf32, #tpu.memory_space<vmem>>
      %dma_wait3A_479 = arith.constant 0 : i32
      %dma_wait3A_480 = arith.constant 0 : i32
      %dma_wait3A_481 = arith.constant 0 : i32
      %dma_wait3A_482 = tpu.memref_slice %arg4[%add3A_161, %dma_wait3A_479, %add3A, %dma_wait3A_480, %dma_wait3A_481] : memref<200x8x32x8x128xf32, #tpu.memory_space<hbm>> -> memref<1x8x1x8x128xf32, #tpu.memory_space<hbm>>
      %dma_wait3A_483 = tpu.memref_squeeze %dma_wait3A_482 : memref<1x8x1x8x128xf32, #tpu.memory_space<hbm>> -> memref<8x8x128xf32, #tpu.memory_space<hbm>>
      %dma_wait3A_484 = arith.constant 0 : i32
      %dma_wait3A_485 = arith.constant 0 : i32
      %dma_wait3A_486 = arith.constant 0 : i32
      %dma_wait3A_487 = tpu.memref_slice %arg4[%add3A_161, %dma_wait3A_484, %add3A, %dma_wait3A_485, %dma_wait3A_486] : memref<200x8x32x8x128xf32, #tpu.memory_space<hbm>> -> memref<1x8x1x8x128xf32, #tpu.memory_space<hbm>>
      %dma_wait3A_488 = tpu.memref_squeeze %dma_wait3A_487 : memref<1x8x1x8x128xf32, #tpu.memory_space<hbm>> -> memref<8x8x128xf32, #tpu.memory_space<hbm>>
      %dma_wait3A_489 = arith.constant 0 : i32
      %dma_wait3A_490 = arith.constant 0 : i32
      %dma_wait3A_491 = arith.constant 0 : i32
      %dma_wait3A_492 = tpu.memref_slice %arg9[%dma_wait3A_489, %dma_wait3A_490, %dma_wait3A_491] : memref<8x8x129xf32, #tpu.memory_space<vmem>> -> memref<8x8x128xf32, #tpu.memory_space<vmem>>
      tpu.wait_dma2 semaphore(%arg14 : memref<!tpu.dma_semaphore, #tpu.memory_space<semaphore_mem>>) src(%dma_wait3A_492 : memref<8x8x128xf32, #tpu.memory_space<vmem>>) dst(%dma_wait3A_488 : memref<8x8x128xf32, #tpu.memory_space<hbm>>)
      %mul3A_493 = arith.constant 0 : i32
      %mul3A_494 = vector.broadcast %mul3A_493 : i32 to vector<16xi32>
      %mul3A_495 = arith.muli %iota3A, %mul3A_494 : vector<16xi32>
      %scan3A_496 = arith.constant 0 : i32
      %scan3A_497 = arith.constant 16 : i32
      %scan3A_498 = arith.addi %scan3A_496, %scan3A_497 : i32
      %scan3A_499 = arith.constant 1 : i32
      %scan3A_500 = scf.for %scan3A_577 = %scan3A_496 to %scan3A_498 step %scan3A_499 iter_args(%scan3A_578 = %mul3A_495) -> (vector<16xi32>)  : i32 {
        %mul3A_579 = arith.constant 8 : i32
        %mul3A_580 = arith.muli %scan3A_577, %mul3A_579 : i32
        %add3A_581 = arith.constant 0 : i32
        %add3A_582 = arith.addi %mul3A_580, %add3A_581 : i32
        %get3A = arith.index_cast %add3A_582 : i32 to index
        %get3A_583 = arith.constant 0 : index
        %get3A_584 = tpu.vector_load %arg7[%get3A, %get3A_583] {strides = array<i32>} : memref<128x64xf32, #tpu.memory_space<vmem>>, vector<16xf32>,
        tpu.vector_store_idx %arg9[%shift_right_arithmetic3A_5, %and3A_28, %scan3A_578], %get3A_584 : memref<8x8x129xf32, #tpu.memory_space<vmem>>[vector<16xi32>, vector<16xi32>, vector<16xi32>], vector<16xf32>,
        %mul3A_585 = arith.constant 8 : i32
        %mul3A_586 = arith.muli %scan3A_577, %mul3A_585 : i32
        %add3A_587 = arith.constant 0 : i32
        %add3A_588 = arith.addi %mul3A_586, %add3A_587 : i32
        %get3A_589 = arith.index_cast %add3A_588 : i32 to index
        %get3A_590 = arith.constant 16 : index
        %get3A_591 = tpu.vector_load %arg7[%get3A_589, %get3A_590] {strides = array<i32>} : memref<128x64xf32, #tpu.memory_space<vmem>>, vector<16xf32>,
        tpu.vector_store_idx %arg9[%shift_right_arithmetic3A_11, %and3A_34, %scan3A_578], %get3A_591 : memref<8x8x129xf32, #tpu.memory_space<vmem>>[vector<16xi32>, vector<16xi32>, vector<16xi32>], vector<16xf32>,
        %mul3A_592 = arith.constant 8 : i32
        %mul3A_593 = arith.muli %scan3A_577, %mul3A_592 : i32
        %add3A_594 = arith.constant 0 : i32
        %add3A_595 = arith.addi %mul3A_593, %add3A_594 : i32
        %get3A_596 = arith.index_cast %add3A_595 : i32 to index
        %get3A_597 = arith.constant 32 : index
        %get3A_598 = tpu.vector_load %arg7[%get3A_596, %get3A_597] {strides = array<i32>} : memref<128x64xf32, #tpu.memory_space<vmem>>, vector<16xf32>,
        tpu.vector_store_idx %arg9[%shift_right_arithmetic3A_17, %and3A_40, %scan3A_578], %get3A_598 : memref<8x8x129xf32, #tpu.memory_space<vmem>>[vector<16xi32>, vector<16xi32>, vector<16xi32>], vector<16xf32>,
        %mul3A_599 = arith.constant 8 : i32
        %mul3A_600 = arith.muli %scan3A_577, %mul3A_599 : i32
        %add3A_601 = arith.constant 0 : i32
        %add3A_602 = arith.addi %mul3A_600, %add3A_601 : i32
        %get3A_603 = arith.index_cast %add3A_602 : i32 to index
        %get3A_604 = arith.constant 48 : index
        %get3A_605 = tpu.vector_load %arg7[%get3A_603, %get3A_604] {strides = array<i32>} : memref<128x64xf32, #tpu.memory_space<vmem>>, vector<16xf32>,
        tpu.vector_store_idx %arg9[%shift_right_arithmetic3A_23, %and3A_46, %scan3A_578], %get3A_605 : memref<8x8x129xf32, #tpu.memory_space<vmem>>[vector<16xi32>, vector<16xi32>, vector<16xi32>], vector<16xf32>,
        %add3A_606 = arith.constant 1 : i32
        %add3A_607 = vector.broadcast %add3A_606 : i32 to vector<16xi32>
        %add3A_608 = arith.addi %scan3A_578, %add3A_607 : vector<16xi32>
        %mul3A_609 = arith.constant 8 : i32
        %mul3A_610 = arith.muli %scan3A_577, %mul3A_609 : i32
        %add3A_611 = arith.constant 1 : i32
        %add3A_612 = arith.addi %mul3A_610, %add3A_611 : i32
        %get3A_613 = arith.index_cast %add3A_612 : i32 to index
        %get3A_614 = arith.constant 0 : index
        %get3A_615 = tpu.vector_load %arg7[%get3A_613, %get3A_614] {strides = array<i32>} : memref<128x64xf32, #tpu.memory_space<vmem>>, vector<16xf32>,
        tpu.vector_store_idx %arg9[%shift_right_arithmetic3A_5, %and3A_28, %add3A_608], %get3A_615 : memref<8x8x129xf32, #tpu.memory_space<vmem>>[vector<16xi32>, vector<16xi32>, vector<16xi32>], vector<16xf32>,
        %mul3A_616 = arith.constant 8 : i32
        %mul3A_617 = arith.muli %scan3A_577, %mul3A_616 : i32
        %add3A_618 = arith.constant 1 : i32
        %add3A_619 = arith.addi %mul3A_617, %add3A_618 : i32
        %get3A_620 = arith.index_cast %add3A_619 : i32 to index
        %get3A_621 = arith.constant 16 : index
        %get3A_622 = tpu.vector_load %arg7[%get3A_620, %get3A_621] {strides = array<i32>} : memref<128x64xf32, #tpu.memory_space<vmem>>, vector<16xf32>,
        tpu.vector_store_idx %arg9[%shift_right_arithmetic3A_11, %and3A_34, %add3A_608], %get3A_622 : memref<8x8x129xf32, #tpu.memory_space<vmem>>[vector<16xi32>, vector<16xi32>, vector<16xi32>], vector<16xf32>,
        %mul3A_623 = arith.constant 8 : i32
        %mul3A_624 = arith.muli %scan3A_577, %mul3A_623 : i32
        %add3A_625 = arith.constant 1 : i32
        %add3A_626 = arith.addi %mul3A_624, %add3A_625 : i32
        %get3A_627 = arith.index_cast %add3A_626 : i32 to index
        %get3A_628 = arith.constant 32 : index
        %get3A_629 = tpu.vector_load %arg7[%get3A_627, %get3A_628] {strides = array<i32>} : memref<128x64xf32, #tpu.memory_space<vmem>>, vector<16xf32>,
        tpu.vector_store_idx %arg9[%shift_right_arithmetic3A_17, %and3A_40, %add3A_608], %get3A_629 : memref<8x8x129xf32, #tpu.memory_space<vmem>>[vector<16xi32>, vector<16xi32>, vector<16xi32>], vector<16xf32>,
        %mul3A_630 = arith.constant 8 : i32
        %mul3A_631 = arith.muli %scan3A_577, %mul3A_630 : i32
        %add3A_632 = arith.constant 1 : i32
        %add3A_633 = arith.addi %mul3A_631, %add3A_632 : i32
        %get3A_634 = arith.index_cast %add3A_633 : i32 to index
        %get3A_635 = arith.constant 48 : index
        %get3A_636 = tpu.vector_load %arg7[%get3A_634, %get3A_635] {strides = array<i32>} : memref<128x64xf32, #tpu.memory_space<vmem>>, vector<16xf32>,
        tpu.vector_store_idx %arg9[%shift_right_arithmetic3A_23, %and3A_46, %add3A_608], %get3A_636 : memref<8x8x129xf32, #tpu.memory_space<vmem>>[vector<16xi32>, vector<16xi32>, vector<16xi32>], vector<16xf32>,
        %add3A_637 = arith.constant 1 : i32
        %add3A_638 = vector.broadcast %add3A_637 : i32 to vector<16xi32>
        %add3A_639 = arith.addi %add3A_608, %add3A_638 : vector<16xi32>
        %mul3A_640 = arith.constant 8 : i32
        %mul3A_641 = arith.muli %scan3A_577, %mul3A_640 : i32
        %add3A_642 = arith.constant 2 : i32
        %add3A_643 = arith.addi %mul3A_641, %add3A_642 : i32
        %get3A_644 = arith.index_cast %add3A_643 : i32 to index
        %get3A_645 = arith.constant 0 : index
        %get3A_646 = tpu.vector_load %arg7[%get3A_644, %get3A_645] {strides = array<i32>} : memref<128x64xf32, #tpu.memory_space<vmem>>, vector<16xf32>,
        tpu.vector_store_idx %arg9[%shift_right_arithmetic3A_5, %and3A_28, %add3A_639], %get3A_646 : memref<8x8x129xf32, #tpu.memory_space<vmem>>[vector<16xi32>, vector<16xi32>, vector<16xi32>], vector<16xf32>,
        %mul3A_647 = arith.constant 8 : i32
        %mul3A_648 = arith.muli %scan3A_577, %mul3A_647 : i32
        %add3A_649 = arith.constant 2 : i32
        %add3A_650 = arith.addi %mul3A_648, %add3A_649 : i32
        %get3A_651 = arith.index_cast %add3A_650 : i32 to index
        %get3A_652 = arith.constant 16 : index
        %get3A_653 = tpu.vector_load %arg7[%get3A_651, %get3A_652] {strides = array<i32>} : memref<128x64xf32, #tpu.memory_space<vmem>>, vector<16xf32>,
        tpu.vector_store_idx %arg9[%shift_right_arithmetic3A_11, %and3A_34, %add3A_639], %get3A_653 : memref<8x8x129xf32, #tpu.memory_space<vmem>>[vector<16xi32>, vector<16xi32>, vector<16xi32>], vector<16xf32>,
        %mul3A_654 = arith.constant 8 : i32
        %mul3A_655 = arith.muli %scan3A_577, %mul3A_654 : i32
        %add3A_656 = arith.constant 2 : i32
        %add3A_657 = arith.addi %mul3A_655, %add3A_656 : i32
        %get3A_658 = arith.index_cast %add3A_657 : i32 to index
        %get3A_659 = arith.constant 32 : index
        %get3A_660 = tpu.vector_load %arg7[%get3A_658, %get3A_659] {strides = array<i32>} : memref<128x64xf32, #tpu.memory_space<vmem>>, vector<16xf32>,
        tpu.vector_store_idx %arg9[%shift_right_arithmetic3A_17, %and3A_40, %add3A_639], %get3A_660 : memref<8x8x129xf32, #tpu.memory_space<vmem>>[vector<16xi32>, vector<16xi32>, vector<16xi32>], vector<16xf32>,
        %mul3A_661 = arith.constant 8 : i32
        %mul3A_662 = arith.muli %scan3A_577, %mul3A_661 : i32
        %add3A_663 = arith.constant 2 : i32
        %add3A_664 = arith.addi %mul3A_662, %add3A_663 : i32
        %get3A_665 = arith.index_cast %add3A_664 : i32 to index
        %get3A_666 = arith.constant 48 : index
        %get3A_667 = tpu.vector_load %arg7[%get3A_665, %get3A_666] {strides = array<i32>} : memref<128x64xf32, #tpu.memory_space<vmem>>, vector<16xf32>,
        tpu.vector_store_idx %arg9[%shift_right_arithmetic3A_23, %and3A_46, %add3A_639], %get3A_667 : memref<8x8x129xf32, #tpu.memory_space<vmem>>[vector<16xi32>, vector<16xi32>, vector<16xi32>], vector<16xf32>,
        %add3A_668 = arith.constant 1 : i32
        %add3A_669 = vector.broadcast %add3A_668 : i32 to vector<16xi32>
        %add3A_670 = arith.addi %add3A_639, %add3A_669 : vector<16xi32>
        %mul3A_671 = arith.constant 8 : i32
        %mul3A_672 = arith.muli %scan3A_577, %mul3A_671 : i32
        %add3A_673 = arith.constant 3 : i32
        %add3A_674 = arith.addi %mul3A_672, %add3A_673 : i32
        %get3A_675 = arith.index_cast %add3A_674 : i32 to index
        %get3A_676 = arith.constant 0 : index
        %get3A_677 = tpu.vector_load %arg7[%get3A_675, %get3A_676] {strides = array<i32>} : memref<128x64xf32, #tpu.memory_space<vmem>>, vector<16xf32>,
        tpu.vector_store_idx %arg9[%shift_right_arithmetic3A_5, %and3A_28, %add3A_670], %get3A_677 : memref<8x8x129xf32, #tpu.memory_space<vmem>>[vector<16xi32>, vector<16xi32>, vector<16xi32>], vector<16xf32>,
        %mul3A_678 = arith.constant 8 : i32
        %mul3A_679 = arith.muli %scan3A_577, %mul3A_678 : i32
        %add3A_680 = arith.constant 3 : i32
        %add3A_681 = arith.addi %mul3A_679, %add3A_680 : i32
        %get3A_682 = arith.index_cast %add3A_681 : i32 to index
        %get3A_683 = arith.constant 16 : index
        %get3A_684 = tpu.vector_load %arg7[%get3A_682, %get3A_683] {strides = array<i32>} : memref<128x64xf32, #tpu.memory_space<vmem>>, vector<16xf32>,
        tpu.vector_store_idx %arg9[%shift_right_arithmetic3A_11, %and3A_34, %add3A_670], %get3A_684 : memref<8x8x129xf32, #tpu.memory_space<vmem>>[vector<16xi32>, vector<16xi32>, vector<16xi32>], vector<16xf32>,
        %mul3A_685 = arith.constant 8 : i32
        %mul3A_686 = arith.muli %scan3A_577, %mul3A_685 : i32
        %add3A_687 = arith.constant 3 : i32
        %add3A_688 = arith.addi %mul3A_686, %add3A_687 : i32
        %get3A_689 = arith.index_cast %add3A_688 : i32 to index
        %get3A_690 = arith.constant 32 : index
        %get3A_691 = tpu.vector_load %arg7[%get3A_689, %get3A_690] {strides = array<i32>} : memref<128x64xf32, #tpu.memory_space<vmem>>, vector<16xf32>,
        tpu.vector_store_idx %arg9[%shift_right_arithmetic3A_17, %and3A_40, %add3A_670], %get3A_691 : memref<8x8x129xf32, #tpu.memory_space<vmem>>[vector<16xi32>, vector<16xi32>, vector<16xi32>], vector<16xf32>,
        %mul3A_692 = arith.constant 8 : i32
        %mul3A_693 = arith.muli %scan3A_577, %mul3A_692 : i32
        %add3A_694 = arith.constant 3 : i32
        %add3A_695 = arith.addi %mul3A_693, %add3A_694 : i32
        %get3A_696 = arith.index_cast %add3A_695 : i32 to index
        %get3A_697 = arith.constant 48 : index
        %get3A_698 = tpu.vector_load %arg7[%get3A_696, %get3A_697] {strides = array<i32>} : memref<128x64xf32, #tpu.memory_space<vmem>>, vector<16xf32>,
        tpu.vector_store_idx %arg9[%shift_right_arithmetic3A_23, %and3A_46, %add3A_670], %get3A_698 : memref<8x8x129xf32, #tpu.memory_space<vmem>>[vector<16xi32>, vector<16xi32>, vector<16xi32>], vector<16xf32>,
        %add3A_699 = arith.constant 1 : i32
        %add3A_700 = vector.broadcast %add3A_699 : i32 to vector<16xi32>
        %add3A_701 = arith.addi %add3A_670, %add3A_700 : vector<16xi32>
        %mul3A_702 = arith.constant 8 : i32
        %mul3A_703 = arith.muli %scan3A_577, %mul3A_702 : i32
        %add3A_704 = arith.constant 4 : i32
        %add3A_705 = arith.addi %mul3A_703, %add3A_704 : i32
        %get3A_706 = arith.index_cast %add3A_705 : i32 to index
        %get3A_707 = arith.constant 0 : index
        %get3A_708 = tpu.vector_load %arg7[%get3A_706, %get3A_707] {strides = array<i32>} : memref<128x64xf32, #tpu.memory_space<vmem>>, vector<16xf32>,
        tpu.vector_store_idx %arg9[%shift_right_arithmetic3A_5, %and3A_28, %add3A_701], %get3A_708 : memref<8x8x129xf32, #tpu.memory_space<vmem>>[vector<16xi32>, vector<16xi32>, vector<16xi32>], vector<16xf32>,
        %mul3A_709 = arith.constant 8 : i32
        %mul3A_710 = arith.muli %scan3A_577, %mul3A_709 : i32
        %add3A_711 = arith.constant 4 : i32
        %add3A_712 = arith.addi %mul3A_710, %add3A_711 : i32
        %get3A_713 = arith.index_cast %add3A_712 : i32 to index
        %get3A_714 = arith.constant 16 : index
        %get3A_715 = tpu.vector_load %arg7[%get3A_713, %get3A_714] {strides = array<i32>} : memref<128x64xf32, #tpu.memory_space<vmem>>, vector<16xf32>,
        tpu.vector_store_idx %arg9[%shift_right_arithmetic3A_11, %and3A_34, %add3A_701], %get3A_715 : memref<8x8x129xf32, #tpu.memory_space<vmem>>[vector<16xi32>, vector<16xi32>, vector<16xi32>], vector<16xf32>,
        %mul3A_716 = arith.constant 8 : i32
        %mul3A_717 = arith.muli %scan3A_577, %mul3A_716 : i32
        %add3A_718 = arith.constant 4 : i32
        %add3A_719 = arith.addi %mul3A_717, %add3A_718 : i32
        %get3A_720 = arith.index_cast %add3A_719 : i32 to index
        %get3A_721 = arith.constant 32 : index
        %get3A_722 = tpu.vector_load %arg7[%get3A_720, %get3A_721] {strides = array<i32>} : memref<128x64xf32, #tpu.memory_space<vmem>>, vector<16xf32>,
        tpu.vector_store_idx %arg9[%shift_right_arithmetic3A_17, %and3A_40, %add3A_701], %get3A_722 : memref<8x8x129xf32, #tpu.memory_space<vmem>>[vector<16xi32>, vector<16xi32>, vector<16xi32>], vector<16xf32>,
        %mul3A_723 = arith.constant 8 : i32
        %mul3A_724 = arith.muli %scan3A_577, %mul3A_723 : i32
        %add3A_725 = arith.constant 4 : i32
        %add3A_726 = arith.addi %mul3A_724, %add3A_725 : i32
        %get3A_727 = arith.index_cast %add3A_726 : i32 to index
        %get3A_728 = arith.constant 48 : index
        %get3A_729 = tpu.vector_load %arg7[%get3A_727, %get3A_728] {strides = array<i32>} : memref<128x64xf32, #tpu.memory_space<vmem>>, vector<16xf32>,
        tpu.vector_store_idx %arg9[%shift_right_arithmetic3A_23, %and3A_46, %add3A_701], %get3A_729 : memref<8x8x129xf32, #tpu.memory_space<vmem>>[vector<16xi32>, vector<16xi32>, vector<16xi32>], vector<16xf32>,
        %add3A_730 = arith.constant 1 : i32
        %add3A_731 = vector.broadcast %add3A_730 : i32 to vector<16xi32>
        %add3A_732 = arith.addi %add3A_701, %add3A_731 : vector<16xi32>
        %mul3A_733 = arith.constant 8 : i32
        %mul3A_734 = arith.muli %scan3A_577, %mul3A_733 : i32
        %add3A_735 = arith.constant 5 : i32
        %add3A_736 = arith.addi %mul3A_734, %add3A_735 : i32
        %get3A_737 = arith.index_cast %add3A_736 : i32 to index
        %get3A_738 = arith.constant 0 : index
        %get3A_739 = tpu.vector_load %arg7[%get3A_737, %get3A_738] {strides = array<i32>} : memref<128x64xf32, #tpu.memory_space<vmem>>, vector<16xf32>,
        tpu.vector_store_idx %arg9[%shift_right_arithmetic3A_5, %and3A_28, %add3A_732], %get3A_739 : memref<8x8x129xf32, #tpu.memory_space<vmem>>[vector<16xi32>, vector<16xi32>, vector<16xi32>], vector<16xf32>,
        %mul3A_740 = arith.constant 8 : i32
        %mul3A_741 = arith.muli %scan3A_577, %mul3A_740 : i32
        %add3A_742 = arith.constant 5 : i32
        %add3A_743 = arith.addi %mul3A_741, %add3A_742 : i32
        %get3A_744 = arith.index_cast %add3A_743 : i32 to index
        %get3A_745 = arith.constant 16 : index
        %get3A_746 = tpu.vector_load %arg7[%get3A_744, %get3A_745] {strides = array<i32>} : memref<128x64xf32, #tpu.memory_space<vmem>>, vector<16xf32>,
        tpu.vector_store_idx %arg9[%shift_right_arithmetic3A_11, %and3A_34, %add3A_732], %get3A_746 : memref<8x8x129xf32, #tpu.memory_space<vmem>>[vector<16xi32>, vector<16xi32>, vector<16xi32>], vector<16xf32>,
        %mul3A_747 = arith.constant 8 : i32
        %mul3A_748 = arith.muli %scan3A_577, %mul3A_747 : i32
        %add3A_749 = arith.constant 5 : i32
        %add3A_750 = arith.addi %mul3A_748, %add3A_749 : i32
        %get3A_751 = arith.index_cast %add3A_750 : i32 to index
        %get3A_752 = arith.constant 32 : index
        %get3A_753 = tpu.vector_load %arg7[%get3A_751, %get3A_752] {strides = array<i32>} : memref<128x64xf32, #tpu.memory_space<vmem>>, vector<16xf32>,
        tpu.vector_store_idx %arg9[%shift_right_arithmetic3A_17, %and3A_40, %add3A_732], %get3A_753 : memref<8x8x129xf32, #tpu.memory_space<vmem>>[vector<16xi32>, vector<16xi32>, vector<16xi32>], vector<16xf32>,
        %mul3A_754 = arith.constant 8 : i32
        %mul3A_755 = arith.muli %scan3A_577, %mul3A_754 : i32
        %add3A_756 = arith.constant 5 : i32
        %add3A_757 = arith.addi %mul3A_755, %add3A_756 : i32
        %get3A_758 = arith.index_cast %add3A_757 : i32 to index
        %get3A_759 = arith.constant 48 : index
        %get3A_760 = tpu.vector_load %arg7[%get3A_758, %get3A_759] {strides = array<i32>} : memref<128x64xf32, #tpu.memory_space<vmem>>, vector<16xf32>,
        tpu.vector_store_idx %arg9[%shift_right_arithmetic3A_23, %and3A_46, %add3A_732], %get3A_760 : memref<8x8x129xf32, #tpu.memory_space<vmem>>[vector<16xi32>, vector<16xi32>, vector<16xi32>], vector<16xf32>,
        %add3A_761 = arith.constant 1 : i32
        %add3A_762 = vector.broadcast %add3A_761 : i32 to vector<16xi32>
        %add3A_763 = arith.addi %add3A_732, %add3A_762 : vector<16xi32>
        %mul3A_764 = arith.constant 8 : i32
        %mul3A_765 = arith.muli %scan3A_577, %mul3A_764 : i32
        %add3A_766 = arith.constant 6 : i32
        %add3A_767 = arith.addi %mul3A_765, %add3A_766 : i32
        %get3A_768 = arith.index_cast %add3A_767 : i32 to index
        %get3A_769 = arith.constant 0 : index
        %get3A_770 = tpu.vector_load %arg7[%get3A_768, %get3A_769] {strides = array<i32>} : memref<128x64xf32, #tpu.memory_space<vmem>>, vector<16xf32>,
        tpu.vector_store_idx %arg9[%shift_right_arithmetic3A_5, %and3A_28, %add3A_763], %get3A_770 : memref<8x8x129xf32, #tpu.memory_space<vmem>>[vector<16xi32>, vector<16xi32>, vector<16xi32>], vector<16xf32>,
        %mul3A_771 = arith.constant 8 : i32
        %mul3A_772 = arith.muli %scan3A_577, %mul3A_771 : i32
        %add3A_773 = arith.constant 6 : i32
        %add3A_774 = arith.addi %mul3A_772, %add3A_773 : i32
        %get3A_775 = arith.index_cast %add3A_774 : i32 to index
        %get3A_776 = arith.constant 16 : index
        %get3A_777 = tpu.vector_load %arg7[%get3A_775, %get3A_776] {strides = array<i32>} : memref<128x64xf32, #tpu.memory_space<vmem>>, vector<16xf32>,
        tpu.vector_store_idx %arg9[%shift_right_arithmetic3A_11, %and3A_34, %add3A_763], %get3A_777 : memref<8x8x129xf32, #tpu.memory_space<vmem>>[vector<16xi32>, vector<16xi32>, vector<16xi32>], vector<16xf32>,
        %mul3A_778 = arith.constant 8 : i32
        %mul3A_779 = arith.muli %scan3A_577, %mul3A_778 : i32
        %add3A_780 = arith.constant 6 : i32
        %add3A_781 = arith.addi %mul3A_779, %add3A_780 : i32
        %get3A_782 = arith.index_cast %add3A_781 : i32 to index
        %get3A_783 = arith.constant 32 : index
        %get3A_784 = tpu.vector_load %arg7[%get3A_782, %get3A_783] {strides = array<i32>} : memref<128x64xf32, #tpu.memory_space<vmem>>, vector<16xf32>,
        tpu.vector_store_idx %arg9[%shift_right_arithmetic3A_17, %and3A_40, %add3A_763], %get3A_784 : memref<8x8x129xf32, #tpu.memory_space<vmem>>[vector<16xi32>, vector<16xi32>, vector<16xi32>], vector<16xf32>,
        %mul3A_785 = arith.constant 8 : i32
        %mul3A_786 = arith.muli %scan3A_577, %mul3A_785 : i32
        %add3A_787 = arith.constant 6 : i32
        %add3A_788 = arith.addi %mul3A_786, %add3A_787 : i32
        %get3A_789 = arith.index_cast %add3A_788 : i32 to index
        %get3A_790 = arith.constant 48 : index
        %get3A_791 = tpu.vector_load %arg7[%get3A_789, %get3A_790] {strides = array<i32>} : memref<128x64xf32, #tpu.memory_space<vmem>>, vector<16xf32>,
        tpu.vector_store_idx %arg9[%shift_right_arithmetic3A_23, %and3A_46, %add3A_763], %get3A_791 : memref<8x8x129xf32, #tpu.memory_space<vmem>>[vector<16xi32>, vector<16xi32>, vector<16xi32>], vector<16xf32>,
        %add3A_792 = arith.constant 1 : i32
        %add3A_793 = vector.broadcast %add3A_792 : i32 to vector<16xi32>
        %add3A_794 = arith.addi %add3A_763, %add3A_793 : vector<16xi32>
        %mul3A_795 = arith.constant 8 : i32
        %mul3A_796 = arith.muli %scan3A_577, %mul3A_795 : i32
        %add3A_797 = arith.constant 7 : i32
        %add3A_798 = arith.addi %mul3A_796, %add3A_797 : i32
        %get3A_799 = arith.index_cast %add3A_798 : i32 to index
        %get3A_800 = arith.constant 0 : index
        %get3A_801 = tpu.vector_load %arg7[%get3A_799, %get3A_800] {strides = array<i32>} : memref<128x64xf32, #tpu.memory_space<vmem>>, vector<16xf32>,
        tpu.vector_store_idx %arg9[%shift_right_arithmetic3A_5, %and3A_28, %add3A_794], %get3A_801 : memref<8x8x129xf32, #tpu.memory_space<vmem>>[vector<16xi32>, vector<16xi32>, vector<16xi32>], vector<16xf32>,
        %mul3A_802 = arith.constant 8 : i32
        %mul3A_803 = arith.muli %scan3A_577, %mul3A_802 : i32
        %add3A_804 = arith.constant 7 : i32
        %add3A_805 = arith.addi %mul3A_803, %add3A_804 : i32
        %get3A_806 = arith.index_cast %add3A_805 : i32 to index
        %get3A_807 = arith.constant 16 : index
        %get3A_808 = tpu.vector_load %arg7[%get3A_806, %get3A_807] {strides = array<i32>} : memref<128x64xf32, #tpu.memory_space<vmem>>, vector<16xf32>,
        tpu.vector_store_idx %arg9[%shift_right_arithmetic3A_11, %and3A_34, %add3A_794], %get3A_808 : memref<8x8x129xf32, #tpu.memory_space<vmem>>[vector<16xi32>, vector<16xi32>, vector<16xi32>], vector<16xf32>,
        %mul3A_809 = arith.constant 8 : i32
        %mul3A_810 = arith.muli %scan3A_577, %mul3A_809 : i32
        %add3A_811 = arith.constant 7 : i32
        %add3A_812 = arith.addi %mul3A_810, %add3A_811 : i32
        %get3A_813 = arith.index_cast %add3A_812 : i32 to index
        %get3A_814 = arith.constant 32 : index
        %get3A_815 = tpu.vector_load %arg7[%get3A_813, %get3A_814] {strides = array<i32>} : memref<128x64xf32, #tpu.memory_space<vmem>>, vector<16xf32>,
        tpu.vector_store_idx %arg9[%shift_right_arithmetic3A_17, %and3A_40, %add3A_794], %get3A_815 : memref<8x8x129xf32, #tpu.memory_space<vmem>>[vector<16xi32>, vector<16xi32>, vector<16xi32>], vector<16xf32>,
        %mul3A_816 = arith.constant 8 : i32
        %mul3A_817 = arith.muli %scan3A_577, %mul3A_816 : i32
        %add3A_818 = arith.constant 7 : i32
        %add3A_819 = arith.addi %mul3A_817, %add3A_818 : i32
        %get3A_820 = arith.index_cast %add3A_819 : i32 to index
        %get3A_821 = arith.constant 48 : index
        %get3A_822 = tpu.vector_load %arg7[%get3A_820, %get3A_821] {strides = array<i32>} : memref<128x64xf32, #tpu.memory_space<vmem>>, vector<16xf32>,
        tpu.vector_store_idx %arg9[%shift_right_arithmetic3A_23, %and3A_46, %add3A_794], %get3A_822 : memref<8x8x129xf32, #tpu.memory_space<vmem>>[vector<16xi32>, vector<16xi32>, vector<16xi32>], vector<16xf32>,
        %add3A_823 = arith.constant 1 : i32
        %add3A_824 = vector.broadcast %add3A_823 : i32 to vector<16xi32>
        %add3A_825 = arith.addi %add3A_794, %add3A_824 : vector<16xi32>
        scf.yield %add3A_825 : vector<16xi32>
      }
      %scan3A_501 = arith.constant 16 : i32
      %dma_start3A_502 = arith.constant 0 : i32
      %dma_start3A_503 = arith.constant 0 : i32
      %dma_start3A_504 = arith.constant 0 : i32
      %dma_start3A_505 = tpu.memref_slice %arg9[%dma_start3A_502, %dma_start3A_503, %dma_start3A_504] : memref<8x8x129xf32, #tpu.memory_space<vmem>> -> memref<8x8x128xf32, #tpu.memory_space<vmem>>
      %dma_start3A_506 = arith.constant 0 : i32
      %dma_start3A_507 = arith.constant 0 : i32
      %dma_start3A_508 = arith.constant 0 : i32
      %dma_start3A_509 = tpu.memref_slice %arg4[%add3A_161, %dma_start3A_506, %add3A, %dma_start3A_507, %dma_start3A_508] : memref<200x8x32x8x128xf32, #tpu.memory_space<hbm>> -> memref<1x8x1x8x128xf32, #tpu.memory_space<hbm>>
      %dma_start3A_510 = tpu.memref_squeeze %dma_start3A_509 : memref<1x8x1x8x128xf32, #tpu.memory_space<hbm>> -> memref<8x8x128xf32, #tpu.memory_space<hbm>>
      %dma_start3A_511 = arith.constant 0 : i32
      %dma_start3A_512 = arith.constant 0 : i32
      %dma_start3A_513 = arith.constant 0 : i32
      %dma_start3A_514 = tpu.memref_slice %arg4[%add3A_161, %dma_start3A_511, %add3A, %dma_start3A_512, %dma_start3A_513] : memref<200x8x32x8x128xf32, #tpu.memory_space<hbm>> -> memref<1x8x1x8x128xf32, #tpu.memory_space<hbm>>
      %dma_start3A_515 = tpu.memref_squeeze %dma_start3A_514 : memref<1x8x1x8x128xf32, #tpu.memory_space<hbm>> -> memref<8x8x128xf32, #tpu.memory_space<hbm>>
      %dma_start3A_516 = arith.constant 0 : i32
      %dma_start3A_517 = arith.constant 0 : i32
      %dma_start3A_518 = arith.constant 0 : i32
      %dma_start3A_519 = tpu.memref_slice %arg9[%dma_start3A_516, %dma_start3A_517, %dma_start3A_518] : memref<8x8x129xf32, #tpu.memory_space<vmem>> -> memref<8x8x128xf32, #tpu.memory_space<vmem>>
      tpu.enqueue_dma source(%dma_start3A_519 : memref<8x8x128xf32, #tpu.memory_space<vmem>>) target(%dma_start3A_515 : memref<8x8x128xf32, #tpu.memory_space<hbm>>) target_semaphore(%arg14 : memref<!tpu.dma_semaphore, #tpu.memory_space<semaphore_mem>>)
      %dma_wait3A_520 = arith.constant 1 : i32
      %dma_wait3A_521 = arith.constant 0 : i32
      %dma_wait3A_522 = tpu.memref_slice %arg6[%dma_wait3A_520, %dma_wait3A_521] : memref<2x128xi32, #tpu.memory_space<vmem>> -> memref<1x128xi32, #tpu.memory_space<vmem>>
      %dma_wait3A_523 = tpu.memref_squeeze %dma_wait3A_522 : memref<1x128xi32, #tpu.memory_space<vmem>> -> memref<128xi32, #tpu.memory_space<vmem>>
      %dma_wait3A_524 = arith.constant 0 : i32
      %dma_wait3A_525 = arith.constant 0 : i32
      %dma_wait3A_526 = tpu.memref_slice %arg3[%dma_wait3A_524, %dma_wait3A_525] : memref<1000000x64xf32, #tpu.memory_space<hbm>> -> memref<1000000x64xf32, #tpu.memory_space<hbm>>
      tpu.wait_indirect_dma semaphore(%arg13 : memref<!tpu.dma_semaphore, #tpu.memory_space<semaphore_mem>>) src(%dma_wait3A_526 : memref<1000000x64xf32, #tpu.memory_space<hbm>>) dst(%arg8 : memref<128x64xf32, #tpu.memory_space<vmem>>)
      %dma_wait3A_527 = arith.constant 0 : i32
      %dma_wait3A_528 = arith.constant 0 : i32
      %dma_wait3A_529 = arith.constant 0 : i32
      %dma_wait3A_530 = tpu.memref_slice %arg10[%dma_wait3A_527, %dma_wait3A_528, %dma_wait3A_529] : memref<8x8x129xf32, #tpu.memory_space<vmem>> -> memref<8x8x128xf32, #tpu.memory_space<vmem>>
      %dma_wait3A_531 = arith.constant 0 : i32
      %dma_wait3A_532 = arith.constant 0 : i32
      %dma_wait3A_533 = arith.constant 0 : i32
      %dma_wait3A_534 = tpu.memref_slice %arg4[%add3A_163, %dma_wait3A_531, %add3A, %dma_wait3A_532, %dma_wait3A_533] : memref<200x8x32x8x128xf32, #tpu.memory_space<hbm>> -> memref<1x8x1x8x128xf32, #tpu.memory_space<hbm>>
      %dma_wait3A_535 = tpu.memref_squeeze %dma_wait3A_534 : memref<1x8x1x8x128xf32, #tpu.memory_space<hbm>> -> memref<8x8x128xf32, #tpu.memory_space<hbm>>
      %dma_wait3A_536 = arith.constant 0 : i32
      %dma_wait3A_537 = arith.constant 0 : i32
      %dma_wait3A_538 = arith.constant 0 : i32
      %dma_wait3A_539 = tpu.memref_slice %arg4[%add3A_163, %dma_wait3A_536, %add3A, %dma_wait3A_537, %dma_wait3A_538] : memref<200x8x32x8x128xf32, #tpu.memory_space<hbm>> -> memref<1x8x1x8x128xf32, #tpu.memory_space<hbm>>
      %dma_wait3A_540 = tpu.memref_squeeze %dma_wait3A_539 : memref<1x8x1x8x128xf32, #tpu.memory_space<hbm>> -> memref<8x8x128xf32, #tpu.memory_space<hbm>>
      %dma_wait3A_541 = arith.constant 0 : i32
      %dma_wait3A_542 = arith.constant 0 : i32
      %dma_wait3A_543 = arith.constant 0 : i32
      %dma_wait3A_544 = tpu.memref_slice %arg10[%dma_wait3A_541, %dma_wait3A_542, %dma_wait3A_543] : memref<8x8x129xf32, #tpu.memory_space<vmem>> -> memref<8x8x128xf32, #tpu.memory_space<vmem>>
      tpu.wait_dma2 semaphore(%arg15 : memref<!tpu.dma_semaphore, #tpu.memory_space<semaphore_mem>>) src(%dma_wait3A_544 : memref<8x8x128xf32, #tpu.memory_space<vmem>>) dst(%dma_wait3A_540 : memref<8x8x128xf32, #tpu.memory_space<hbm>>)
      %mul3A_545 = arith.constant 0 : i32
      %mul3A_546 = vector.broadcast %mul3A_545 : i32 to vector<16xi32>
      %mul3A_547 = arith.muli %iota3A, %mul3A_546 : vector<16xi32>
      %scan3A_548 = arith.constant 0 : i32
      %scan3A_549 = arith.constant 16 : i32
      %scan3A_550 = arith.addi %scan3A_548, %scan3A_549 : i32
      %scan3A_551 = arith.constant 1 : i32
      %scan3A_552 = scf.for %scan3A_577 = %scan3A_548 to %scan3A_550 step %scan3A_551 iter_args(%scan3A_578 = %mul3A_547) -> (vector<16xi32>)  : i32 {
        %mul3A_579 = arith.constant 8 : i32
        %mul3A_580 = arith.muli %scan3A_577, %mul3A_579 : i32
        %add3A_581 = arith.constant 0 : i32
        %add3A_582 = arith.addi %mul3A_580, %add3A_581 : i32
        %get3A = arith.index_cast %add3A_582 : i32 to index
        %get3A_583 = arith.constant 0 : index
        %get3A_584 = tpu.vector_load %arg8[%get3A, %get3A_583] {strides = array<i32>} : memref<128x64xf32, #tpu.memory_space<vmem>>, vector<16xf32>,
        tpu.vector_store_idx %arg10[%shift_right_arithmetic3A_5, %and3A_28, %scan3A_578], %get3A_584 : memref<8x8x129xf32, #tpu.memory_space<vmem>>[vector<16xi32>, vector<16xi32>, vector<16xi32>], vector<16xf32>,
        %mul3A_585 = arith.constant 8 : i32
        %mul3A_586 = arith.muli %scan3A_577, %mul3A_585 : i32
        %add3A_587 = arith.constant 0 : i32
        %add3A_588 = arith.addi %mul3A_586, %add3A_587 : i32
        %get3A_589 = arith.index_cast %add3A_588 : i32 to index
        %get3A_590 = arith.constant 16 : index
        %get3A_591 = tpu.vector_load %arg8[%get3A_589, %get3A_590] {strides = array<i32>} : memref<128x64xf32, #tpu.memory_space<vmem>>, vector<16xf32>,
        tpu.vector_store_idx %arg10[%shift_right_arithmetic3A_11, %and3A_34, %scan3A_578], %get3A_591 : memref<8x8x129xf32, #tpu.memory_space<vmem>>[vector<16xi32>, vector<16xi32>, vector<16xi32>], vector<16xf32>,
        %mul3A_592 = arith.constant 8 : i32
        %mul3A_593 = arith.muli %scan3A_577, %mul3A_592 : i32
        %add3A_594 = arith.constant 0 : i32
        %add3A_595 = arith.addi %mul3A_593, %add3A_594 : i32
        %get3A_596 = arith.index_cast %add3A_595 : i32 to index
        %get3A_597 = arith.constant 32 : index
        %get3A_598 = tpu.vector_load %arg8[%get3A_596, %get3A_597] {strides = array<i32>} : memref<128x64xf32, #tpu.memory_space<vmem>>, vector<16xf32>,
        tpu.vector_store_idx %arg10[%shift_right_arithmetic3A_17, %and3A_40, %scan3A_578], %get3A_598 : memref<8x8x129xf32, #tpu.memory_space<vmem>>[vector<16xi32>, vector<16xi32>, vector<16xi32>], vector<16xf32>,
        %mul3A_599 = arith.constant 8 : i32
        %mul3A_600 = arith.muli %scan3A_577, %mul3A_599 : i32
        %add3A_601 = arith.constant 0 : i32
        %add3A_602 = arith.addi %mul3A_600, %add3A_601 : i32
        %get3A_603 = arith.index_cast %add3A_602 : i32 to index
        %get3A_604 = arith.constant 48 : index
        %get3A_605 = tpu.vector_load %arg8[%get3A_603, %get3A_604] {strides = array<i32>} : memref<128x64xf32, #tpu.memory_space<vmem>>, vector<16xf32>,
        tpu.vector_store_idx %arg10[%shift_right_arithmetic3A_23, %and3A_46, %scan3A_578], %get3A_605 : memref<8x8x129xf32, #tpu.memory_space<vmem>>[vector<16xi32>, vector<16xi32>, vector<16xi32>], vector<16xf32>,
        %add3A_606 = arith.constant 1 : i32
        %add3A_607 = vector.broadcast %add3A_606 : i32 to vector<16xi32>
        %add3A_608 = arith.addi %scan3A_578, %add3A_607 : vector<16xi32>
        %mul3A_609 = arith.constant 8 : i32
        %mul3A_610 = arith.muli %scan3A_577, %mul3A_609 : i32
        %add3A_611 = arith.constant 1 : i32
        %add3A_612 = arith.addi %mul3A_610, %add3A_611 : i32
        %get3A_613 = arith.index_cast %add3A_612 : i32 to index
        %get3A_614 = arith.constant 0 : index
        %get3A_615 = tpu.vector_load %arg8[%get3A_613, %get3A_614] {strides = array<i32>} : memref<128x64xf32, #tpu.memory_space<vmem>>, vector<16xf32>,
        tpu.vector_store_idx %arg10[%shift_right_arithmetic3A_5, %and3A_28, %add3A_608], %get3A_615 : memref<8x8x129xf32, #tpu.memory_space<vmem>>[vector<16xi32>, vector<16xi32>, vector<16xi32>], vector<16xf32>,
        %mul3A_616 = arith.constant 8 : i32
        %mul3A_617 = arith.muli %scan3A_577, %mul3A_616 : i32
        %add3A_618 = arith.constant 1 : i32
        %add3A_619 = arith.addi %mul3A_617, %add3A_618 : i32
        %get3A_620 = arith.index_cast %add3A_619 : i32 to index
        %get3A_621 = arith.constant 16 : index
        %get3A_622 = tpu.vector_load %arg8[%get3A_620, %get3A_621] {strides = array<i32>} : memref<128x64xf32, #tpu.memory_space<vmem>>, vector<16xf32>,
        tpu.vector_store_idx %arg10[%shift_right_arithmetic3A_11, %and3A_34, %add3A_608], %get3A_622 : memref<8x8x129xf32, #tpu.memory_space<vmem>>[vector<16xi32>, vector<16xi32>, vector<16xi32>], vector<16xf32>,
        %mul3A_623 = arith.constant 8 : i32
        %mul3A_624 = arith.muli %scan3A_577, %mul3A_623 : i32
        %add3A_625 = arith.constant 1 : i32
        %add3A_626 = arith.addi %mul3A_624, %add3A_625 : i32
        %get3A_627 = arith.index_cast %add3A_626 : i32 to index
        %get3A_628 = arith.constant 32 : index
        %get3A_629 = tpu.vector_load %arg8[%get3A_627, %get3A_628] {strides = array<i32>} : memref<128x64xf32, #tpu.memory_space<vmem>>, vector<16xf32>,
        tpu.vector_store_idx %arg10[%shift_right_arithmetic3A_17, %and3A_40, %add3A_608], %get3A_629 : memref<8x8x129xf32, #tpu.memory_space<vmem>>[vector<16xi32>, vector<16xi32>, vector<16xi32>], vector<16xf32>,
        %mul3A_630 = arith.constant 8 : i32
        %mul3A_631 = arith.muli %scan3A_577, %mul3A_630 : i32
        %add3A_632 = arith.constant 1 : i32
        %add3A_633 = arith.addi %mul3A_631, %add3A_632 : i32
        %get3A_634 = arith.index_cast %add3A_633 : i32 to index
        %get3A_635 = arith.constant 48 : index
        %get3A_636 = tpu.vector_load %arg8[%get3A_634, %get3A_635] {strides = array<i32>} : memref<128x64xf32, #tpu.memory_space<vmem>>, vector<16xf32>,
        tpu.vector_store_idx %arg10[%shift_right_arithmetic3A_23, %and3A_46, %add3A_608], %get3A_636 : memref<8x8x129xf32, #tpu.memory_space<vmem>>[vector<16xi32>, vector<16xi32>, vector<16xi32>], vector<16xf32>,
        %add3A_637 = arith.constant 1 : i32
        %add3A_638 = vector.broadcast %add3A_637 : i32 to vector<16xi32>
        %add3A_639 = arith.addi %add3A_608, %add3A_638 : vector<16xi32>
        %mul3A_640 = arith.constant 8 : i32
        %mul3A_641 = arith.muli %scan3A_577, %mul3A_640 : i32
        %add3A_642 = arith.constant 2 : i32
        %add3A_643 = arith.addi %mul3A_641, %add3A_642 : i32
        %get3A_644 = arith.index_cast %add3A_643 : i32 to index
        %get3A_645 = arith.constant 0 : index
        %get3A_646 = tpu.vector_load %arg8[%get3A_644, %get3A_645] {strides = array<i32>} : memref<128x64xf32, #tpu.memory_space<vmem>>, vector<16xf32>,
        tpu.vector_store_idx %arg10[%shift_right_arithmetic3A_5, %and3A_28, %add3A_639], %get3A_646 : memref<8x8x129xf32, #tpu.memory_space<vmem>>[vector<16xi32>, vector<16xi32>, vector<16xi32>], vector<16xf32>,
        %mul3A_647 = arith.constant 8 : i32
        %mul3A_648 = arith.muli %scan3A_577, %mul3A_647 : i32
        %add3A_649 = arith.constant 2 : i32
        %add3A_650 = arith.addi %mul3A_648, %add3A_649 : i32
        %get3A_651 = arith.index_cast %add3A_650 : i32 to index
        %get3A_652 = arith.constant 16 : index
        %get3A_653 = tpu.vector_load %arg8[%get3A_651, %get3A_652] {strides = array<i32>} : memref<128x64xf32, #tpu.memory_space<vmem>>, vector<16xf32>,
        tpu.vector_store_idx %arg10[%shift_right_arithmetic3A_11, %and3A_34, %add3A_639], %get3A_653 : memref<8x8x129xf32, #tpu.memory_space<vmem>>[vector<16xi32>, vector<16xi32>, vector<16xi32>], vector<16xf32>,
        %mul3A_654 = arith.constant 8 : i32
        %mul3A_655 = arith.muli %scan3A_577, %mul3A_654 : i32
        %add3A_656 = arith.constant 2 : i32
        %add3A_657 = arith.addi %mul3A_655, %add3A_656 : i32
        %get3A_658 = arith.index_cast %add3A_657 : i32 to index
        %get3A_659 = arith.constant 32 : index
        %get3A_660 = tpu.vector_load %arg8[%get3A_658, %get3A_659] {strides = array<i32>} : memref<128x64xf32, #tpu.memory_space<vmem>>, vector<16xf32>,
        tpu.vector_store_idx %arg10[%shift_right_arithmetic3A_17, %and3A_40, %add3A_639], %get3A_660 : memref<8x8x129xf32, #tpu.memory_space<vmem>>[vector<16xi32>, vector<16xi32>, vector<16xi32>], vector<16xf32>,
        %mul3A_661 = arith.constant 8 : i32
        %mul3A_662 = arith.muli %scan3A_577, %mul3A_661 : i32
        %add3A_663 = arith.constant 2 : i32
        %add3A_664 = arith.addi %mul3A_662, %add3A_663 : i32
        %get3A_665 = arith.index_cast %add3A_664 : i32 to index
        %get3A_666 = arith.constant 48 : index
        %get3A_667 = tpu.vector_load %arg8[%get3A_665, %get3A_666] {strides = array<i32>} : memref<128x64xf32, #tpu.memory_space<vmem>>, vector<16xf32>,
        tpu.vector_store_idx %arg10[%shift_right_arithmetic3A_23, %and3A_46, %add3A_639], %get3A_667 : memref<8x8x129xf32, #tpu.memory_space<vmem>>[vector<16xi32>, vector<16xi32>, vector<16xi32>], vector<16xf32>,
        %add3A_668 = arith.constant 1 : i32
        %add3A_669 = vector.broadcast %add3A_668 : i32 to vector<16xi32>
        %add3A_670 = arith.addi %add3A_639, %add3A_669 : vector<16xi32>
        %mul3A_671 = arith.constant 8 : i32
        %mul3A_672 = arith.muli %scan3A_577, %mul3A_671 : i32
        %add3A_673 = arith.constant 3 : i32
        %add3A_674 = arith.addi %mul3A_672, %add3A_673 : i32
        %get3A_675 = arith.index_cast %add3A_674 : i32 to index
        %get3A_676 = arith.constant 0 : index
        %get3A_677 = tpu.vector_load %arg8[%get3A_675, %get3A_676] {strides = array<i32>} : memref<128x64xf32, #tpu.memory_space<vmem>>, vector<16xf32>,
        tpu.vector_store_idx %arg10[%shift_right_arithmetic3A_5, %and3A_28, %add3A_670], %get3A_677 : memref<8x8x129xf32, #tpu.memory_space<vmem>>[vector<16xi32>, vector<16xi32>, vector<16xi32>], vector<16xf32>,
        %mul3A_678 = arith.constant 8 : i32
        %mul3A_679 = arith.muli %scan3A_577, %mul3A_678 : i32
        %add3A_680 = arith.constant 3 : i32
        %add3A_681 = arith.addi %mul3A_679, %add3A_680 : i32
        %get3A_682 = arith.index_cast %add3A_681 : i32 to index
        %get3A_683 = arith.constant 16 : index
        %get3A_684 = tpu.vector_load %arg8[%get3A_682, %get3A_683] {strides = array<i32>} : memref<128x64xf32, #tpu.memory_space<vmem>>, vector<16xf32>,
        tpu.vector_store_idx %arg10[%shift_right_arithmetic3A_11, %and3A_34, %add3A_670], %get3A_684 : memref<8x8x129xf32, #tpu.memory_space<vmem>>[vector<16xi32>, vector<16xi32>, vector<16xi32>], vector<16xf32>,
        %mul3A_685 = arith.constant 8 : i32
        %mul3A_686 = arith.muli %scan3A_577, %mul3A_685 : i32
        %add3A_687 = arith.constant 3 : i32
        %add3A_688 = arith.addi %mul3A_686, %add3A_687 : i32
        %get3A_689 = arith.index_cast %add3A_688 : i32 to index
        %get3A_690 = arith.constant 32 : index
        %get3A_691 = tpu.vector_load %arg8[%get3A_689, %get3A_690] {strides = array<i32>} : memref<128x64xf32, #tpu.memory_space<vmem>>, vector<16xf32>,
        tpu.vector_store_idx %arg10[%shift_right_arithmetic3A_17, %and3A_40, %add3A_670], %get3A_691 : memref<8x8x129xf32, #tpu.memory_space<vmem>>[vector<16xi32>, vector<16xi32>, vector<16xi32>], vector<16xf32>,
        %mul3A_692 = arith.constant 8 : i32
        %mul3A_693 = arith.muli %scan3A_577, %mul3A_692 : i32
        %add3A_694 = arith.constant 3 : i32
        %add3A_695 = arith.addi %mul3A_693, %add3A_694 : i32
        %get3A_696 = arith.index_cast %add3A_695 : i32 to index
        %get3A_697 = arith.constant 48 : index
        %get3A_698 = tpu.vector_load %arg8[%get3A_696, %get3A_697] {strides = array<i32>} : memref<128x64xf32, #tpu.memory_space<vmem>>, vector<16xf32>,
        tpu.vector_store_idx %arg10[%shift_right_arithmetic3A_23, %and3A_46, %add3A_670], %get3A_698 : memref<8x8x129xf32, #tpu.memory_space<vmem>>[vector<16xi32>, vector<16xi32>, vector<16xi32>], vector<16xf32>,
        %add3A_699 = arith.constant 1 : i32
        %add3A_700 = vector.broadcast %add3A_699 : i32 to vector<16xi32>
        %add3A_701 = arith.addi %add3A_670, %add3A_700 : vector<16xi32>
        %mul3A_702 = arith.constant 8 : i32
        %mul3A_703 = arith.muli %scan3A_577, %mul3A_702 : i32
        %add3A_704 = arith.constant 4 : i32
        %add3A_705 = arith.addi %mul3A_703, %add3A_704 : i32
        %get3A_706 = arith.index_cast %add3A_705 : i32 to index
        %get3A_707 = arith.constant 0 : index
        %get3A_708 = tpu.vector_load %arg8[%get3A_706, %get3A_707] {strides = array<i32>} : memref<128x64xf32, #tpu.memory_space<vmem>>, vector<16xf32>,
        tpu.vector_store_idx %arg10[%shift_right_arithmetic3A_5, %and3A_28, %add3A_701], %get3A_708 : memref<8x8x129xf32, #tpu.memory_space<vmem>>[vector<16xi32>, vector<16xi32>, vector<16xi32>], vector<16xf32>,
        %mul3A_709 = arith.constant 8 : i32
        %mul3A_710 = arith.muli %scan3A_577, %mul3A_709 : i32
        %add3A_711 = arith.constant 4 : i32
        %add3A_712 = arith.addi %mul3A_710, %add3A_711 : i32
        %get3A_713 = arith.index_cast %add3A_712 : i32 to index
        %get3A_714 = arith.constant 16 : index
        %get3A_715 = tpu.vector_load %arg8[%get3A_713, %get3A_714] {strides = array<i32>} : memref<128x64xf32, #tpu.memory_space<vmem>>, vector<16xf32>,
        tpu.vector_store_idx %arg10[%shift_right_arithmetic3A_11, %and3A_34, %add3A_701], %get3A_715 : memref<8x8x129xf32, #tpu.memory_space<vmem>>[vector<16xi32>, vector<16xi32>, vector<16xi32>], vector<16xf32>,
        %mul3A_716 = arith.constant 8 : i32
        %mul3A_717 = arith.muli %scan3A_577, %mul3A_716 : i32
        %add3A_718 = arith.constant 4 : i32
        %add3A_719 = arith.addi %mul3A_717, %add3A_718 : i32
        %get3A_720 = arith.index_cast %add3A_719 : i32 to index
        %get3A_721 = arith.constant 32 : index
        %get3A_722 = tpu.vector_load %arg8[%get3A_720, %get3A_721] {strides = array<i32>} : memref<128x64xf32, #tpu.memory_space<vmem>>, vector<16xf32>,
        tpu.vector_store_idx %arg10[%shift_right_arithmetic3A_17, %and3A_40, %add3A_701], %get3A_722 : memref<8x8x129xf32, #tpu.memory_space<vmem>>[vector<16xi32>, vector<16xi32>, vector<16xi32>], vector<16xf32>,
        %mul3A_723 = arith.constant 8 : i32
        %mul3A_724 = arith.muli %scan3A_577, %mul3A_723 : i32
        %add3A_725 = arith.constant 4 : i32
        %add3A_726 = arith.addi %mul3A_724, %add3A_725 : i32
        %get3A_727 = arith.index_cast %add3A_726 : i32 to index
        %get3A_728 = arith.constant 48 : index
        %get3A_729 = tpu.vector_load %arg8[%get3A_727, %get3A_728] {strides = array<i32>} : memref<128x64xf32, #tpu.memory_space<vmem>>, vector<16xf32>,
        tpu.vector_store_idx %arg10[%shift_right_arithmetic3A_23, %and3A_46, %add3A_701], %get3A_729 : memref<8x8x129xf32, #tpu.memory_space<vmem>>[vector<16xi32>, vector<16xi32>, vector<16xi32>], vector<16xf32>,
        %add3A_730 = arith.constant 1 : i32
        %add3A_731 = vector.broadcast %add3A_730 : i32 to vector<16xi32>
        %add3A_732 = arith.addi %add3A_701, %add3A_731 : vector<16xi32>
        %mul3A_733 = arith.constant 8 : i32
        %mul3A_734 = arith.muli %scan3A_577, %mul3A_733 : i32
        %add3A_735 = arith.constant 5 : i32
        %add3A_736 = arith.addi %mul3A_734, %add3A_735 : i32
        %get3A_737 = arith.index_cast %add3A_736 : i32 to index
        %get3A_738 = arith.constant 0 : index
        %get3A_739 = tpu.vector_load %arg8[%get3A_737, %get3A_738] {strides = array<i32>} : memref<128x64xf32, #tpu.memory_space<vmem>>, vector<16xf32>,
        tpu.vector_store_idx %arg10[%shift_right_arithmetic3A_5, %and3A_28, %add3A_732], %get3A_739 : memref<8x8x129xf32, #tpu.memory_space<vmem>>[vector<16xi32>, vector<16xi32>, vector<16xi32>], vector<16xf32>,
        %mul3A_740 = arith.constant 8 : i32
        %mul3A_741 = arith.muli %scan3A_577, %mul3A_740 : i32
        %add3A_742 = arith.constant 5 : i32
        %add3A_743 = arith.addi %mul3A_741, %add3A_742 : i32
        %get3A_744 = arith.index_cast %add3A_743 : i32 to index
        %get3A_745 = arith.constant 16 : index
        %get3A_746 = tpu.vector_load %arg8[%get3A_744, %get3A_745] {strides = array<i32>} : memref<128x64xf32, #tpu.memory_space<vmem>>, vector<16xf32>,
        tpu.vector_store_idx %arg10[%shift_right_arithmetic3A_11, %and3A_34, %add3A_732], %get3A_746 : memref<8x8x129xf32, #tpu.memory_space<vmem>>[vector<16xi32>, vector<16xi32>, vector<16xi32>], vector<16xf32>,
        %mul3A_747 = arith.constant 8 : i32
        %mul3A_748 = arith.muli %scan3A_577, %mul3A_747 : i32
        %add3A_749 = arith.constant 5 : i32
        %add3A_750 = arith.addi %mul3A_748, %add3A_749 : i32
        %get3A_751 = arith.index_cast %add3A_750 : i32 to index
        %get3A_752 = arith.constant 32 : index
        %get3A_753 = tpu.vector_load %arg8[%get3A_751, %get3A_752] {strides = array<i32>} : memref<128x64xf32, #tpu.memory_space<vmem>>, vector<16xf32>,
        tpu.vector_store_idx %arg10[%shift_right_arithmetic3A_17, %and3A_40, %add3A_732], %get3A_753 : memref<8x8x129xf32, #tpu.memory_space<vmem>>[vector<16xi32>, vector<16xi32>, vector<16xi32>], vector<16xf32>,
        %mul3A_754 = arith.constant 8 : i32
        %mul3A_755 = arith.muli %scan3A_577, %mul3A_754 : i32
        %add3A_756 = arith.constant 5 : i32
        %add3A_757 = arith.addi %mul3A_755, %add3A_756 : i32
        %get3A_758 = arith.index_cast %add3A_757 : i32 to index
        %get3A_759 = arith.constant 48 : index
        %get3A_760 = tpu.vector_load %arg8[%get3A_758, %get3A_759] {strides = array<i32>} : memref<128x64xf32, #tpu.memory_space<vmem>>, vector<16xf32>,
        tpu.vector_store_idx %arg10[%shift_right_arithmetic3A_23, %and3A_46, %add3A_732], %get3A_760 : memref<8x8x129xf32, #tpu.memory_space<vmem>>[vector<16xi32>, vector<16xi32>, vector<16xi32>], vector<16xf32>,
        %add3A_761 = arith.constant 1 : i32
        %add3A_762 = vector.broadcast %add3A_761 : i32 to vector<16xi32>
        %add3A_763 = arith.addi %add3A_732, %add3A_762 : vector<16xi32>
        %mul3A_764 = arith.constant 8 : i32
        %mul3A_765 = arith.muli %scan3A_577, %mul3A_764 : i32
        %add3A_766 = arith.constant 6 : i32
        %add3A_767 = arith.addi %mul3A_765, %add3A_766 : i32
        %get3A_768 = arith.index_cast %add3A_767 : i32 to index
        %get3A_769 = arith.constant 0 : index
        %get3A_770 = tpu.vector_load %arg8[%get3A_768, %get3A_769] {strides = array<i32>} : memref<128x64xf32, #tpu.memory_space<vmem>>, vector<16xf32>,
        tpu.vector_store_idx %arg10[%shift_right_arithmetic3A_5, %and3A_28, %add3A_763], %get3A_770 : memref<8x8x129xf32, #tpu.memory_space<vmem>>[vector<16xi32>, vector<16xi32>, vector<16xi32>], vector<16xf32>,
        %mul3A_771 = arith.constant 8 : i32
        %mul3A_772 = arith.muli %scan3A_577, %mul3A_771 : i32
        %add3A_773 = arith.constant 6 : i32
        %add3A_774 = arith.addi %mul3A_772, %add3A_773 : i32
        %get3A_775 = arith.index_cast %add3A_774 : i32 to index
        %get3A_776 = arith.constant 16 : index
        %get3A_777 = tpu.vector_load %arg8[%get3A_775, %get3A_776] {strides = array<i32>} : memref<128x64xf32, #tpu.memory_space<vmem>>, vector<16xf32>,
        tpu.vector_store_idx %arg10[%shift_right_arithmetic3A_11, %and3A_34, %add3A_763], %get3A_777 : memref<8x8x129xf32, #tpu.memory_space<vmem>>[vector<16xi32>, vector<16xi32>, vector<16xi32>], vector<16xf32>,
        %mul3A_778 = arith.constant 8 : i32
        %mul3A_779 = arith.muli %scan3A_577, %mul3A_778 : i32
        %add3A_780 = arith.constant 6 : i32
        %add3A_781 = arith.addi %mul3A_779, %add3A_780 : i32
        %get3A_782 = arith.index_cast %add3A_781 : i32 to index
        %get3A_783 = arith.constant 32 : index
        %get3A_784 = tpu.vector_load %arg8[%get3A_782, %get3A_783] {strides = array<i32>} : memref<128x64xf32, #tpu.memory_space<vmem>>, vector<16xf32>,
        tpu.vector_store_idx %arg10[%shift_right_arithmetic3A_17, %and3A_40, %add3A_763], %get3A_784 : memref<8x8x129xf32, #tpu.memory_space<vmem>>[vector<16xi32>, vector<16xi32>, vector<16xi32>], vector<16xf32>,
        %mul3A_785 = arith.constant 8 : i32
        %mul3A_786 = arith.muli %scan3A_577, %mul3A_785 : i32
        %add3A_787 = arith.constant 6 : i32
        %add3A_788 = arith.addi %mul3A_786, %add3A_787 : i32
        %get3A_789 = arith.index_cast %add3A_788 : i32 to index
        %get3A_790 = arith.constant 48 : index
        %get3A_791 = tpu.vector_load %arg8[%get3A_789, %get3A_790] {strides = array<i32>} : memref<128x64xf32, #tpu.memory_space<vmem>>, vector<16xf32>,
        tpu.vector_store_idx %arg10[%shift_right_arithmetic3A_23, %and3A_46, %add3A_763], %get3A_791 : memref<8x8x129xf32, #tpu.memory_space<vmem>>[vector<16xi32>, vector<16xi32>, vector<16xi32>], vector<16xf32>,
        %add3A_792 = arith.constant 1 : i32
        %add3A_793 = vector.broadcast %add3A_792 : i32 to vector<16xi32>
        %add3A_794 = arith.addi %add3A_763, %add3A_793 : vector<16xi32>
        %mul3A_795 = arith.constant 8 : i32
        %mul3A_796 = arith.muli %scan3A_577, %mul3A_795 : i32
        %add3A_797 = arith.constant 7 : i32
        %add3A_798 = arith.addi %mul3A_796, %add3A_797 : i32
        %get3A_799 = arith.index_cast %add3A_798 : i32 to index
        %get3A_800 = arith.constant 0 : index
        %get3A_801 = tpu.vector_load %arg8[%get3A_799, %get3A_800] {strides = array<i32>} : memref<128x64xf32, #tpu.memory_space<vmem>>, vector<16xf32>,
        tpu.vector_store_idx %arg10[%shift_right_arithmetic3A_5, %and3A_28, %add3A_794], %get3A_801 : memref<8x8x129xf32, #tpu.memory_space<vmem>>[vector<16xi32>, vector<16xi32>, vector<16xi32>], vector<16xf32>,
        %mul3A_802 = arith.constant 8 : i32
        %mul3A_803 = arith.muli %scan3A_577, %mul3A_802 : i32
        %add3A_804 = arith.constant 7 : i32
        %add3A_805 = arith.addi %mul3A_803, %add3A_804 : i32
        %get3A_806 = arith.index_cast %add3A_805 : i32 to index
        %get3A_807 = arith.constant 16 : index
        %get3A_808 = tpu.vector_load %arg8[%get3A_806, %get3A_807] {strides = array<i32>} : memref<128x64xf32, #tpu.memory_space<vmem>>, vector<16xf32>,
        tpu.vector_store_idx %arg10[%shift_right_arithmetic3A_11, %and3A_34, %add3A_794], %get3A_808 : memref<8x8x129xf32, #tpu.memory_space<vmem>>[vector<16xi32>, vector<16xi32>, vector<16xi32>], vector<16xf32>,
        %mul3A_809 = arith.constant 8 : i32
        %mul3A_810 = arith.muli %scan3A_577, %mul3A_809 : i32
        %add3A_811 = arith.constant 7 : i32
        %add3A_812 = arith.addi %mul3A_810, %add3A_811 : i32
        %get3A_813 = arith.index_cast %add3A_812 : i32 to index
        %get3A_814 = arith.constant 32 : index
        %get3A_815 = tpu.vector_load %arg8[%get3A_813, %get3A_814] {strides = array<i32>} : memref<128x64xf32, #tpu.memory_space<vmem>>, vector<16xf32>,
        tpu.vector_store_idx %arg10[%shift_right_arithmetic3A_17, %and3A_40, %add3A_794], %get3A_815 : memref<8x8x129xf32, #tpu.memory_space<vmem>>[vector<16xi32>, vector<16xi32>, vector<16xi32>], vector<16xf32>,
        %mul3A_816 = arith.constant 8 : i32
        %mul3A_817 = arith.muli %scan3A_577, %mul3A_816 : i32
        %add3A_818 = arith.constant 7 : i32
        %add3A_819 = arith.addi %mul3A_817, %add3A_818 : i32
        %get3A_820 = arith.index_cast %add3A_819 : i32 to index
        %get3A_821 = arith.constant 48 : index
        %get3A_822 = tpu.vector_load %arg8[%get3A_820, %get3A_821] {strides = array<i32>} : memref<128x64xf32, #tpu.memory_space<vmem>>, vector<16xf32>,
        tpu.vector_store_idx %arg10[%shift_right_arithmetic3A_23, %and3A_46, %add3A_794], %get3A_822 : memref<8x8x129xf32, #tpu.memory_space<vmem>>[vector<16xi32>, vector<16xi32>, vector<16xi32>], vector<16xf32>,
        %add3A_823 = arith.constant 1 : i32
        %add3A_824 = vector.broadcast %add3A_823 : i32 to vector<16xi32>
        %add3A_825 = arith.addi %add3A_794, %add3A_824 : vector<16xi32>
        scf.yield %add3A_825 : vector<16xi32>
      }
      %scan3A_553 = arith.constant 16 : i32
      %dma_start3A_554 = arith.constant 0 : i32
      %dma_start3A_555 = arith.constant 0 : i32
      %dma_start3A_556 = arith.constant 0 : i32
      %dma_start3A_557 = tpu.memref_slice %arg10[%dma_start3A_554, %dma_start3A_555, %dma_start3A_556] : memref<8x8x129xf32, #tpu.memory_space<vmem>> -> memref<8x8x128xf32, #tpu.memory_space<vmem>>
      %dma_start3A_558 = arith.constant 0 : i32
      %dma_start3A_559 = arith.constant 0 : i32
      %dma_start3A_560 = arith.constant 0 : i32
      %dma_start3A_561 = tpu.memref_slice %arg4[%add3A_163, %dma_start3A_558, %add3A, %dma_start3A_559, %dma_start3A_560] : memref<200x8x32x8x128xf32, #tpu.memory_space<hbm>> -> memref<1x8x1x8x128xf32, #tpu.memory_space<hbm>>
      %dma_start3A_562 = tpu.memref_squeeze %dma_start3A_561 : memref<1x8x1x8x128xf32, #tpu.memory_space<hbm>> -> memref<8x8x128xf32, #tpu.memory_space<hbm>>
      %dma_start3A_563 = arith.constant 0 : i32
      %dma_start3A_564 = arith.constant 0 : i32
      %dma_start3A_565 = arith.constant 0 : i32
      %dma_start3A_566 = tpu.memref_slice %arg4[%add3A_163, %dma_start3A_563, %add3A, %dma_start3A_564, %dma_start3A_565] : memref<200x8x32x8x128xf32, #tpu.memory_space<hbm>> -> memref<1x8x1x8x128xf32, #tpu.memory_space<hbm>>
      %dma_start3A_567 = tpu.memref_squeeze %dma_start3A_566 : memref<1x8x1x8x128xf32, #tpu.memory_space<hbm>> -> memref<8x8x128xf32, #tpu.memory_space<hbm>>
      %dma_start3A_568 = arith.constant 0 : i32
      %dma_start3A_569 = arith.constant 0 : i32
      %dma_start3A_570 = arith.constant 0 : i32
      %dma_start3A_571 = tpu.memref_slice %arg10[%dma_start3A_568, %dma_start3A_569, %dma_start3A_570] : memref<8x8x129xf32, #tpu.memory_space<vmem>> -> memref<8x8x128xf32, #tpu.memory_space<vmem>>
      tpu.enqueue_dma source(%dma_start3A_571 : memref<8x8x128xf32, #tpu.memory_space<vmem>>) target(%dma_start3A_567 : memref<8x8x128xf32, #tpu.memory_space<hbm>>) target_semaphore(%arg15 : memref<!tpu.dma_semaphore, #tpu.memory_space<semaphore_mem>>)
      %lt3A_572 = arith.constant 49 : i32
      %lt3A_573 = arith.cmpi slt, %scan3A_155, %lt3A_572 : i32
      %convert_element_type3A_574 = arith.extui %lt3A_573 : i1 to i32
      %cond3A_575 = arith.constant 0 : i32
      %cond3A_576 = arith.cmpi ne, %convert_element_type3A_574, %cond3A_575 : i32
      scf.if %cond3A_576 {
        %add3A_577 = arith.constant 4 : i32
        %add3A_578 = arith.addi %mul3A_157, %add3A_577 : i32
        %jit3A_579 = arith.constant 8 : i32
        %div3A_580 = arith.divsi %add3A_578, %jit3A_579 : i32
        %sign3A_581 = arith.constant 0 : i32
        %sign3A_582 = arith.cmpi sgt, %add3A_578, %sign3A_581 : i32
        %sign3A_583 = arith.extui %sign3A_582 : i1 to i32
        %sign3A_584 = arith.constant 0 : i32
        %sign3A_585 = arith.cmpi slt, %add3A_578, %sign3A_584 : i32
        %sign3A_586 = arith.extui %sign3A_585 : i1 to i32
        %sign3A_587 = arith.subi %sign3A_583, %sign3A_586 : i32
        %sign3A_588 = arith.constant 0 : i32
        %sign3A_589 = arith.cmpi sgt, %jit3A_579, %sign3A_588 : i32
        %sign3A_590 = arith.extui %sign3A_589 : i1 to i32
        %sign3A_591 = arith.constant 0 : i32
        %sign3A_592 = arith.cmpi slt, %jit3A_579, %sign3A_591 : i32
        %sign3A_593 = arith.extui %sign3A_592 : i1 to i32
        %sign3A_594 = arith.subi %sign3A_590, %sign3A_593 : i32
        %ne3A_595 = arith.cmpi ne, %sign3A_587, %sign3A_594 : i32
        %rem3A_596 = arith.remsi %add3A_578, %jit3A_579 : i32
        %ne3A_597 = arith.constant 0 : i32
        %ne3A_598 = arith.cmpi ne, %rem3A_596, %ne3A_597 : i32
        %and3A_599 = arith.andi %ne3A_595, %ne3A_598 : i1
        %sub3A_600 = arith.constant 1 : i32
        %sub3A_601 = arith.subi %div3A_580, %sub3A_600 : i32
        %select_n3A_602 = arith.select %and3A_599, %sub3A_601, %div3A_580 : i32
        %jit3A_603 = arith.constant 8 : i32
        %eq3A_604 = arith.constant 0 : i32
        %eq3A_605 = arith.cmpi eq, %jit3A_603, %eq3A_604 : i32
        %jit3A_606 = arith.constant 1 : i32
        %select_n3A_607 = arith.select %eq3A_605, %jit3A_606, %jit3A_603 : i32
        %rem3A_608 = arith.remsi %add3A_578, %select_n3A_607 : i32
        %ne3A_609 = arith.constant 0 : i32
        %ne3A_610 = arith.cmpi ne, %rem3A_608, %ne3A_609 : i32
        %lt3A_611 = arith.constant 0 : i32
        %lt3A_612 = arith.cmpi slt, %rem3A_608, %lt3A_611 : i32
        %lt3A_613 = arith.constant 0 : i32
        %lt3A_614 = arith.cmpi slt, %select_n3A_607, %lt3A_613 : i32
        %ne3A_615 = arith.xori %lt3A_612, %lt3A_614 : i1
        %and3A_616 = arith.andi %ne3A_615, %ne3A_610 : i1
        %add3A_617 = arith.addi %rem3A_608, %select_n3A_607 : i32
        %select_n3A_618 = arith.select %and3A_616, %add3A_617, %rem3A_608 : i32
        %dma_wait3A_619 = arith.constant 0 : i32
        %dma_wait3A_620 = arith.constant 0 : i32
        %dma_wait3A_621 = tpu.memref_slice %arg5[%dma_wait3A_619, %dma_wait3A_620] : memref<2x128xi32, #tpu.memory_space<vmem>> -> memref<1x128xi32, #tpu.memory_space<vmem>>
        %dma_wait3A_622 = tpu.memref_squeeze %dma_wait3A_621 : memref<1x128xi32, #tpu.memory_space<vmem>> -> memref<128xi32, #tpu.memory_space<vmem>>
        %dma_wait3A_623 = arith.constant 0 : i32
        %dma_wait3A_624 = tpu.memref_slice %arg2[%select_n3A_602, %add3A, %select_n3A_618, %dma_wait3A_623] : memref<25x32x8x128xi32, #tpu.memory_space<hbm>> -> memref<1x1x1x128xi32, #tpu.memory_space<hbm>>
        %dma_wait3A_625 = tpu.memref_squeeze %dma_wait3A_624 : memref<1x1x1x128xi32, #tpu.memory_space<hbm>> -> memref<128xi32, #tpu.memory_space<hbm>>
        %dma_wait3A_626 = arith.constant 0 : i32
        %dma_wait3A_627 = tpu.memref_slice %arg5[%dma_wait3A_619, %dma_wait3A_626] : memref<2x128xi32, #tpu.memory_space<vmem>> -> memref<1x128xi32, #tpu.memory_space<vmem>>
        %dma_wait3A_628 = tpu.memref_squeeze %dma_wait3A_627 : memref<1x128xi32, #tpu.memory_space<vmem>> -> memref<128xi32, #tpu.memory_space<vmem>>
        %dma_wait3A_629 = arith.constant 0 : i32
        %dma_wait3A_630 = tpu.memref_slice %arg2[%select_n3A_602, %add3A, %select_n3A_618, %dma_wait3A_629] : memref<25x32x8x128xi32, #tpu.memory_space<hbm>> -> memref<1x1x1x128xi32, #tpu.memory_space<hbm>>
        %dma_wait3A_631 = tpu.memref_squeeze %dma_wait3A_630 : memref<1x1x1x128xi32, #tpu.memory_space<hbm>> -> memref<128xi32, #tpu.memory_space<hbm>>
        tpu.wait_dma2 semaphore(%arg11 : memref<!tpu.dma_semaphore, #tpu.memory_space<semaphore_mem>>) src(%dma_wait3A_631 : memref<128xi32, #tpu.memory_space<hbm>>) dst(%dma_wait3A_628 : memref<128xi32, #tpu.memory_space<vmem>>)
        %add3A_632 = arith.constant 4 : i32
        %add3A_633 = arith.addi %add3A_159, %add3A_632 : i32
        %jit3A_634 = arith.constant 8 : i32
        %div3A_635 = arith.divsi %add3A_633, %jit3A_634 : i32
        %sign3A_636 = arith.constant 0 : i32
        %sign3A_637 = arith.cmpi sgt, %add3A_633, %sign3A_636 : i32
        %sign3A_638 = arith.extui %sign3A_637 : i1 to i32
        %sign3A_639 = arith.constant 0 : i32
        %sign3A_640 = arith.cmpi slt, %add3A_633, %sign3A_639 : i32
        %sign3A_641 = arith.extui %sign3A_640 : i1 to i32
        %sign3A_642 = arith.subi %sign3A_638, %sign3A_641 : i32
        %sign3A_643 = arith.constant 0 : i32
        %sign3A_644 = arith.cmpi sgt, %jit3A_634, %sign3A_643 : i32
        %sign3A_645 = arith.extui %sign3A_644 : i1 to i32
        %sign3A_646 = arith.constant 0 : i32
        %sign3A_647 = arith.cmpi slt, %jit3A_634, %sign3A_646 : i32
        %sign3A_648 = arith.extui %sign3A_647 : i1 to i32
        %sign3A_649 = arith.subi %sign3A_645, %sign3A_648 : i32
        %ne3A_650 = arith.cmpi ne, %sign3A_642, %sign3A_649 : i32
        %rem3A_651 = arith.remsi %add3A_633, %jit3A_634 : i32
        %ne3A_652 = arith.constant 0 : i32
        %ne3A_653 = arith.cmpi ne, %rem3A_651, %ne3A_652 : i32
        %and3A_654 = arith.andi %ne3A_650, %ne3A_653 : i1
        %sub3A_655 = arith.constant 1 : i32
        %sub3A_656 = arith.subi %div3A_635, %sub3A_655 : i32
        %select_n3A_657 = arith.select %and3A_654, %sub3A_656, %div3A_635 : i32
        %jit3A_658 = arith.constant 8 : i32
        %eq3A_659 = arith.constant 0 : i32
        %eq3A_660 = arith.cmpi eq, %jit3A_658, %eq3A_659 : i32
        %jit3A_661 = arith.constant 1 : i32
        %select_n3A_662 = arith.select %eq3A_660, %jit3A_661, %jit3A_658 : i32
        %rem3A_663 = arith.remsi %add3A_633, %select_n3A_662 : i32
        %ne3A_664 = arith.constant 0 : i32
        %ne3A_665 = arith.cmpi ne, %rem3A_663, %ne3A_664 : i32
        %lt3A_666 = arith.constant 0 : i32
        %lt3A_667 = arith.cmpi slt, %rem3A_663, %lt3A_666 : i32
        %lt3A_668 = arith.constant 0 : i32
        %lt3A_669 = arith.cmpi slt, %select_n3A_662, %lt3A_668 : i32
        %ne3A_670 = arith.xori %lt3A_667, %lt3A_669 : i1
        %and3A_671 = arith.andi %ne3A_670, %ne3A_665 : i1
        %add3A_672 = arith.addi %rem3A_663, %select_n3A_662 : i32
        %select_n3A_673 = arith.select %and3A_671, %add3A_672, %rem3A_663 : i32
        %dma_wait3A_674 = arith.constant 1 : i32
        %dma_wait3A_675 = arith.constant 0 : i32
        %dma_wait3A_676 = tpu.memref_slice %arg5[%dma_wait3A_674, %dma_wait3A_675] : memref<2x128xi32, #tpu.memory_space<vmem>> -> memref<1x128xi32, #tpu.memory_space<vmem>>
        %dma_wait3A_677 = tpu.memref_squeeze %dma_wait3A_676 : memref<1x128xi32, #tpu.memory_space<vmem>> -> memref<128xi32, #tpu.memory_space<vmem>>
        %dma_wait3A_678 = arith.constant 0 : i32
        %dma_wait3A_679 = tpu.memref_slice %arg2[%select_n3A_657, %add3A, %select_n3A_673, %dma_wait3A_678] : memref<25x32x8x128xi32, #tpu.memory_space<hbm>> -> memref<1x1x1x128xi32, #tpu.memory_space<hbm>>
        %dma_wait3A_680 = tpu.memref_squeeze %dma_wait3A_679 : memref<1x1x1x128xi32, #tpu.memory_space<hbm>> -> memref<128xi32, #tpu.memory_space<hbm>>
        %dma_wait3A_681 = arith.constant 0 : i32
        %dma_wait3A_682 = tpu.memref_slice %arg5[%dma_wait3A_674, %dma_wait3A_681] : memref<2x128xi32, #tpu.memory_space<vmem>> -> memref<1x128xi32, #tpu.memory_space<vmem>>
        %dma_wait3A_683 = tpu.memref_squeeze %dma_wait3A_682 : memref<1x128xi32, #tpu.memory_space<vmem>> -> memref<128xi32, #tpu.memory_space<vmem>>
        %dma_wait3A_684 = arith.constant 0 : i32
        %dma_wait3A_685 = tpu.memref_slice %arg2[%select_n3A_657, %add3A, %select_n3A_673, %dma_wait3A_684] : memref<25x32x8x128xi32, #tpu.memory_space<hbm>> -> memref<1x1x1x128xi32, #tpu.memory_space<hbm>>
        %dma_wait3A_686 = tpu.memref_squeeze %dma_wait3A_685 : memref<1x1x1x128xi32, #tpu.memory_space<hbm>> -> memref<128xi32, #tpu.memory_space<hbm>>
        tpu.wait_dma2 semaphore(%arg11 : memref<!tpu.dma_semaphore, #tpu.memory_space<semaphore_mem>>) src(%dma_wait3A_686 : memref<128xi32, #tpu.memory_space<hbm>>) dst(%dma_wait3A_683 : memref<128xi32, #tpu.memory_space<vmem>>)
        %dma_start3A_687 = arith.constant 0 : i32
        %dma_start3A_688 = arith.constant 0 : i32
        %dma_start3A_689 = tpu.memref_slice %arg5[%dma_start3A_687, %dma_start3A_688] : memref<2x128xi32, #tpu.memory_space<vmem>> -> memref<1x128xi32, #tpu.memory_space<vmem>>
        %dma_start3A_690 = tpu.memref_squeeze %dma_start3A_689 : memref<1x128xi32, #tpu.memory_space<vmem>> -> memref<128xi32, #tpu.memory_space<vmem>>
        %dma_start3A_691 = arith.constant 0 : i32
        %dma_start3A_692 = arith.constant 0 : i32
        %dma_start3A_693 = tpu.memref_slice %arg3[%dma_start3A_691, %dma_start3A_692] : memref<1000000x64xf32, #tpu.memory_space<hbm>> -> memref<1000000x64xf32, #tpu.memory_space<hbm>>
        tpu.enqueue_indirect_dma source(%dma_start3A_693 : memref<1000000x64xf32, #tpu.memory_space<hbm>>) target(%arg7 : memref<128x64xf32, #tpu.memory_space<vmem>>) offsets(%dma_start3A_690 : memref<128xi32, #tpu.memory_space<vmem>>) semaphore(%arg12 : memref<!tpu.dma_semaphore, #tpu.memory_space<semaphore_mem>>)
      } else {
      }
    }
    %scan3A_116 = arith.constant 50 : i32
    %dma_wait3A_117 = arith.constant 198 : i32
    %dma_wait3A_118 = arith.constant 0 : i32
    %dma_wait3A_119 = arith.constant 0 : i32
    %dma_wait3A_120 = arith.constant 0 : i32
    %dma_wait3A_121 = tpu.memref_slice %arg9[%dma_wait3A_118, %dma_wait3A_119, %dma_wait3A_120] : memref<8x8x129xf32, #tpu.memory_space<vmem>> -> memref<8x8x128xf32, #tpu.memory_space<vmem>>
    %dma_wait3A_122 = arith.constant 0 : i32
    %dma_wait3A_123 = arith.constant 0 : i32
    %dma_wait3A_124 = arith.constant 0 : i32
    %dma_wait3A_125 = tpu.memref_slice %arg4[%dma_wait3A_117, %dma_wait3A_122, %add3A, %dma_wait3A_123, %dma_wait3A_124] : memref<200x8x32x8x128xf32, #tpu.memory_space<hbm>> -> memref<1x8x1x8x128xf32, #tpu.memory_space<hbm>>
    %dma_wait3A_126 = tpu.memref_squeeze %dma_wait3A_125 : memref<1x8x1x8x128xf32, #tpu.memory_space<hbm>> -> memref<8x8x128xf32, #tpu.memory_space<hbm>>
    %dma_wait3A_127 = arith.constant 0 : i32
    %dma_wait3A_128 = arith.constant 0 : i32
    %dma_wait3A_129 = arith.constant 0 : i32
    %dma_wait3A_130 = tpu.memref_slice %arg4[%dma_wait3A_117, %dma_wait3A_127, %add3A, %dma_wait3A_128, %dma_wait3A_129] : memref<200x8x32x8x128xf32, #tpu.memory_space<hbm>> -> memref<1x8x1x8x128xf32, #tpu.memory_space<hbm>>
    %dma_wait3A_131 = tpu.memref_squeeze %dma_wait3A_130 : memref<1x8x1x8x128xf32, #tpu.memory_space<hbm>> -> memref<8x8x128xf32, #tpu.memory_space<hbm>>
    %dma_wait3A_132 = arith.constant 0 : i32
    %dma_wait3A_133 = arith.constant 0 : i32
    %dma_wait3A_134 = arith.constant 0 : i32
    %dma_wait3A_135 = tpu.memref_slice %arg9[%dma_wait3A_132, %dma_wait3A_133, %dma_wait3A_134] : memref<8x8x129xf32, #tpu.memory_space<vmem>> -> memref<8x8x128xf32, #tpu.memory_space<vmem>>
    tpu.wait_dma2 semaphore(%arg14 : memref<!tpu.dma_semaphore, #tpu.memory_space<semaphore_mem>>) src(%dma_wait3A_135 : memref<8x8x128xf32, #tpu.memory_space<vmem>>) dst(%dma_wait3A_131 : memref<8x8x128xf32, #tpu.memory_space<hbm>>)
    %dma_wait3A_136 = arith.constant 199 : i32
    %dma_wait3A_137 = arith.constant 0 : i32
    %dma_wait3A_138 = arith.constant 0 : i32
    %dma_wait3A_139 = arith.constant 0 : i32
    %dma_wait3A_140 = tpu.memref_slice %arg10[%dma_wait3A_137, %dma_wait3A_138, %dma_wait3A_139] : memref<8x8x129xf32, #tpu.memory_space<vmem>> -> memref<8x8x128xf32, #tpu.memory_space<vmem>>
    %dma_wait3A_141 = arith.constant 0 : i32
    %dma_wait3A_142 = arith.constant 0 : i32
    %dma_wait3A_143 = arith.constant 0 : i32
    %dma_wait3A_144 = tpu.memref_slice %arg4[%dma_wait3A_136, %dma_wait3A_141, %add3A, %dma_wait3A_142, %dma_wait3A_143] : memref<200x8x32x8x128xf32, #tpu.memory_space<hbm>> -> memref<1x8x1x8x128xf32, #tpu.memory_space<hbm>>
    %dma_wait3A_145 = tpu.memref_squeeze %dma_wait3A_144 : memref<1x8x1x8x128xf32, #tpu.memory_space<hbm>> -> memref<8x8x128xf32, #tpu.memory_space<hbm>>
    %dma_wait3A_146 = arith.constant 0 : i32
    %dma_wait3A_147 = arith.constant 0 : i32
    %dma_wait3A_148 = arith.constant 0 : i32
    %dma_wait3A_149 = tpu.memref_slice %arg4[%dma_wait3A_136, %dma_wait3A_146, %add3A, %dma_wait3A_147, %dma_wait3A_148] : memref<200x8x32x8x128xf32, #tpu.memory_space<hbm>> -> memref<1x8x1x8x128xf32, #tpu.memory_space<hbm>>
    %dma_wait3A_150 = tpu.memref_squeeze %dma_wait3A_149 : memref<1x8x1x8x128xf32, #tpu.memory_space<hbm>> -> memref<8x8x128xf32, #tpu.memory_space<hbm>>
    %dma_wait3A_151 = arith.constant 0 : i32
    %dma_wait3A_152 = arith.constant 0 : i32
    %dma_wait3A_153 = arith.constant 0 : i32
    %dma_wait3A_154 = tpu.memref_slice %arg10[%dma_wait3A_151, %dma_wait3A_152, %dma_wait3A_153] : memref<8x8x129xf32, #tpu.memory_space<vmem>> -> memref<8x8x128xf32, #tpu.memory_space<vmem>>
    tpu.wait_dma2 semaphore(%arg15 : memref<!tpu.dma_semaphore, #tpu.memory_space<semaphore_mem>>) src(%dma_wait3A_154 : memref<8x8x128xf32, #tpu.memory_space<vmem>>) dst(%dma_wait3A_150 : memref<8x8x128xf32, #tpu.memory_space<hbm>>)
    return
  }
}

module attributes {stable_mosaic.version = 14 : i64} {
  func.func @_mask_body(%arg0: i32, %arg1: memref<800x128xi32, #tpu.memory_space<vmem>>, %arg2: memref<800x128xi32, #tpu.memory_space<vmem>>) attributes {dimension_semantics = [#tpu.dimension_semantics<arbitrary>], iteration_bounds = array<i64: 8>, scalar_prefetch = 0 : i64, scratch_operands = 0 : i64, tpu.core_type = #tpu.core_type<tc>, window_params = [{transform_indices = @transform_0, window_bounds = array<i64: 800, 128>}, {transform_indices = @transform_1, window_bounds = array<i64: 800, 128>}]} {
    %get3A = arith.constant 0 : index
    %get3A_0 = arith.constant 0 : index
    %get3A_1 = vector.load %arg1[%get3A, %get3A_0] : memref<800x128xi32, #tpu.memory_space<vmem>>, vector<800x128xi32>
    %gt3A = arith.constant 0 : i32
    %gt3A_2 = vector.broadcast %gt3A : i32 to vector<800x128xi32>
    %gt3A_3 = arith.cmpi sgt, %get3A_1, %gt3A_2 : vector<800x128xi32>
    %convert_element_type3A = arith.extui %gt3A_3 : vector<800x128xi1> to vector<800x128xi32>
    %swap3A = arith.constant 0 : index
    %swap3A_4 = arith.constant 0 : index
    %swap3A_5 = vector.load %arg2[%swap3A, %swap3A_4] : memref<800x128xi32, #tpu.memory_space<vmem>>, vector<800x128xi32>
    tpu.vector_store %arg2[%swap3A, %swap3A_4], %convert_element_type3A {strides = array<i32>} : memref<800x128xi32, #tpu.memory_space<vmem>>, vector<800x128xi32>,
    return
  }
  func.func @transform_0(%arg0: i32) -> (i32, i32) {
    %c0_i32 = arith.constant 0 : i32
    %c0_i32_0 = arith.constant 0 : i32
    return %arg0, %c0_i32 : i32, i32
  }
  func.func @transform_1(%arg0: i32) -> (i32, i32) {
    %c0_i32 = arith.constant 0 : i32
    %c0_i32_0 = arith.constant 0 : i32
    return %arg0, %c0_i32 : i32, i32
  }
}

</mosaic_0001>

<sc_bundles>
// kernel: kernel.4.cloned.1.call-start
scs
__scs_entry_jumppad:
0x0: {  	(pc) =	sbr.rel $0x88, $3  }
0x1: {  	(tag) =	ssettag $0x0;
	lr =	simm.s32 $0x1  }
0x2: {  	[smem:$0x3F9F] =	sst lr;
	_ =	strace $0xD0000000  }
0x3: {  	_ = 	snop  }
0x4: {  	_ = 	snop  }
0x5: {  	_ = 	snop  }
0x6: {  	_ = 	snop  }
0x7: {  	_ = 	snop  }
__scs_overlays_trampoline_lowered:
0x8: {  	[smem:$0x3FAE] =	sst s0  }
0x9: {  	[smem:$0x3FAF] =	sst s1  }
0xa: {  	[smem:$0x3FB0] =	sst s2  }
0xb: {  	[smem:$0x3FB1] =	sst s3  }
0xc: {  	[smem:$0x3FB2] =	sst s4  }
0xd: {  	[smem:$0x3FB3] =	sst s5  }
0xe: {  	[smem:$0x3FB4] =	sst s6  }
0xf: {  	[smem:$0x3FB5] =	sst s7  }
0x10: {  	[smem:$0x3FB6] =	sst s8  }
0x11: {  	[smem:$0x3FB7] =	sst s9;
	s0 =	simm.s32 @!p0 $0x0  }
0x12: {  	s1 =	sld [smem:$0x3F9D];
	s0 =	simm.s32 @p0 $0x1  }
0x13: {  	[smem:$0x3FB8] =	sst s0;
	s0 =	simm.s32 @!p1 $0x0  }
0x14: {  	s2 =	sld [smem:$0x3F9C];
	s0 =	simm.s32 @p1 $0x1  }
0x15: {  	[smem:$0x3FB9] =	sst s0;
	s0 =	simm.s32 @!p2 $0x0  }
0x16: {  	s3 =	sld [smem:$0x3FDB];
	s0 =	simm.s32 @p2 $0x1  }
0x17: {  	s4 =	simm.s32 $0x1BF5;
	[smem:$0x3FBB] =	sst s0  }
0x18: {  	s0 =	sld [smem:$0x3F9E];
	_ =	swait.ge [sflag:s4], $0x0  }
0x19: {  	s7 =	sld [smem:$0x3F9F]  }
0x1a: {  	s8 =	sadd.s32 $0xFFFFE003, lr  }
0x1b: {  	s9 =	sadd.s32 $0xFFFFFEF7, lr;
	s5 =	simm.s32 $0xFFFFFFFF;
	p2 =	slt.u32 s8, $0xFFFFF086  }
0x1c: {  	p1 =	slt.u32 s9, $0xF7A;
	s5 =	simm.s32 @!p2 $0x0  }
0x1d: {  	s5 =	simm.s32 @p1 $0x1;
	p0 =	seq.s32 s7, s2  }
0x1e: {  	s7 =	smul.u32 @!p0 $0xF7A, s2;
	p2 =	seq.s32 @!p0 s5, $0x0  }
0x1f: {  	s9 =	smul.u32 $0xF7A, s1;
	s8 =	simm.s32 @!p0 $0x1BF5;
	p2 =	por !p2, p0  }
0x20: {  	[sflag:s8] =	ssyncset.s32 @!p0 $0xFFFFF086;
	s6 =	sadd.s32 @!p0 s3, s7;
	s7 =	simm.s32 @!p0 $0x108  }
0x21: {  	s3 =	sadd.s32 s3, s9;
	s6 =	sadd.s32 @!p0 $0x88, s6;
	s7 =	simm.s32 @p2 $0x1082  }
0x22: {  	[simem:s7], [sflag:s8] =	dma.local @!p0 [hbm:s6], $0xF7A  }
0x23: {  	s9 =	sor.u32 $0xD0000000, s2;
	s6 =	simm.s32 $0x108;
	_ =	swait.ge @!p0 [sflag:s8], $0x0  }
0x24: {  	s3 =	sadd.s32 $0x88, s3;
	s6 =	simm.s32 @!p1 $0x1082;
	[sflag:s4] =	ssyncset.s32 $0xFFFFF086  }
0x25: {  	[simem:s6], [sflag:s4] =	dma.local [hbm:s3], $0xF7A  }
0x26: {  	[smem:$0x3F9F] =	sst s1;
	(tag) =	ssettag s2;
	_ =	strace s9  }
0x27: {  	s1 =	sld [smem:$0x3FAF]  }
0x28: {  	s2 =	sld [smem:$0x3FB0]  }
0x29: {  	s4 =	sld [smem:$0x3FB2]  }
0x2a: {  	p0 =	seq.s32 s5, $0x0;
	s5 =	sld [smem:$0x3FB3]  }
0x2b: {  	s6 =	sld [smem:$0x3FB4]  }
0x2c: {  	s7 =	sld [smem:$0x3FB5]  }
0x2d: {  	s3 =	simm.s32 $0x108;
	s8 =	sld [smem:$0x3FB6]  }
0x2e: {  	s3 =	simm.s32 @!p0 $0x1082;
	s9 =	sld [smem:$0x3FB7]  }
0x2f: {  	lr =	sadd.s32 s0, s3;
	s0 =	sld [smem:$0x3FAE]  }
0x30: {  	s3 =	sld [smem:$0x3FB1]  }
0x31: {  	[smem:$0x3FBA] =	sst s10  }
0x32: {  	s10 =	sld [smem:$0x3FB8];
	_ =	sdelay $0x3  }
0x33: {  	p0 =	seq.s32 s10, $0x1;
	s10 =	sld [smem:$0x3FBA];
	_ =	sdelay $0x3  }
0x34: {  	[smem:$0x3FBA] =	sst s10  }
0x35: {  	s10 =	sld [smem:$0x3FB9];
	_ =	sdelay $0x3  }
0x36: {  	p1 =	seq.s32 s10, $0x1;
	s10 =	sld [smem:$0x3FBA];
	_ =	sdelay $0x3  }
0x37: {  	[smem:$0x3FBA] =	sst s10  }
0x38: {  	s10 =	sld [smem:$0x3FBB]  }
0x39: {  	_ = 	snop;
	(pc) =	sbr.ind lr, $3  }
0x3a: {  	_ = 	snop  }
0x3b: {  	_ = 	snop  }
0x3c: {  	p2 =	seq.s32 s10, $0x1;
	s10 =	sld [smem:$0x3FBA]  }
0x3d: {  	_ =	shalt  }
0x3e: {  	_ =	shalt  }
0x3f: {  	_ =	shalt  }
0x40: {  	_ =	shalt  }
0x41: {  	_ =	shalt  }
0x42: {  	_ =	shalt  }
0x43: {  	_ =	shalt  }
0x44: {  	_ =	shalt  }
0x45: {  	_ =	shalt  }
0x46: {  	_ =	shalt  }
0x47: {  	_ =	shalt  }
0x48: {  	_ =	shalt  }
0x49: {  	_ =	shalt  }
0x4a: {  	_ =	shalt  }
0x4b: {  	_ =	shalt  }
0x4c: {  	_ =	shalt  }
0x4d: {  	_ =	shalt  }
0x4e: {  	_ =	shalt  }
0x4f: {  	_ =	shalt  }
0x50: {  	_ =	shalt  }
0x51: {  	_ =	shalt  }
0x52: {  	_ =	shalt  }
0x53: {  	_ =	shalt  }
0x54: {  	_ =	shalt  }
0x55: {  	_ =	shalt  }
0x56: {  	_ =	shalt  }
0x57: {  	_ =	shalt  }
0x58: {  	_ =	shalt  }
0x59: {  	_ =	shalt  }
0x5a: {  	_ =	shalt  }
0x5b: {  	_ =	shalt  }
0x5c: {  	_ =	shalt  }
0x5d: {  	_ =	shalt  }
0x5e: {  	_ =	shalt  }
0x5f: {  	_ =	shalt  }
0x60: {  	_ =	shalt  }
0x61: {  	_ =	shalt  }
0x62: {  	_ =	shalt  }
0x63: {  	_ =	shalt  }
0x64: {  	_ =	shalt  }
0x65: {  	_ =	shalt  }
0x66: {  	_ =	shalt  }
0x67: {  	_ =	shalt  }
0x68: {  	_ =	shalt  }
0x69: {  	_ =	shalt  }
0x6a: {  	_ =	shalt  }
0x6b: {  	_ =	shalt  }
0x6c: {  	_ =	shalt  }
0x6d: {  	_ =	shalt  }
0x6e: {  	_ =	shalt  }
0x6f: {  	_ =	shalt  }
0x70: {  	_ =	shalt  }
0x71: {  	_ =	shalt  }
0x72: {  	_ =	shalt  }
0x73: {  	_ =	shalt  }
0x74: {  	_ =	shalt  }
0x75: {  	_ =	shalt  }
0x76: {  	_ =	shalt  }
0x77: {  	_ =	shalt  }
0x78: {  	_ =	shalt  }
0x79: {  	_ =	shalt  }
0x7a: {  	_ =	shalt  }
0x7b: {  	_ =	shalt  }
0x7c: {  	_ =	shalt  }
0x7d: {  	_ =	shalt  }
0x7e: {  	_ =	shalt  }
0x7f: {  	_ =	shalt  }
0x80: {  	_ =	shalt  }
0x81: {  	_ =	shalt  }
0x82: {  	_ =	shalt  }
0x83: {  	_ =	shalt  }
0x84: {  	_ =	shalt  }
0x85: {  	_ =	shalt  }
0x86: {  	_ =	shalt  }
0x87: {  	_ =	shalt  }
.Lfunc_end0:
.L_simem_size_0:
called_computation_lowered:
.L_overlay_start_0:
0x88: {  	s2 =	sld [smem:$0x3FD9]  }
0x89: {  	s3 =	sld [smem:$0x3FFE];
	_ =	sdelay $0x1  }
0x8a: {  	s1 =	srdreg.scid  }
0x8b: {  	s0 =	sand.u32 $0x1, s1  }
0x8c: {  	s14 =	sshll.u32 s0, $0xA;
	s2 =	sadd.s32 s3, s2  }
0x8d: {  	s2 =	sadd.s32 s2, s14  }
0x8e: {  	[smem:$0x3FC6] =	sst s2  }
0x8f: {  	_ = 	snop  }
0x90: {  	s2 =	sld [smem:$0x3FD0];
	_ =	sdelay $0x2  }
0x91: {  	s4 =	simm.s32 $0xA;
	s5 =	simm.s32 $0x10;
	s15 =	sld [smem:$0x3FC9]  }
0x92: {  	[smem:s5], [sflag:s4] =	dma.local [hbm:s2], $0x1  }
0x93: {  	_ =	swait.eq [sflag:s4], $0x1  }
0x94: {  	[sflag:s4] =	ssyncset.done $0x0  }
0x95: {  	[sflag:s4] =	ssyncadd.s32 $0xFFFFFFFF  }
0x96: {  	s16 =	sld [smem:$0x10];
	(tm) =	ssettm $0x1  }
0x97: {  	s17 =	sld [smem:$0x3FFB];
	_ =	sdelay $0x3  }
0x98: {  	_ =	strace s17  }
0x99: {  	s4 =	sld [smem:$0x3FFC];
	_ =	sdelay $0x3  }
0x9a: {  	_ =	strace s4  }
0x9b: {  	s4 =	sld [smem:$0x3FFD];
	_ =	sdelay $0x3  }
0x9c: {  	_ =	strace s4  }
0x9d: {  	_ =	strace $0x8FFFFFFF  }
0x9e: {  	s18 =	sld [smem:$0x3FDB];
	_ =	sdelay $0x1  }
0x9f: {  	s19 =	simm.s32 $_scs_section_size  }
0xa0: {  	s6 =	simm.s32 $_size__tile_overlayer_lowered;
	s7 =	simm.s32 $_tile_overlayer_lowered  }
0xa1: {  	s22 =	simm.s32 $0x1BFF;
	s21 =	sshll.u32 s7, $0x1;
	s4 =	sadd.s32 s19, s18  }
0xa2: {  	s8 =	simm.s32 $0x0;
	s20 =	sshll.u32 s6, $0x1;
	s6 =	sadd.s32 s21, s4  }
0xa3: {  	[timem:s8], [sflag:s22] =	dma.local [hbm:s6], s20  }
0xa4: {  	_ =	swait.ge [sflag:s22], s20  }
0xa5: {  	s5 =	ssub.s32 $0x0, s20;
	[sflag:s22] =	ssyncset.done $0x0  }
0xa6: {  	[sflag:s22] =	ssyncadd.s32 s5;
	_ =	sdelay $0x1  }
0xa7: {  	s23 =	simm.s32 $0x1B8B  }
0xa8: {  	_ =	swait.ge [sflag:s23], $0x1  }
0xa9: {  	[sflag:s23] =	ssyncset.done $0x0  }
0xaa: {  	s25 =	simm.s32 $0x1B8E;
	s24 =	sld [smem:$0x3FFE];
	[sflag:s23] =	ssyncadd.s32 $0xFFFFFFFF  }
0xab: {  	s26 =	simm.s32 $execute0_lowered;
	[smem:$0x3FD2] =	sst s25  }
0xac: {  	s6 =	sshll.u32 s26, $0x1;
	_ =	strace $0x80000046;
	[dreg:$0x1] =	wrdreg $0xFFFFFFFF  }
0xad: {  	s28 =	simm.s32 $_size_execute0_lowered;
	s4 =	sadd.s32 s4, s6;
	[dreg:$0x0] =	wrdreg $0x0  }
0xae: {  	s6 =	sshll.u32 s28, $0x1;
	[dreg:$0x2] =	wrdreg s4  }
0xaf: {  	[dreg:$0x3] =	wrdreg s6  }
0xb0: {  	[dreg:$0x4] =	wrdreg $0xC0  }
0xb1: {  	_ =	task [dreg:s8], $0x5FFFF  }
0xb2: {  	[dreg:$0x1] =	wrdreg $0xFFFFFFFF  }
0xb3: {  	[dreg:$0x0] =	wrdreg $0x60  }
0xb4: {  	[dreg:$0x2] =	wrdreg s15  }
0xb5: {  	[dreg:$0x3] =	wrdreg s24  }
0xb6: {  	[dreg:$0x4] =	wrdreg s16  }
0xb7: {  	[dreg:$0x5] =	wrdreg $0x9  }
0xb8: {  	_ =	task.clear_ibuf [dreg:s8], $0x6FFFF;
	_ =	strace $0x90000046  }
0xb9: {  	s29 =	simm.s32 $0x9;
	_ =	strace $0x80000048  }
0xba: {  	_ =	swait.ge [sflag:s29], $0x1  }
0xbb: {  	[sflag:s29] =	ssyncadd.s32 $0xFFFFFFFF  }
0xbc: {  	_ =	strace $0x90000048  }
0xbd: {  	_ =	sfence  }
0xbe: {  	s30 =	sld [smem:$0x0];
	_ =	sdelay $0x2  }
0xbf: {  	s31 =	sshll.u32 s1, $0xD;
	s1 =	sshrl.u32 s1, $0x2  }
0xc0: {  	s3 =	sand.u32 $0x4000, s31;
	s1 =	sadd.s32 s1, s30  }
0xc1: {  	s0 =	sor.u32 s3, s0;
	s1 =	sshll.u32 s1, $0x11  }
0xc2: {  	s0 =	sor.u32 s1, s0  }
0xc3: {  	s0 =	sadd.s32 $0x8F2B, s0  }
0xc4: {  	[sflag:s0] =	ssyncadd.remote.s32 $0x1  }
0xc5: {  	_ =	sfence.sel $0xFFFF  }
0xc6: {  	[dreg:$0x0] =	wrdreg $0xFFFFFFFF;
	(pc) =	sbr.abs _section_cstart, $3  }
0xc7: {  	[dreg:$0x1] =	wrdreg $0xFFFFFFFF  }
0xc8: {  	_ =	task.clear_ibuf [dreg:s8], $0x2FFFF;
	_ =	strace $0x9FFFFFFF  }
0xc9: {  	(tm) =	ssettm $0x7FFFFFFF  }
tec
execute0_lowered:
.L_overlay_start_1:
0x0: {  	(tag) =	ssettag $0x1  }
0x1: {  	v0 =	vlaneseq.u32  }
0x2: {  	s1 =	rddreg [dreg:$0x0];
	s0 =	srdreg.scid;
	v0 =	vmul.u32 $0x88, v0  }
0x3: {  	s2 =	rddreg [dreg:$0x1];
	s4 =	stileid.u32  }
0x4: {  	s3 =	rddreg [dreg:$0x2];
	s11 =	simm.s32 $0x80;
	s12 =	simm.s32 $0x1;
	v1 =	vadd.s32 $0x880, v0  }
0x5: {  	s13 =	simm.s32 $0x200;
	s14 =	simm.s32 $0x2200;
	s15 =	simm.s32 $0x100;
	v2 =	vadd.s32 $0x1100, v0;
	v3 =	vadd.s32 $0x1980, v0;
	v4 =	vor.u32 $0x1, v0  }
0x6: {  	s16 =	simm.s32 $0x180;
	s17 =	simm.s32 $0x2;
	s18 =	simm.s32 $0x4200;
	v5 =	vadd.s32 $0x881, v0;
	v6 =	vadd.s32 $0x1101, v0;
	v7 =	vadd.s32 $0x1981, v0  }
0x7: {  	s19 =	simm.s32 $0x3;
	s20 =	simm.s32 $0x6400;
	s21 =	simm.s32 $0x4;
	v8 =	vor.u32 $0x2, v0;
	v9 =	vadd.s32 $0x882, v0;
	v10 =	vadd.s32 $0x1102, v0  }
0x8: {  	s22 =	simm.s32 $0x5;
	s23 =	simm.s32 $0x0;
	s0 =	sand.u32 $0x1, s0;
	v11 =	vadd.s32 $0x1982, v0;
	v12 =	vor.u32 $0x3, v0;
	v13 =	vadd.s32 $0x883, v0  }
0x9: {  	s5 =	sshll.u32 s4, $0xB;
	s6 =	sshll.u32 s0, $0xA;
	s0 =	ssub.s32 $0x2, s0;
	v14 =	vadd.s32 $0x1103, v0;
	v15 =	vadd.s32 $0x1983, v0;
	v16 =	vor.u32 $0x4, v0  }
.Ltmp0:
0xa: {  	s5 =	sor.u32 s6, s5;
	s8 =	sshrl.u32 s0, $0x1;
	v17 =	vadd.s32 $0x884, v0;
	v18 =	vadd.s32 $0x1104, v0;
	v19 =	vadd.s32 $0x1984, v0;
	(pc) =	sbr.rel .LBB2_1-.Ltmp0, $4  }
0xb: {  	s4 =	simm.s32 $0x0;
	v20 =	vor.u32 $0x5, v0;
	v21 =	vadd.s32 $0x885, v0;
	v22 =	vadd.s32 $0x1105, v0;
	s6 =	sshrl.u32 s5, $0x3;
	s0 =	ssub.s32 s0, s8  }
0xc: {  	[smem:$0x7FF] =	sst s4;
	v23 =	vadd.s32 $0x1985, v0;
	v24 =	vor.u32 $0x6, v0;
	v25 =	vadd.s32 $0x886, v0;
	s6 =	sadd.s32 s1, s6;
	s0 =	smax.u32 s0, $0x1  }
0xd: {  	_ =	strace $0x80000047;
	v26 =	vadd.s32 $0x1106, v0;
	v27 =	vadd.s32 $0x1986, v0;
	v28 =	vor.u32 $0x7, v0;
	s31 =	sadd.s32 $0x10, s6;
	[dreg:$0x5] =	wrdreg s0  }
0xe: {  	s7 =	sadd.s32 $0xF42A00, s2;
	s9 =	sadd.s32 $0x8000, s3;
	v29 =	vadd.s32 $0x887, v0;
	v30 =	vadd.s32 $0x1107, v0;
	v31 =	vadd.s32 $0x1987, v0;
	[dreg:$0x4] =	wrdreg s31  }
.LBB2_20:
0xf: {  	_ =	swait.ge [sflag:s21], $0x2000  }
0x10: {  	[sflag:s21] =	ssyncset.done $0x0  }
0x11: {  	[sflag:s21] =	ssyncadd.s32 $0xFFFFE000  }
0x12: {  	_ =	swait.ge [sflag:s22], $0x2000  }
0x13: {  	s23 =	sadd.s32 $0x1, s23;
	s0 =	rddreg [dreg:$0x5]  }
0x14: {  	p0 =	sne.s32 s23, s0  }
.Ltmp1:
0x15: {  	_ = 	snop;
	(pc) =	sbr.rel @!p0 .LBB2_21-.Ltmp1, $3  }
0x16: {  	_ =	sdelay $0x1  }
0x17: {  	[sflag:s22] =	ssyncset.done $0x0  }
0x18: {  	[sflag:s22] =	ssyncadd.s32 $0xFFFFE000  }
.LBB2_1:
0x19: {  	[tilespmem:s4], [sflag:$0x1] =	stream.linear.gather [hbm4b:s6+s4], $0x80, $0x38;
	[tilespmem:$0x8600] =	vst v63  }
0x1a: {  	s0 =	rddreg [dreg:$0x4]  }
0x1b: {  	[tilespmem:s11], [sflag:$0x1] =	stream.linear.gather [hbm4b:s0+s4], $0x80, $0x38;
	[tilespmem:$0x8600] =	vst v63  }
0x1c: {  	_ =	swait.ge [sflag:s12], $0x80  }
0x1d: {  	[sflag:s12] =	ssyncset.done $0x0  }
0x1e: {  	[sflag:s12] =	ssyncadd.s32 $0xFFFFFF80  }
0x1f: {  	_ =	swait.ge [sflag:s12], $0x80  }
0x20: {  	[sflag:s12] =	ssyncset.done $0x0  }
0x21: {  	s24 =	simm.s32 $0x0;
	[sflag:s12] =	ssyncadd.s32 $0xFFFFFF80  }
0x22: {  	[tilespmem:s13], [sflag:$0x2] =	stream.indirect.gather [hbm4b:s7+s11], $0x40, s4, s11, $0xb8;
	[tilespmem:$0x8600] =	vst v63  }
.LBB2_2:
0x23: {  	s28 =	sshll.u32 s24, $0x2  }
0x24: {  	[tilespmem:s14], [sflag:$0x3] =	stream.indirect.gather [hbm4b:s7+s11], $0x40, s11, s11, $0xb8;
	[tilespmem:$0x8600] =	vst v63  }
0x25: {  	s26 =	sor.u32 $0x2, s28  }
0x26: {  	s0 =	sshll.u32 s26, $0x7  }
0x27: {  	s2 =	sshll.u32 s24, $0xE;
	s0 =	sand.u32 $0x300, s0  }
0x28: {  	s2 =	sand.u32 $0xF8000, s2;
	s0 =	sor.u32 s0, s5  }
0x29: {  	s0 =	sor.u32 s2, s0  }
0x2a: {  	s25 =	sshllo.u32 s24, $0x2;
	s0 =	sshrl.u32 s0, $0x3  }
0x2b: {  	s31 =	sshll.u32 s25, $0x7;
	s0 =	sadd.s32 s1, s0  }
0x2c: {  	[tilespmem:s15], [sflag:$0x1] =	stream.linear.gather [hbm4b:s0+s4], $0x80, $0x38;
	[tilespmem:$0x8600] =	vst v63  }
0x2d: {  	s0 =	sand.u32 $0x380, s31  }
0x2e: {  	s0 =	sor.u32 s0, s5  }
0x2f: {  	s0 =	sor.u32 s2, s0  }
0x30: {  	s0 =	sshrl.u32 s0, $0x3  }
0x31: {  	s0 =	sadd.s32 s1, s0  }
0x32: {  	[tilespmem:s16], [sflag:$0x1] =	stream.linear.gather [hbm4b:s0+s4], $0x80, $0x38;
	[tilespmem:$0x8600] =	vst v63  }
0x33: {  	_ =	swait.ge [sflag:s17], $0x2000  }
0x34: {  	p0 =	seq.s32 s24, $0x0;
	[sflag:s17] =	ssyncset.done $0x0  }
0x35: {  	s0 =	simm.s32 @!p0 $0x4;
	[sflag:s17] =	ssyncadd.s32 $0xFFFFE000  }
0x36: {  	_ =	swait.ge @!p0 [sflag:s0], $0x2000  }
0x37: {  	[sflag:s0] =	ssyncset.done @!p0 $0x0  }
0x38: {  	v32 =	vimm.s32 $0x0;
	s29 =	simm.s32 $0x0;
	s30 =	simm.s32 $0x800;
	[sflag:s0] =	ssyncadd.s32 @!p0 $0xFFFFE000  }
.LBB2_3:
0x39: {  	p1 =	sne.s32 s30, $0x7800;
	v33 =	vld [tilespmem:s29+$0x200];
	v34 =	vadd.s32 v0, v32;
	_ =	sdelay $0x4  }
0x3a: {  	[tilespmem:v34+s18+$0x0] =	vst.idx.msk $0xffff, v33  }
0x3b: {  	v34 =	vadd.s32 v1, v32;
	v33 =	vld [tilespmem:s29+$0x210];
	_ =	sdelay $0x4  }
0x3c: {  	[tilespmem:v34+s18+$0x0] =	vst.idx.msk $0xffff, v33  }
0x3d: {  	v34 =	vadd.s32 v2, v32;
	v33 =	vld [tilespmem:s29+$0x220];
	_ =	sdelay $0x4  }
0x3e: {  	[tilespmem:v34+s18+$0x0] =	vst.idx.msk $0xffff, v33  }
0x3f: {  	v34 =	vadd.s32 v3, v32;
	v33 =	vld [tilespmem:s29+$0x230];
	_ =	sdelay $0x4  }
0x40: {  	[tilespmem:v34+s18+$0x0] =	vst.idx.msk $0xffff, v33  }
0x41: {  	v34 =	vadd.s32 v4, v32;
	v33 =	vld [tilespmem:s29+$0x240];
	_ =	sdelay $0x4  }
0x42: {  	[tilespmem:v34+s18+$0x0] =	vst.idx.msk $0xffff, v33  }
0x43: {  	v34 =	vadd.s32 v5, v32;
	v33 =	vld [tilespmem:s29+$0x250];
	_ =	sdelay $0x4  }
0x44: {  	[tilespmem:v34+s18+$0x0] =	vst.idx.msk $0xffff, v33  }
0x45: {  	v34 =	vadd.s32 v6, v32;
	v33 =	vld [tilespmem:s29+$0x260];
	_ =	sdelay $0x4  }
0x46: {  	[tilespmem:v34+s18+$0x0] =	vst.idx.msk $0xffff, v33  }
0x47: {  	v34 =	vadd.s32 v7, v32;
	v33 =	vld [tilespmem:s29+$0x270];
	_ =	sdelay $0x4  }
0x48: {  	[tilespmem:v34+s18+$0x0] =	vst.idx.msk $0xffff, v33  }
0x49: {  	v34 =	vadd.s32 v8, v32;
	v33 =	vld [tilespmem:s29+$0x280];
	_ =	sdelay $0x4  }
0x4a: {  	[tilespmem:v34+s18+$0x0] =	vst.idx.msk $0xffff, v33  }
0x4b: {  	v34 =	vadd.s32 v9, v32;
	v33 =	vld [tilespmem:s29+$0x290];
	_ =	sdelay $0x4  }
0x4c: {  	[tilespmem:v34+s18+$0x0] =	vst.idx.msk $0xffff, v33  }
0x4d: {  	v34 =	vadd.s32 v10, v32;
	v33 =	vld [tilespmem:s29+$0x2A0];
	_ =	sdelay $0x4  }
0x4e: {  	[tilespmem:v34+s18+$0x0] =	vst.idx.msk $0xffff, v33  }
0x4f: {  	v34 =	vadd.s32 v11, v32;
	v33 =	vld [tilespmem:s29+$0x2B0];
	_ =	sdelay $0x4  }
0x50: {  	[tilespmem:v34+s18+$0x0] =	vst.idx.msk $0xffff, v33  }
0x51: {  	v34 =	vadd.s32 v12, v32;
	v33 =	vld [tilespmem:s29+$0x2C0];
	_ =	sdelay $0x4  }
0x52: {  	[tilespmem:v34+s18+$0x0] =	vst.idx.msk $0xffff, v33  }
0x53: {  	v34 =	vadd.s32 v13, v32;
	v33 =	vld [tilespmem:s29+$0x2D0];
	_ =	sdelay $0x4  }
0x54: {  	[tilespmem:v34+s18+$0x0] =	vst.idx.msk $0xffff, v33  }
0x55: {  	v34 =	vadd.s32 v14, v32;
	v33 =	vld [tilespmem:s29+$0x2E0];
	_ =	sdelay $0x4  }
0x56: {  	[tilespmem:v34+s18+$0x0] =	vst.idx.msk $0xffff, v33  }
0x57: {  	v34 =	vadd.s32 v15, v32;
	v33 =	vld [tilespmem:s29+$0x2F0];
	_ =	sdelay $0x4  }
0x58: {  	[tilespmem:v34+s18+$0x0] =	vst.idx.msk $0xffff, v33  }
0x59: {  	v34 =	vadd.s32 v16, v32;
	v33 =	vld [tilespmem:s29+$0x300];
	_ =	sdelay $0x4  }
0x5a: {  	[tilespmem:v34+s18+$0x0] =	vst.idx.msk $0xffff, v33  }
0x5b: {  	v34 =	vadd.s32 v17, v32;
	v33 =	vld [tilespmem:s29+$0x310];
	_ =	sdelay $0x4  }
0x5c: {  	[tilespmem:v34+s18+$0x0] =	vst.idx.msk $0xffff, v33  }
0x5d: {  	v34 =	vadd.s32 v18, v32;
	v33 =	vld [tilespmem:s29+$0x320];
	_ =	sdelay $0x4  }
0x5e: {  	[tilespmem:v34+s18+$0x0] =	vst.idx.msk $0xffff, v33  }
0x5f: {  	v34 =	vadd.s32 v19, v32;
	v33 =	vld [tilespmem:s29+$0x330];
	_ =	sdelay $0x4  }
0x60: {  	[tilespmem:v34+s18+$0x0] =	vst.idx.msk $0xffff, v33  }
0x61: {  	v34 =	vadd.s32 v20, v32;
	v33 =	vld [tilespmem:s29+$0x340];
	_ =	sdelay $0x4  }
0x62: {  	[tilespmem:v34+s18+$0x0] =	vst.idx.msk $0xffff, v33  }
0x63: {  	v34 =	vadd.s32 v21, v32;
	v33 =	vld [tilespmem:s29+$0x350];
	_ =	sdelay $0x4  }
0x64: {  	[tilespmem:v34+s18+$0x0] =	vst.idx.msk $0xffff, v33  }
0x65: {  	v34 =	vadd.s32 v22, v32;
	v33 =	vld [tilespmem:s29+$0x360];
	_ =	sdelay $0x4  }
0x66: {  	[tilespmem:v34+s18+$0x0] =	vst.idx.msk $0xffff, v33  }
0x67: {  	v34 =	vadd.s32 v23, v32;
	v33 =	vld [tilespmem:s29+$0x370];
	_ =	sdelay $0x4  }
0x68: {  	[tilespmem:v34+s18+$0x0] =	vst.idx.msk $0xffff, v33  }
0x69: {  	v34 =	vadd.s32 v24, v32;
	v33 =	vld [tilespmem:s29+$0x380];
	_ =	sdelay $0x4  }
0x6a: {  	[tilespmem:v34+s18+$0x0] =	vst.idx.msk $0xffff, v33  }
0x6b: {  	v34 =	vadd.s32 v25, v32;
	v33 =	vld [tilespmem:s29+$0x390];
	_ =	sdelay $0x4  }
0x6c: {  	[tilespmem:v34+s18+$0x0] =	vst.idx.msk $0xffff, v33  }
0x6d: {  	v34 =	vadd.s32 v26, v32;
	v33 =	vld [tilespmem:s29+$0x3A0];
	_ =	sdelay $0x4  }
0x6e: {  	[tilespmem:v34+s18+$0x0] =	vst.idx.msk $0xffff, v33  }
0x6f: {  	v34 =	vadd.s32 v27, v32;
	v33 =	vld [tilespmem:s29+$0x3B0];
	_ =	sdelay $0x4  }
0x70: {  	[tilespmem:v34+s18+$0x0] =	vst.idx.msk $0xffff, v33  }
0x71: {  	v34 =	vadd.s32 v28, v32;
	v33 =	vld [tilespmem:s29+$0x3C0];
	_ =	sdelay $0x4  }
0x72: {  	[tilespmem:v34+s18+$0x0] =	vst.idx.msk $0xffff, v33  }
0x73: {  	v34 =	vadd.s32 v29, v32;
	v33 =	vld [tilespmem:s29+$0x3D0];
	_ =	sdelay $0x4  }
0x74: {  	[tilespmem:v34+s18+$0x0] =	vst.idx.msk $0xffff, v33  }
0x75: {  	v34 =	vadd.s32 v30, v32;
	v33 =	vld [tilespmem:s29+$0x3E0];
	_ =	sdelay $0x4  }
0x76: {  	[tilespmem:v34+s18+$0x0] =	vst.idx.msk $0xffff, v33  }
0x77: {  	v34 =	vadd.s32 v31, v32;
	v33 =	vld [tilespmem:s29+$0x3F0]  }
.Ltmp2:
0x78: {  	(pc) =	sbr.rel @p1 .LBB2_3-.Ltmp2, $2  }
0x79: {  	_ =	sdelay $0x2  }
0x7a: {  	v32 =	vadd.s32 $0x8, v32;
	s29 =	sshra.s32 s30, $0x2;
	s30 =	sadd.s32 $0x800, s30;
	[tilespmem:v34+s18+$0x0] =	vst.idx.msk $0xffff, v33  }
0x7b: {  	v33 =	vld [tilespmem:s29+$0x200];
	v34 =	vadd.s32 v0, v32;
	_ =	sdelay $0x4  }
0x7c: {  	[tilespmem:v34+s18+$0x0] =	vst.idx.msk $0xffff, v33  }
0x7d: {  	v61 =	vadd.s32 v1, v32;
	v33 =	vld [tilespmem:s29+$0x210];
	_ =	sdelay $0x4  }
0x7e: {  	[tilespmem:v61+s18+$0x0] =	vst.idx.msk $0xffff, v33  }
0x7f: {  	v62 =	vadd.s32 v2, v32;
	v33 =	vld [tilespmem:s29+$0x220];
	_ =	sdelay $0x4  }
0x80: {  	[tilespmem:v62+s18+$0x0] =	vst.idx.msk $0xffff, v33  }
0x81: {  	v63 =	vadd.s32 v3, v32;
	v33 =	vld [tilespmem:s29+$0x230];
	_ =	sdelay $0x4  }
0x82: {  	[tilespmem:v63+s18+$0x0] =	vst.idx.msk $0xffff, v33  }
0x83: {  	v36 =	vadd.s32 v4, v32;
	v33 =	vld [tilespmem:s29+$0x240];
	_ =	sdelay $0x4  }
0x84: {  	[tilespmem:v36+s18+$0x0] =	vst.idx.msk $0xffff, v33  }
0x85: {  	v37 =	vadd.s32 v5, v32;
	v33 =	vld [tilespmem:s29+$0x250];
	_ =	sdelay $0x4  }
0x86: {  	[tilespmem:v37+s18+$0x0] =	vst.idx.msk $0xffff, v33  }
0x87: {  	v38 =	vadd.s32 v6, v32;
	v33 =	vld [tilespmem:s29+$0x260];
	_ =	sdelay $0x4  }
0x88: {  	[tilespmem:v38+s18+$0x0] =	vst.idx.msk $0xffff, v33  }
0x89: {  	v39 =	vadd.s32 v7, v32;
	v33 =	vld [tilespmem:s29+$0x270];
	_ =	sdelay $0x4  }
0x8a: {  	[tilespmem:v39+s18+$0x0] =	vst.idx.msk $0xffff, v33  }
0x8b: {  	v40 =	vadd.s32 v8, v32;
	v33 =	vld [tilespmem:s29+$0x280];
	_ =	sdelay $0x4  }
0x8c: {  	[tilespmem:v40+s18+$0x0] =	vst.idx.msk $0xffff, v33  }
0x8d: {  	v41 =	vadd.s32 v9, v32;
	v33 =	vld [tilespmem:s29+$0x290];
	_ =	sdelay $0x4  }
0x8e: {  	[tilespmem:v41+s18+$0x0] =	vst.idx.msk $0xffff, v33  }
0x8f: {  	v42 =	vadd.s32 v10, v32;
	v33 =	vld [tilespmem:s29+$0x2A0];
	_ =	sdelay $0x4  }
0x90: {  	[tilespmem:v42+s18+$0x0] =	vst.idx.msk $0xffff, v33  }
0x91: {  	v43 =	vadd.s32 v11, v32;
	v33 =	vld [tilespmem:s29+$0x2B0];
	_ =	sdelay $0x4  }
0x92: {  	[tilespmem:v43+s18+$0x0] =	vst.idx.msk $0xffff, v33  }
0x93: {  	v44 =	vadd.s32 v12, v32;
	v33 =	vld [tilespmem:s29+$0x2C0];
	_ =	sdelay $0x4  }
0x94: {  	[tilespmem:v44+s18+$0x0] =	vst.idx.msk $0xffff, v33  }
0x95: {  	v45 =	vadd.s32 v13, v32;
	v33 =	vld [tilespmem:s29+$0x2D0];
	_ =	sdelay $0x4  }
0x96: {  	[tilespmem:v45+s18+$0x0] =	vst.idx.msk $0xffff, v33  }
0x97: {  	v46 =	vadd.s32 v14, v32;
	v33 =	vld [tilespmem:s29+$0x2E0];
	_ =	sdelay $0x4  }
0x98: {  	[tilespmem:v46+s18+$0x0] =	vst.idx.msk $0xffff, v33  }
0x99: {  	v47 =	vadd.s32 v15, v32;
	v33 =	vld [tilespmem:s29+$0x2F0];
	_ =	sdelay $0x4  }
0x9a: {  	[tilespmem:v47+s18+$0x0] =	vst.idx.msk $0xffff, v33  }
0x9b: {  	v48 =	vadd.s32 v16, v32;
	v33 =	vld [tilespmem:s29+$0x300];
	_ =	sdelay $0x4  }
0x9c: {  	[tilespmem:v48+s18+$0x0] =	vst.idx.msk $0xffff, v33  }
0x9d: {  	v49 =	vadd.s32 v17, v32;
	v33 =	vld [tilespmem:s29+$0x310];
	_ =	sdelay $0x4  }
0x9e: {  	[tilespmem:v49+s18+$0x0] =	vst.idx.msk $0xffff, v33  }
0x9f: {  	v50 =	vadd.s32 v18, v32;
	v33 =	vld [tilespmem:s29+$0x320];
	_ =	sdelay $0x4  }
0xa0: {  	[tilespmem:v50+s18+$0x0] =	vst.idx.msk $0xffff, v33  }
0xa1: {  	v51 =	vadd.s32 v19, v32;
	v33 =	vld [tilespmem:s29+$0x330];
	_ =	sdelay $0x4  }
0xa2: {  	[tilespmem:v51+s18+$0x0] =	vst.idx.msk $0xffff, v33  }
0xa3: {  	v52 =	vadd.s32 v20, v32;
	v33 =	vld [tilespmem:s29+$0x340];
	_ =	sdelay $0x4  }
0xa4: {  	[tilespmem:v52+s18+$0x0] =	vst.idx.msk $0xffff, v33  }
0xa5: {  	v53 =	vadd.s32 v21, v32;
	v33 =	vld [tilespmem:s29+$0x350];
	_ =	sdelay $0x4  }
0xa6: {  	[tilespmem:v53+s18+$0x0] =	vst.idx.msk $0xffff, v33  }
0xa7: {  	v54 =	vadd.s32 v22, v32;
	v33 =	vld [tilespmem:s29+$0x360];
	_ =	sdelay $0x4  }
0xa8: {  	[tilespmem:v54+s18+$0x0] =	vst.idx.msk $0xffff, v33  }
0xa9: {  	v55 =	vadd.s32 v23, v32;
	v33 =	vld [tilespmem:s29+$0x370];
	_ =	sdelay $0x4  }
0xaa: {  	[tilespmem:v55+s18+$0x0] =	vst.idx.msk $0xffff, v33  }
0xab: {  	v56 =	vadd.s32 v24, v32;
	v33 =	vld [tilespmem:s29+$0x380];
	_ =	sdelay $0x4  }
0xac: {  	[tilespmem:v56+s18+$0x0] =	vst.idx.msk $0xffff, v33  }
0xad: {  	v57 =	vadd.s32 v25, v32;
	v33 =	vld [tilespmem:s29+$0x390];
	_ =	sdelay $0x4  }
0xae: {  	[tilespmem:v57+s18+$0x0] =	vst.idx.msk $0xffff, v33  }
0xaf: {  	v58 =	vadd.s32 v26, v32;
	v33 =	vld [tilespmem:s29+$0x3A0];
	_ =	sdelay $0x4  }
0xb0: {  	[tilespmem:v58+s18+$0x0] =	vst.idx.msk $0xffff, v33  }
0xb1: {  	v59 =	vadd.s32 v27, v32;
	v33 =	vld [tilespmem:s29+$0x3B0];
	_ =	sdelay $0x4  }
0xb2: {  	[tilespmem:v59+s18+$0x0] =	vst.idx.msk $0xffff, v33  }
0xb3: {  	v60 =	vadd.s32 v28, v32;
	v33 =	vld [tilespmem:s29+$0x3C0];
	_ =	sdelay $0x4  }
0xb4: {  	[tilespmem:v60+s18+$0x0] =	vst.idx.msk $0xffff, v33  }
0xb5: {  	v61 =	vadd.s32 v29, v32;
	v33 =	vld [tilespmem:s29+$0x3D0];
	_ =	sdelay $0x4  }
0xb6: {  	[tilespmem:v61+s18+$0x0] =	vst.idx.msk $0xffff, v33  }
0xb7: {  	v62 =	vadd.s32 v30, v32;
	v33 =	vld [tilespmem:s29+$0x3E0];
	_ =	sdelay $0x4  }
0xb8: {  	[tilespmem:v62+s18+$0x0] =	vst.idx.msk $0xffff, v33  }
0xb9: {  	v63 =	vadd.s32 v31, v32;
	v33 =	vld [tilespmem:s29+$0x3F0];
	_ =	sdelay $0x1  }
0xba: {  	s0 =	sshll.u32 s24, $0x14  }
0xbb: {  	s0 =	sor.u32 s5, s0  }
0xbc: {  	s29 =	sshrl.u32 s0, $0x3  }
0xbd: {  	s8 =	simm.s32 $0x4200;
	s31 =	sadd.s32 s3, s29;
	[tilespmem:v63+s18+$0x0] =	vst.idx.msk $0xffff, v33  }
0xbe: {  	[hbm4b:s31+s4] =	stream.linear.scatter [tilespmem:s8], [sflag:$0x4], $0x80, $0x38;
	[tilespmem:$0x8600] =	vst v63  }
0xbf: {  	s10 =	simm.s32 $0x4288;
	s2 =	sadd.s32 $0x10, s31  }
0xc0: {  	[hbm4b:s2+s4] =	stream.linear.scatter [tilespmem:s10], [sflag:$0x4], $0x80, $0x38;
	[tilespmem:$0x8600] =	vst v63  }
0xc1: {  	s8 =	simm.s32 $0x4310;
	s10 =	sadd.s32 $0x20, s31  }
0xc2: {  	[hbm4b:s10+s4] =	stream.linear.scatter [tilespmem:s8], [sflag:$0x4], $0x80, $0x38;
	[tilespmem:$0x8600] =	vst v63  }
0xc3: {  	s8 =	simm.s32 $0x4398;
	s10 =	sadd.s32 $0x30, s31  }
0xc4: {  	[hbm4b:s10+s4] =	stream.linear.scatter [tilespmem:s8], [sflag:$0x4], $0x80, $0x38;
	[tilespmem:$0x8600] =	vst v63  }
0xc5: {  	s8 =	simm.s32 $0x4420;
	s10 =	sadd.s32 $0x40, s31  }
0xc6: {  	[hbm4b:s10+s4] =	stream.linear.scatter [tilespmem:s8], [sflag:$0x4], $0x80, $0x38;
	[tilespmem:$0x8600] =	vst v63  }
0xc7: {  	s30 =	simm.s32 $0x440;
	s8 =	simm.s32 $0x44A8;
	s10 =	sadd.s32 $0x50, s31  }
0xc8: {  	[hbm4b:s10+s4] =	stream.linear.scatter [tilespmem:s8], [sflag:$0x4], $0x80, $0x38;
	[tilespmem:$0x8600] =	vst v63  }
0xc9: {  	s0 =	simm.s32 $0x45B8;
	s8 =	simm.s32 $0x4530;
	s10 =	sadd.s32 $0x60, s31  }
0xca: {  	[hbm4b:s10+s4] =	stream.linear.scatter [tilespmem:s8], [sflag:$0x4], $0x80, $0x38;
	[tilespmem:$0x8600] =	vst v63  }
0xcb: {  	s2 =	simm.s32 $0x2200;
	s8 =	sadd.s32 $0x70, s31;
	s31 =	sadd.s32 $0x1000, s31  }
.LBB2_5:
0xcc: {  	[hbm4b:s8+s4] =	stream.linear.scatter [tilespmem:s0], [sflag:$0x4], $0x80, $0x38;
	[tilespmem:$0x8600] =	vst v63  }
0xcd: {  	s0 =	smov.u32 s30;
	s8 =	smov.u32 s2  }
0xce: {  	s10 =	sadd.s32 $0x1100, s2;
	s30 =	sshra.s32 s8, $0x2;
	s8 =	sadd.s32 $0x4200, s0  }
0xcf: {  	[hbm4b:s31+s4] =	stream.linear.scatter [tilespmem:s8], [sflag:$0x4], $0x80, $0x38;
	[tilespmem:$0x8600] =	vst v63  }
0xd0: {  	p1 =	sne.s32 s2, $0x7700;
	s2 =	sadd.s32 $0x4288, s0;
	s8 =	sadd.s32 $0x10, s31  }
0xd1: {  	[hbm4b:s8+s4] =	stream.linear.scatter [tilespmem:s2], [sflag:$0x4], $0x80, $0x38;
	[tilespmem:$0x8600] =	vst v63  }
0xd2: {  	s2 =	sadd.s32 $0x4310, s0;
	s8 =	sadd.s32 $0x20, s31  }
0xd3: {  	[hbm4b:s8+s4] =	stream.linear.scatter [tilespmem:s2], [sflag:$0x4], $0x80, $0x38;
	[tilespmem:$0x8600] =	vst v63  }
0xd4: {  	s2 =	sadd.s32 $0x4398, s0;
	s8 =	sadd.s32 $0x30, s31  }
0xd5: {  	[hbm4b:s8+s4] =	stream.linear.scatter [tilespmem:s2], [sflag:$0x4], $0x80, $0x38;
	[tilespmem:$0x8600] =	vst v63  }
0xd6: {  	s2 =	sadd.s32 $0x4420, s0;
	s8 =	sadd.s32 $0x40, s31  }
0xd7: {  	[hbm4b:s8+s4] =	stream.linear.scatter [tilespmem:s2], [sflag:$0x4], $0x80, $0x38;
	[tilespmem:$0x8600] =	vst v63  }
.Ltmp3:
0xd8: {  	s2 =	sadd.s32 $0x44A8, s0;
	s8 =	sadd.s32 $0x50, s31;
	(pc) =	sbr.rel @p1 .LBB2_5-.Ltmp3, $4  }
0xd9: {  	[hbm4b:s8+s4] =	stream.linear.scatter [tilespmem:s2], [sflag:$0x4], $0x80, $0x38;
	[tilespmem:$0x8600] =	vst v63  }
0xda: {  	s2 =	sadd.s32 $0x4530, s0;
	s8 =	sadd.s32 $0x60, s31;
	s0 =	sadd.s32 $0x45B8, s0  }
0xdb: {  	[hbm4b:s8+s4] =	stream.linear.scatter [tilespmem:s2], [sflag:$0x4], $0x80, $0x38;
	[tilespmem:$0x8600] =	vst v63  }
0xdc: {  	s8 =	sadd.s32 $0x70, s31;
	s31 =	sadd.s32 $0x1000, s31;
	s2 =	smov.u32 s10  }
0xdd: {  	[hbm4b:s8+s4] =	stream.linear.scatter [tilespmem:s0], [sflag:$0x4], $0x80, $0x38;
	[tilespmem:$0x8600] =	vst v63  }
0xde: {  	s8 =	sadd.s32 $0x4200, s30  }
0xdf: {  	[hbm4b:s31+s4] =	stream.linear.scatter [tilespmem:s8], [sflag:$0x4], $0x80, $0x38;
	[tilespmem:$0x8600] =	vst v63  }
0xe0: {  	s10 =	sadd.s32 $0x4288, s30;
	s2 =	sadd.s32 $0x10, s31  }
0xe1: {  	[hbm4b:s2+s4] =	stream.linear.scatter [tilespmem:s10], [sflag:$0x4], $0x80, $0x38;
	[tilespmem:$0x8600] =	vst v63  }
0xe2: {  	s8 =	sadd.s32 $0x4310, s30;
	s10 =	sadd.s32 $0x20, s31  }
0xe3: {  	[hbm4b:s10+s4] =	stream.linear.scatter [tilespmem:s8], [sflag:$0x4], $0x80, $0x38;
	[tilespmem:$0x8600] =	vst v63  }
0xe4: {  	s8 =	sadd.s32 $0x4398, s30;
	s10 =	sadd.s32 $0x30, s31  }
0xe5: {  	[hbm4b:s10+s4] =	stream.linear.scatter [tilespmem:s8], [sflag:$0x4], $0x80, $0x38;
	[tilespmem:$0x8600] =	vst v63  }
0xe6: {  	s8 =	sadd.s32 $0x4420, s30;
	s10 =	sadd.s32 $0x40, s31  }
0xe7: {  	[hbm4b:s10+s4] =	stream.linear.scatter [tilespmem:s8], [sflag:$0x4], $0x80, $0x38;
	[tilespmem:$0x8600] =	vst v63  }
0xe8: {  	s8 =	sadd.s32 $0x44A8, s30;
	s10 =	sadd.s32 $0x50, s31  }
0xe9: {  	[hbm4b:s10+s4] =	stream.linear.scatter [tilespmem:s8], [sflag:$0x4], $0x80, $0x38;
	[tilespmem:$0x8600] =	vst v63  }
0xea: {  	s8 =	sadd.s32 $0x4530, s30;
	s10 =	sadd.s32 $0x60, s31  }
0xeb: {  	[hbm4b:s10+s4] =	stream.linear.scatter [tilespmem:s8], [sflag:$0x4], $0x80, $0x38;
	[tilespmem:$0x8600] =	vst v63  }
0xec: {  	s8 =	sadd.s32 $0x45B8, s30;
	s10 =	sadd.s32 $0x70, s31  }
0xed: {  	[hbm4b:s10+s4] =	stream.linear.scatter [tilespmem:s8], [sflag:$0x4], $0x80, $0x38;
	[tilespmem:$0x8600] =	vst v63  }
0xee: {  	_ =	swait.ge [sflag:s19], $0x2000  }
0xef: {  	[sflag:s19] =	ssyncset.done $0x0  }
0xf0: {  	s0 =	simm.s32 @!p0 $0x5;
	[sflag:s19] =	ssyncadd.s32 $0xFFFFE000  }
0xf1: {  	_ =	swait.ge @!p0 [sflag:s0], $0x2000  }
0xf2: {  	[sflag:s0] =	ssyncset.done @!p0 $0x0  }
0xf3: {  	v32 =	vimm.s32 $0x0;
	s30 =	simm.s32 $0x0;
	s31 =	simm.s32 $0x800;
	[sflag:s0] =	ssyncadd.s32 @!p0 $0xFFFFE000  }
.LBB2_7:
0xf4: {  	p0 =	sne.s32 s31, $0x7800;
	v33 =	vld [tilespmem:s30+$0x2200];
	v34 =	vadd.s32 v0, v32;
	_ =	sdelay $0x4  }
0xf5: {  	[tilespmem:v34+s20+$0x0] =	vst.idx.msk $0xffff, v33  }
0xf6: {  	v34 =	vadd.s32 v1, v32;
	v33 =	vld [tilespmem:s30+$0x2210];
	_ =	sdelay $0x4  }
0xf7: {  	[tilespmem:v34+s20+$0x0] =	vst.idx.msk $0xffff, v33  }
0xf8: {  	v34 =	vadd.s32 v2, v32;
	v33 =	vld [tilespmem:s30+$0x2220];
	_ =	sdelay $0x4  }
0xf9: {  	[tilespmem:v34+s20+$0x0] =	vst.idx.msk $0xffff, v33  }
0xfa: {  	v34 =	vadd.s32 v3, v32;
	v33 =	vld [tilespmem:s30+$0x2230];
	_ =	sdelay $0x4  }
0xfb: {  	[tilespmem:v34+s20+$0x0] =	vst.idx.msk $0xffff, v33  }
0xfc: {  	v34 =	vadd.s32 v4, v32;
	v33 =	vld [tilespmem:s30+$0x2240];
	_ =	sdelay $0x4  }
0xfd: {  	[tilespmem:v34+s20+$0x0] =	vst.idx.msk $0xffff, v33  }
0xfe: {  	v34 =	vadd.s32 v5, v32;
	v33 =	vld [tilespmem:s30+$0x2250];
	_ =	sdelay $0x4  }
0xff: {  	[tilespmem:v34+s20+$0x0] =	vst.idx.msk $0xffff, v33  }
0x100: {  	v34 =	vadd.s32 v6, v32;
	v33 =	vld [tilespmem:s30+$0x2260];
	_ =	sdelay $0x4  }
0x101: {  	[tilespmem:v34+s20+$0x0] =	vst.idx.msk $0xffff, v33  }
0x102: {  	v34 =	vadd.s32 v7, v32;
	v33 =	vld [tilespmem:s30+$0x2270];
	_ =	sdelay $0x4  }
0x103: {  	[tilespmem:v34+s20+$0x0] =	vst.idx.msk $0xffff, v33  }
0x104: {  	v34 =	vadd.s32 v8, v32;
	v33 =	vld [tilespmem:s30+$0x2280];
	_ =	sdelay $0x4  }
0x105: {  	[tilespmem:v34+s20+$0x0] =	vst.idx.msk $0xffff, v33  }
0x106: {  	v34 =	vadd.s32 v9, v32;
	v33 =	vld [tilespmem:s30+$0x2290];
	_ =	sdelay $0x4  }
0x107: {  	[tilespmem:v34+s20+$0x0] =	vst.idx.msk $0xffff, v33  }
0x108: {  	v34 =	vadd.s32 v10, v32;
	v33 =	vld [tilespmem:s30+$0x22A0];
	_ =	sdelay $0x4  }
0x109: {  	[tilespmem:v34+s20+$0x0] =	vst.idx.msk $0xffff, v33  }
0x10a: {  	v34 =	vadd.s32 v11, v32;
	v33 =	vld [tilespmem:s30+$0x22B0];
	_ =	sdelay $0x4  }
0x10b: {  	[tilespmem:v34+s20+$0x0] =	vst.idx.msk $0xffff, v33  }
0x10c: {  	v34 =	vadd.s32 v12, v32;
	v33 =	vld [tilespmem:s30+$0x22C0];
	_ =	sdelay $0x4  }
0x10d: {  	[tilespmem:v34+s20+$0x0] =	vst.idx.msk $0xffff, v33  }
0x10e: {  	v34 =	vadd.s32 v13, v32;
	v33 =	vld [tilespmem:s30+$0x22D0];
	_ =	sdelay $0x4  }
0x10f: {  	[tilespmem:v34+s20+$0x0] =	vst.idx.msk $0xffff, v33  }
0x110: {  	v34 =	vadd.s32 v14, v32;
	v33 =	vld [tilespmem:s30+$0x22E0];
	_ =	sdelay $0x4  }
0x111: {  	[tilespmem:v34+s20+$0x0] =	vst.idx.msk $0xffff, v33  }
0x112: {  	v34 =	vadd.s32 v15, v32;
	v33 =	vld [tilespmem:s30+$0x22F0];
	_ =	sdelay $0x4  }
0x113: {  	[tilespmem:v34+s20+$0x0] =	vst.idx.msk $0xffff, v33  }
0x114: {  	v34 =	vadd.s32 v16, v32;
	v33 =	vld [tilespmem:s30+$0x2300];
	_ =	sdelay $0x4  }
0x115: {  	[tilespmem:v34+s20+$0x0] =	vst.idx.msk $0xffff, v33  }
0x116: {  	v34 =	vadd.s32 v17, v32;
	v33 =	vld [tilespmem:s30+$0x2310];
	_ =	sdelay $0x4  }
0x117: {  	[tilespmem:v34+s20+$0x0] =	vst.idx.msk $0xffff, v33  }
0x118: {  	v34 =	vadd.s32 v18, v32;
	v33 =	vld [tilespmem:s30+$0x2320];
	_ =	sdelay $0x4  }
0x119: {  	[tilespmem:v34+s20+$0x0] =	vst.idx.msk $0xffff, v33  }
0x11a: {  	v34 =	vadd.s32 v19, v32;
	v33 =	vld [tilespmem:s30+$0x2330];
	_ =	sdelay $0x4  }
0x11b: {  	[tilespmem:v34+s20+$0x0] =	vst.idx.msk $0xffff, v33  }
0x11c: {  	v34 =	vadd.s32 v20, v32;
	v33 =	vld [tilespmem:s30+$0x2340];
	_ =	sdelay $0x4  }
0x11d: {  	[tilespmem:v34+s20+$0x0] =	vst.idx.msk $0xffff, v33  }
0x11e: {  	v34 =	vadd.s32 v21, v32;
	v33 =	vld [tilespmem:s30+$0x2350];
	_ =	sdelay $0x4  }
0x11f: {  	[tilespmem:v34+s20+$0x0] =	vst.idx.msk $0xffff, v33  }
0x120: {  	v34 =	vadd.s32 v22, v32;
	v33 =	vld [tilespmem:s30+$0x2360];
	_ =	sdelay $0x4  }
0x121: {  	[tilespmem:v34+s20+$0x0] =	vst.idx.msk $0xffff, v33  }
0x122: {  	v34 =	vadd.s32 v23, v32;
	v33 =	vld [tilespmem:s30+$0x2370];
	_ =	sdelay $0x4  }
0x123: {  	[tilespmem:v34+s20+$0x0] =	vst.idx.msk $0xffff, v33  }
0x124: {  	v34 =	vadd.s32 v24, v32;
	v33 =	vld [tilespmem:s30+$0x2380];
	_ =	sdelay $0x4  }
0x125: {  	[tilespmem:v34+s20+$0x0] =	vst.idx.msk $0xffff, v33  }
0x126: {  	v34 =	vadd.s32 v25, v32;
	v33 =	vld [tilespmem:s30+$0x2390];
	_ =	sdelay $0x4  }
0x127: {  	[tilespmem:v34+s20+$0x0] =	vst.idx.msk $0xffff, v33  }
0x128: {  	v34 =	vadd.s32 v26, v32;
	v33 =	vld [tilespmem:s30+$0x23A0];
	_ =	sdelay $0x4  }
0x129: {  	[tilespmem:v34+s20+$0x0] =	vst.idx.msk $0xffff, v33  }
0x12a: {  	v34 =	vadd.s32 v27, v32;
	v33 =	vld [tilespmem:s30+$0x23B0];
	_ =	sdelay $0x4  }
0x12b: {  	[tilespmem:v34+s20+$0x0] =	vst.idx.msk $0xffff, v33  }
0x12c: {  	v34 =	vadd.s32 v28, v32;
	v33 =	vld [tilespmem:s30+$0x23C0];
	_ =	sdelay $0x4  }
0x12d: {  	[tilespmem:v34+s20+$0x0] =	vst.idx.msk $0xffff, v33  }
0x12e: {  	v34 =	vadd.s32 v29, v32;
	v33 =	vld [tilespmem:s30+$0x23D0];
	_ =	sdelay $0x4  }
0x12f: {  	[tilespmem:v34+s20+$0x0] =	vst.idx.msk $0xffff, v33  }
0x130: {  	v34 =	vadd.s32 v30, v32;
	v33 =	vld [tilespmem:s30+$0x23E0];
	_ =	sdelay $0x4  }
0x131: {  	[tilespmem:v34+s20+$0x0] =	vst.idx.msk $0xffff, v33  }
0x132: {  	v34 =	vadd.s32 v31, v32;
	v33 =	vld [tilespmem:s30+$0x23F0]  }
.Ltmp4:
0x133: {  	(pc) =	sbr.rel @p0 .LBB2_7-.Ltmp4, $2  }
0x134: {  	_ =	sdelay $0x2  }
0x135: {  	v32 =	vadd.s32 $0x8, v32;
	s30 =	sshra.s32 s31, $0x2;
	s31 =	sadd.s32 $0x800, s31;
	[tilespmem:v34+s20+$0x0] =	vst.idx.msk $0xffff, v33  }
0x136: {  	v33 =	vld [tilespmem:s30+$0x2200];
	v34 =	vadd.s32 v0, v32;
	_ =	sdelay $0x4  }
0x137: {  	[tilespmem:v34+s20+$0x0] =	vst.idx.msk $0xffff, v33  }
0x138: {  	v61 =	vadd.s32 v1, v32;
	v33 =	vld [tilespmem:s30+$0x2210];
	_ =	sdelay $0x4  }
0x139: {  	[tilespmem:v61+s20+$0x0] =	vst.idx.msk $0xffff, v33  }
0x13a: {  	v62 =	vadd.s32 v2, v32;
	v33 =	vld [tilespmem:s30+$0x2220];
	_ =	sdelay $0x4  }
0x13b: {  	[tilespmem:v62+s20+$0x0] =	vst.idx.msk $0xffff, v33  }
0x13c: {  	v63 =	vadd.s32 v3, v32;
	v33 =	vld [tilespmem:s30+$0x2230];
	_ =	sdelay $0x4  }
0x13d: {  	[tilespmem:v63+s20+$0x0] =	vst.idx.msk $0xffff, v33  }
0x13e: {  	v36 =	vadd.s32 v4, v32;
	v33 =	vld [tilespmem:s30+$0x2240];
	_ =	sdelay $0x4  }
0x13f: {  	[tilespmem:v36+s20+$0x0] =	vst.idx.msk $0xffff, v33  }
0x140: {  	v37 =	vadd.s32 v5, v32;
	v33 =	vld [tilespmem:s30+$0x2250];
	_ =	sdelay $0x4  }
0x141: {  	[tilespmem:v37+s20+$0x0] =	vst.idx.msk $0xffff, v33  }
0x142: {  	v38 =	vadd.s32 v6, v32;
	v33 =	vld [tilespmem:s30+$0x2260];
	_ =	sdelay $0x4  }
0x143: {  	[tilespmem:v38+s20+$0x0] =	vst.idx.msk $0xffff, v33  }
0x144: {  	v39 =	vadd.s32 v7, v32;
	v33 =	vld [tilespmem:s30+$0x2270];
	_ =	sdelay $0x4  }
0x145: {  	[tilespmem:v39+s20+$0x0] =	vst.idx.msk $0xffff, v33  }
0x146: {  	v40 =	vadd.s32 v8, v32;
	v33 =	vld [tilespmem:s30+$0x2280];
	_ =	sdelay $0x4  }
0x147: {  	[tilespmem:v40+s20+$0x0] =	vst.idx.msk $0xffff, v33  }
0x148: {  	v41 =	vadd.s32 v9, v32;
	v33 =	vld [tilespmem:s30+$0x2290];
	_ =	sdelay $0x4  }
0x149: {  	[tilespmem:v41+s20+$0x0] =	vst.idx.msk $0xffff, v33  }
0x14a: {  	v42 =	vadd.s32 v10, v32;
	v33 =	vld [tilespmem:s30+$0x22A0];
	_ =	sdelay $0x4  }
0x14b: {  	[tilespmem:v42+s20+$0x0] =	vst.idx.msk $0xffff, v33  }
0x14c: {  	v43 =	vadd.s32 v11, v32;
	v33 =	vld [tilespmem:s30+$0x22B0];
	_ =	sdelay $0x4  }
0x14d: {  	[tilespmem:v43+s20+$0x0] =	vst.idx.msk $0xffff, v33  }
0x14e: {  	v44 =	vadd.s32 v12, v32;
	v33 =	vld [tilespmem:s30+$0x22C0];
	_ =	sdelay $0x4  }
0x14f: {  	[tilespmem:v44+s20+$0x0] =	vst.idx.msk $0xffff, v33  }
0x150: {  	v45 =	vadd.s32 v13, v32;
	v33 =	vld [tilespmem:s30+$0x22D0];
	_ =	sdelay $0x4  }
0x151: {  	[tilespmem:v45+s20+$0x0] =	vst.idx.msk $0xffff, v33  }
0x152: {  	v46 =	vadd.s32 v14, v32;
	v33 =	vld [tilespmem:s30+$0x22E0];
	_ =	sdelay $0x4  }
0x153: {  	[tilespmem:v46+s20+$0x0] =	vst.idx.msk $0xffff, v33  }
0x154: {  	v47 =	vadd.s32 v15, v32;
	v33 =	vld [tilespmem:s30+$0x22F0];
	_ =	sdelay $0x4  }
0x155: {  	[tilespmem:v47+s20+$0x0] =	vst.idx.msk $0xffff, v33  }
0x156: {  	v48 =	vadd.s32 v16, v32;
	v33 =	vld [tilespmem:s30+$0x2300];
	_ =	sdelay $0x4  }
0x157: {  	[tilespmem:v48+s20+$0x0] =	vst.idx.msk $0xffff, v33  }
0x158: {  	v49 =	vadd.s32 v17, v32;
	v33 =	vld [tilespmem:s30+$0x2310];
	_ =	sdelay $0x4  }
0x159: {  	[tilespmem:v49+s20+$0x0] =	vst.idx.msk $0xffff, v33  }
0x15a: {  	v50 =	vadd.s32 v18, v32;
	v33 =	vld [tilespmem:s30+$0x2320];
	_ =	sdelay $0x4  }
0x15b: {  	[tilespmem:v50+s20+$0x0] =	vst.idx.msk $0xffff, v33  }
0x15c: {  	v51 =	vadd.s32 v19, v32;
	v33 =	vld [tilespmem:s30+$0x2330];
	_ =	sdelay $0x4  }
0x15d: {  	[tilespmem:v51+s20+$0x0] =	vst.idx.msk $0xffff, v33  }
0x15e: {  	v52 =	vadd.s32 v20, v32;
	v33 =	vld [tilespmem:s30+$0x2340];
	_ =	sdelay $0x4  }
0x15f: {  	[tilespmem:v52+s20+$0x0] =	vst.idx.msk $0xffff, v33  }
0x160: {  	v53 =	vadd.s32 v21, v32;
	v33 =	vld [tilespmem:s30+$0x2350];
	_ =	sdelay $0x4  }
0x161: {  	[tilespmem:v53+s20+$0x0] =	vst.idx.msk $0xffff, v33  }
0x162: {  	v54 =	vadd.s32 v22, v32;
	v33 =	vld [tilespmem:s30+$0x2360];
	_ =	sdelay $0x4  }
0x163: {  	[tilespmem:v54+s20+$0x0] =	vst.idx.msk $0xffff, v33  }
0x164: {  	v55 =	vadd.s32 v23, v32;
	v33 =	vld [tilespmem:s30+$0x2370];
	_ =	sdelay $0x4  }
0x165: {  	[tilespmem:v55+s20+$0x0] =	vst.idx.msk $0xffff, v33  }
0x166: {  	v56 =	vadd.s32 v24, v32;
	v33 =	vld [tilespmem:s30+$0x2380];
	_ =	sdelay $0x4  }
0x167: {  	[tilespmem:v56+s20+$0x0] =	vst.idx.msk $0xffff, v33  }
0x168: {  	v57 =	vadd.s32 v25, v32;
	v33 =	vld [tilespmem:s30+$0x2390];
	_ =	sdelay $0x4  }
0x169: {  	[tilespmem:v57+s20+$0x0] =	vst.idx.msk $0xffff, v33  }
0x16a: {  	v58 =	vadd.s32 v26, v32;
	v33 =	vld [tilespmem:s30+$0x23A0];
	_ =	sdelay $0x4  }
0x16b: {  	[tilespmem:v58+s20+$0x0] =	vst.idx.msk $0xffff, v33  }
0x16c: {  	v59 =	vadd.s32 v27, v32;
	v33 =	vld [tilespmem:s30+$0x23B0];
	_ =	sdelay $0x4  }
0x16d: {  	[tilespmem:v59+s20+$0x0] =	vst.idx.msk $0xffff, v33  }
0x16e: {  	v60 =	vadd.s32 v28, v32;
	v33 =	vld [tilespmem:s30+$0x23C0];
	_ =	sdelay $0x4  }
0x16f: {  	[tilespmem:v60+s20+$0x0] =	vst.idx.msk $0xffff, v33  }
0x170: {  	v61 =	vadd.s32 v29, v32;
	v33 =	vld [tilespmem:s30+$0x23D0];
	_ =	sdelay $0x4  }
0x171: {  	[tilespmem:v61+s20+$0x0] =	vst.idx.msk $0xffff, v33  }
0x172: {  	v62 =	vadd.s32 v30, v32;
	v33 =	vld [tilespmem:s30+$0x23E0];
	_ =	sdelay $0x4  }
0x173: {  	[tilespmem:v62+s20+$0x0] =	vst.idx.msk $0xffff, v33  }
0x174: {  	v63 =	vadd.s32 v31, v32;
	v33 =	vld [tilespmem:s30+$0x23F0];
	_ =	sdelay $0x4  }
0x175: {  	s10 =	sadd.s32 s29, s9;
	s0 =	simm.s32 $0x6400;
	[tilespmem:v63+s20+$0x0] =	vst.idx.msk $0xffff, v33  }
0x176: {  	[hbm4b:s10+s4] =	stream.linear.scatter [tilespmem:s0], [sflag:$0x5], $0x80, $0x38;
	[tilespmem:$0x8600] =	vst v63  }
0x177: {  	s31 =	simm.s32 $0x6488;
	s2 =	sadd.s32 $0x10, s10  }
0x178: {  	[hbm4b:s2+s4] =	stream.linear.scatter [tilespmem:s31], [sflag:$0x5], $0x80, $0x38;
	[tilespmem:$0x8600] =	vst v63  }
0x179: {  	s8 =	simm.s32 $0x6510;
	s31 =	sadd.s32 $0x20, s10  }
0x17a: {  	[hbm4b:s31+s4] =	stream.linear.scatter [tilespmem:s8], [sflag:$0x5], $0x80, $0x38;
	[tilespmem:$0x8600] =	vst v63  }
0x17b: {  	s8 =	simm.s32 $0x6598;
	s31 =	sadd.s32 $0x30, s10  }
0x17c: {  	[hbm4b:s31+s4] =	stream.linear.scatter [tilespmem:s8], [sflag:$0x5], $0x80, $0x38;
	[tilespmem:$0x8600] =	vst v63  }
0x17d: {  	s8 =	simm.s32 $0x6620;
	s31 =	sadd.s32 $0x40, s10  }
0x17e: {  	[hbm4b:s31+s4] =	stream.linear.scatter [tilespmem:s8], [sflag:$0x5], $0x80, $0x38;
	[tilespmem:$0x8600] =	vst v63  }
0x17f: {  	s29 =	simm.s32 $0x440;
	s8 =	simm.s32 $0x66A8;
	s31 =	sadd.s32 $0x50, s10  }
0x180: {  	[hbm4b:s31+s4] =	stream.linear.scatter [tilespmem:s8], [sflag:$0x5], $0x80, $0x38;
	[tilespmem:$0x8600] =	vst v63  }
0x181: {  	s30 =	sadd.s32 $0x1000, s10;
	s8 =	simm.s32 $0x6730;
	s31 =	sadd.s32 $0x60, s10  }
0x182: {  	[hbm4b:s31+s4] =	stream.linear.scatter [tilespmem:s8], [sflag:$0x5], $0x80, $0x38;
	[tilespmem:$0x8600] =	vst v63  }
0x183: {  	s0 =	simm.s32 $0x67B8;
	s2 =	simm.s32 $0x2200;
	s8 =	sadd.s32 $0x70, s10  }
.LBB2_9:
0x184: {  	[hbm4b:s8+s4] =	stream.linear.scatter [tilespmem:s0], [sflag:$0x5], $0x80, $0x38;
	[tilespmem:$0x8600] =	vst v63  }
0x185: {  	s0 =	smov.u32 s29;
	s8 =	smov.u32 s2  }
0x186: {  	s10 =	sadd.s32 $0x1100, s2;
	s29 =	sshra.s32 s8, $0x2;
	s8 =	sadd.s32 $0x6400, s0  }
0x187: {  	[hbm4b:s30+s4] =	stream.linear.scatter [tilespmem:s8], [sflag:$0x5], $0x80, $0x38;
	[tilespmem:$0x8600] =	vst v63  }
0x188: {  	p0 =	sne.s32 s2, $0x7700;
	s2 =	sadd.s32 $0x6488, s0;
	s8 =	sadd.s32 $0x10, s30  }
0x189: {  	[hbm4b:s8+s4] =	stream.linear.scatter [tilespmem:s2], [sflag:$0x5], $0x80, $0x38;
	[tilespmem:$0x8600] =	vst v63  }
0x18a: {  	s2 =	sadd.s32 $0x6510, s0;
	s8 =	sadd.s32 $0x20, s30  }
0x18b: {  	[hbm4b:s8+s4] =	stream.linear.scatter [tilespmem:s2], [sflag:$0x5], $0x80, $0x38;
	[tilespmem:$0x8600] =	vst v63  }
0x18c: {  	s2 =	sadd.s32 $0x6598, s0;
	s8 =	sadd.s32 $0x30, s30  }
0x18d: {  	[hbm4b:s8+s4] =	stream.linear.scatter [tilespmem:s2], [sflag:$0x5], $0x80, $0x38;
	[tilespmem:$0x8600] =	vst v63  }
0x18e: {  	s2 =	sadd.s32 $0x6620, s0;
	s8 =	sadd.s32 $0x40, s30  }
0x18f: {  	[hbm4b:s8+s4] =	stream.linear.scatter [tilespmem:s2], [sflag:$0x5], $0x80, $0x38;
	[tilespmem:$0x8600] =	vst v63  }
.Ltmp5:
0x190: {  	s2 =	sadd.s32 $0x66A8, s0;
	s8 =	sadd.s32 $0x50, s30;
	(pc) =	sbr.rel @p0 .LBB2_9-.Ltmp5, $4  }
0x191: {  	[hbm4b:s8+s4] =	stream.linear.scatter [tilespmem:s2], [sflag:$0x5], $0x80, $0x38;
	[tilespmem:$0x8600] =	vst v63  }
0x192: {  	s2 =	sadd.s32 $0x6730, s0;
	s8 =	sadd.s32 $0x60, s30;
	s0 =	sadd.s32 $0x67B8, s0  }
0x193: {  	[hbm4b:s8+s4] =	stream.linear.scatter [tilespmem:s2], [sflag:$0x5], $0x80, $0x38;
	[tilespmem:$0x8600] =	vst v63  }
0x194: {  	s8 =	sadd.s32 $0x70, s30;
	s30 =	sadd.s32 $0x1000, s30;
	s2 =	smov.u32 s10  }
0x195: {  	[hbm4b:s8+s4] =	stream.linear.scatter [tilespmem:s0], [sflag:$0x5], $0x80, $0x38;
	[tilespmem:$0x8600] =	vst v63  }
0x196: {  	s10 =	sadd.s32 $0x6400, s29  }
0x197: {  	[hbm4b:s30+s4] =	stream.linear.scatter [tilespmem:s10], [sflag:$0x5], $0x80, $0x38;
	[tilespmem:$0x8600] =	vst v63  }
0x198: {  	s31 =	sadd.s32 $0x6488, s29;
	s2 =	sadd.s32 $0x10, s30  }
0x199: {  	[hbm4b:s2+s4] =	stream.linear.scatter [tilespmem:s31], [sflag:$0x5], $0x80, $0x38;
	[tilespmem:$0x8600] =	vst v63  }
0x19a: {  	s8 =	sadd.s32 $0x20, s30;
	s2 =	sadd.s32 $0x6510, s29  }
0x19b: {  	[hbm4b:s8+s4] =	stream.linear.scatter [tilespmem:s2], [sflag:$0x5], $0x80, $0x38;
	[tilespmem:$0x8600] =	vst v63  }
0x19c: {  	s10 =	sadd.s32 $0x6598, s29;
	s31 =	sadd.s32 $0x30, s30  }
0x19d: {  	[hbm4b:s31+s4] =	stream.linear.scatter [tilespmem:s10], [sflag:$0x5], $0x80, $0x38;
	[tilespmem:$0x8600] =	vst v63  }
0x19e: {  	s2 =	sadd.s32 $0x6620, s29;
	s8 =	sadd.s32 $0x40, s30  }
0x19f: {  	[hbm4b:s8+s4] =	stream.linear.scatter [tilespmem:s2], [sflag:$0x5], $0x80, $0x38;
	[tilespmem:$0x8600] =	vst v63  }
0x1a0: {  	s10 =	sadd.s32 $0x66A8, s29;
	s31 =	sadd.s32 $0x50, s30  }
0x1a1: {  	[hbm4b:s31+s4] =	stream.linear.scatter [tilespmem:s10], [sflag:$0x5], $0x80, $0x38;
	[tilespmem:$0x8600] =	vst v63  }
0x1a2: {  	s2 =	sadd.s32 $0x6730, s29;
	s8 =	sadd.s32 $0x60, s30  }
0x1a3: {  	[hbm4b:s8+s4] =	stream.linear.scatter [tilespmem:s2], [sflag:$0x5], $0x80, $0x38;
	[tilespmem:$0x8600] =	vst v63  }
0x1a4: {  	s30 =	sadd.s32 $0x70, s30;
	s10 =	sadd.s32 $0x67B8, s29  }
0x1a5: {  	[hbm4b:s30+s4] =	stream.linear.scatter [tilespmem:s10], [sflag:$0x5], $0x80, $0x38;
	[tilespmem:$0x8600] =	vst v63  }
0x1a6: {  	p0 =	seq.s32 s24, $0x31;
	_ =	swait.ge [sflag:s12], $0x80  }
0x1a7: {  	s0 =	sadd.s32 @!p0 $0x4, s28;
	[sflag:s12] =	ssyncset.done $0x0  }
0x1a8: {  	s2 =	sshll.u32 @!p0 s0, $0x7;
	s0 =	sshll.u32 @!p0 s0, $0xC;
	[sflag:s12] =	ssyncadd.s32 $0xFFFFFF80  }
0x1a9: {  	s2 =	sand.u32 @!p0 $0x200, s2;
	s0 =	sand.u32 @!p0 $0x1F8000, s0;
	_ =	swait.ge [sflag:s12], $0x80  }
0x1aa: {  	s0 =	sor.u32 @!p0 s0, s2;
	[sflag:s12] =	ssyncset.done $0x0  }
0x1ab: {  	s0 =	sor.u32 @!p0 s5, s0;
	[sflag:s12] =	ssyncadd.s32 $0xFFFFFF80  }
0x1ac: {  	[tilespmem:s13], [sflag:$0x2] =	stream.indirect.gather [hbm4b:s7+s11], $0x40, s15, s11, $0xb8;
	[tilespmem:$0x8600] =	vst v63  }
0x1ad: {  	s0 =	sshrl.u32 @!p0 s0, $0x3  }
0x1ae: {  	[tilespmem:s14], [sflag:$0x3] =	stream.indirect.gather [hbm4b:s7+s11], $0x40, s16, s11, $0xb8;
	[tilespmem:$0x8600] =	vst v63  }
0x1af: {  	s2 =	simm.s32 @!p0 $0x0;
	s0 =	sadd.s32 @!p0 s1, s0  }
0x1b0: {  	[tilespmem:s2], [sflag:$0x1] =	stream.linear.gather @!p0 [hbm4b:s0+s2], $0x80, $0x38;
	[tilespmem:$0x8600] =	vst v63  }
0x1b1: {  	s0 =	sadd.s32 @!p0 $0x5, s28  }
0x1b2: {  	s8 =	sshll.u32 @!p0 s0, $0x7;
	s0 =	sshll.u32 @!p0 s0, $0xC  }
0x1b3: {  	s8 =	sand.u32 @!p0 $0x280, s8;
	s0 =	sand.u32 @!p0 $0x1F8000, s0  }
0x1b4: {  	s0 =	sor.u32 @!p0 s0, s8  }
0x1b5: {  	s0 =	sor.u32 @!p0 s5, s0  }
0x1b6: {  	s0 =	sshrl.u32 @!p0 s0, $0x3  }
0x1b7: {  	s8 =	simm.s32 @!p0 $0x80;
	s0 =	sadd.s32 @!p0 s1, s0  }
0x1b8: {  	[tilespmem:s8], [sflag:$0x1] =	stream.linear.gather @!p0 [hbm4b:s0+s2], $0x80, $0x38;
	[tilespmem:$0x8600] =	vst v63  }
0x1b9: {  	_ =	swait.ge [sflag:s17], $0x2000  }
0x1ba: {  	[sflag:s17] =	ssyncset.done $0x0  }
0x1bb: {  	s31 =	sshll.u32 s26, $0x12;
	[sflag:s17] =	ssyncadd.s32 $0xFFFFE000  }
0x1bc: {  	s0 =	sor.u32 s5, s31;
	_ =	swait.ge [sflag:s21], $0x2000  }
0x1bd: {  	s29 =	simm.s32 $0x800;
	s0 =	sshrl.u32 s0, $0x3;
	[sflag:s21] =	ssyncset.done $0x0  }
0x1be: {  	v32 =	vimm.s32 $0x0;
	s28 =	simm.s32 $0x0;
	s26 =	sadd.s32 s3, s0;
	[sflag:s21] =	ssyncadd.s32 $0xFFFFE000  }
.LBB2_11:
0x1bf: {  	p1 =	seq.s32 s29, $0x7800;
	v33 =	vld [tilespmem:s28+$0x200];
	v34 =	vadd.s32 v0, v32;
	_ =	sdelay $0x4  }
0x1c0: {  	[tilespmem:v34+s18+$0x0] =	vst.idx.msk $0xffff, v33  }
0x1c1: {  	v34 =	vadd.s32 v1, v32;
	v33 =	vld [tilespmem:s28+$0x210];
	_ =	sdelay $0x4  }
0x1c2: {  	[tilespmem:v34+s18+$0x0] =	vst.idx.msk $0xffff, v33  }
0x1c3: {  	v34 =	vadd.s32 v2, v32;
	v33 =	vld [tilespmem:s28+$0x220];
	_ =	sdelay $0x4  }
0x1c4: {  	[tilespmem:v34+s18+$0x0] =	vst.idx.msk $0xffff, v33  }
0x1c5: {  	v34 =	vadd.s32 v3, v32;
	v33 =	vld [tilespmem:s28+$0x230];
	_ =	sdelay $0x4  }
0x1c6: {  	[tilespmem:v34+s18+$0x0] =	vst.idx.msk $0xffff, v33  }
0x1c7: {  	v34 =	vadd.s32 v4, v32;
	v33 =	vld [tilespmem:s28+$0x240];
	_ =	sdelay $0x4  }
0x1c8: {  	[tilespmem:v34+s18+$0x0] =	vst.idx.msk $0xffff, v33  }
0x1c9: {  	v34 =	vadd.s32 v5, v32;
	v33 =	vld [tilespmem:s28+$0x250];
	_ =	sdelay $0x4  }
0x1ca: {  	[tilespmem:v34+s18+$0x0] =	vst.idx.msk $0xffff, v33  }
0x1cb: {  	v34 =	vadd.s32 v6, v32;
	v33 =	vld [tilespmem:s28+$0x260];
	_ =	sdelay $0x4  }
0x1cc: {  	[tilespmem:v34+s18+$0x0] =	vst.idx.msk $0xffff, v33  }
0x1cd: {  	v34 =	vadd.s32 v7, v32;
	v33 =	vld [tilespmem:s28+$0x270];
	_ =	sdelay $0x4  }
0x1ce: {  	[tilespmem:v34+s18+$0x0] =	vst.idx.msk $0xffff, v33  }
0x1cf: {  	v34 =	vadd.s32 v8, v32;
	v33 =	vld [tilespmem:s28+$0x280];
	_ =	sdelay $0x4  }
0x1d0: {  	[tilespmem:v34+s18+$0x0] =	vst.idx.msk $0xffff, v33  }
0x1d1: {  	v34 =	vadd.s32 v9, v32;
	v33 =	vld [tilespmem:s28+$0x290];
	_ =	sdelay $0x4  }
0x1d2: {  	[tilespmem:v34+s18+$0x0] =	vst.idx.msk $0xffff, v33  }
0x1d3: {  	v34 =	vadd.s32 v10, v32;
	v33 =	vld [tilespmem:s28+$0x2A0];
	_ =	sdelay $0x4  }
0x1d4: {  	[tilespmem:v34+s18+$0x0] =	vst.idx.msk $0xffff, v33  }
0x1d5: {  	v34 =	vadd.s32 v11, v32;
	v33 =	vld [tilespmem:s28+$0x2B0];
	_ =	sdelay $0x4  }
0x1d6: {  	[tilespmem:v34+s18+$0x0] =	vst.idx.msk $0xffff, v33  }
0x1d7: {  	v34 =	vadd.s32 v12, v32;
	v33 =	vld [tilespmem:s28+$0x2C0];
	_ =	sdelay $0x4  }
0x1d8: {  	[tilespmem:v34+s18+$0x0] =	vst.idx.msk $0xffff, v33  }
0x1d9: {  	v34 =	vadd.s32 v13, v32;
	v33 =	vld [tilespmem:s28+$0x2D0];
	_ =	sdelay $0x4  }
0x1da: {  	[tilespmem:v34+s18+$0x0] =	vst.idx.msk $0xffff, v33  }
0x1db: {  	v34 =	vadd.s32 v14, v32;
	v33 =	vld [tilespmem:s28+$0x2E0];
	_ =	sdelay $0x4  }
0x1dc: {  	[tilespmem:v34+s18+$0x0] =	vst.idx.msk $0xffff, v33  }
0x1dd: {  	v34 =	vadd.s32 v15, v32;
	v33 =	vld [tilespmem:s28+$0x2F0];
	_ =	sdelay $0x4  }
0x1de: {  	[tilespmem:v34+s18+$0x0] =	vst.idx.msk $0xffff, v33  }
0x1df: {  	v34 =	vadd.s32 v16, v32;
	v33 =	vld [tilespmem:s28+$0x300];
	_ =	sdelay $0x4  }
0x1e0: {  	[tilespmem:v34+s18+$0x0] =	vst.idx.msk $0xffff, v33  }
0x1e1: {  	v34 =	vadd.s32 v17, v32;
	v33 =	vld [tilespmem:s28+$0x310];
	_ =	sdelay $0x4  }
0x1e2: {  	[tilespmem:v34+s18+$0x0] =	vst.idx.msk $0xffff, v33  }
0x1e3: {  	v34 =	vadd.s32 v18, v32;
	v33 =	vld [tilespmem:s28+$0x320];
	_ =	sdelay $0x4  }
0x1e4: {  	[tilespmem:v34+s18+$0x0] =	vst.idx.msk $0xffff, v33  }
0x1e5: {  	v34 =	vadd.s32 v19, v32;
	v33 =	vld [tilespmem:s28+$0x330];
	_ =	sdelay $0x4  }
0x1e6: {  	[tilespmem:v34+s18+$0x0] =	vst.idx.msk $0xffff, v33  }
0x1e7: {  	v34 =	vadd.s32 v20, v32;
	v33 =	vld [tilespmem:s28+$0x340];
	_ =	sdelay $0x4  }
0x1e8: {  	[tilespmem:v34+s18+$0x0] =	vst.idx.msk $0xffff, v33  }
0x1e9: {  	v34 =	vadd.s32 v21, v32;
	v33 =	vld [tilespmem:s28+$0x350];
	_ =	sdelay $0x4  }
0x1ea: {  	[tilespmem:v34+s18+$0x0] =	vst.idx.msk $0xffff, v33  }
0x1eb: {  	v34 =	vadd.s32 v22, v32;
	v33 =	vld [tilespmem:s28+$0x360];
	_ =	sdelay $0x4  }
0x1ec: {  	[tilespmem:v34+s18+$0x0] =	vst.idx.msk $0xffff, v33  }
0x1ed: {  	v34 =	vadd.s32 v23, v32;
	v33 =	vld [tilespmem:s28+$0x370];
	_ =	sdelay $0x4  }
0x1ee: {  	[tilespmem:v34+s18+$0x0] =	vst.idx.msk $0xffff, v33  }
0x1ef: {  	v34 =	vadd.s32 v24, v32;
	v33 =	vld [tilespmem:s28+$0x380];
	_ =	sdelay $0x4  }
0x1f0: {  	[tilespmem:v34+s18+$0x0] =	vst.idx.msk $0xffff, v33  }
0x1f1: {  	v34 =	vadd.s32 v25, v32;
	v33 =	vld [tilespmem:s28+$0x390];
	_ =	sdelay $0x4  }
0x1f2: {  	[tilespmem:v34+s18+$0x0] =	vst.idx.msk $0xffff, v33  }
0x1f3: {  	v34 =	vadd.s32 v26, v32;
	v33 =	vld [tilespmem:s28+$0x3A0];
	_ =	sdelay $0x4  }
0x1f4: {  	[tilespmem:v34+s18+$0x0] =	vst.idx.msk $0xffff, v33  }
0x1f5: {  	v34 =	vadd.s32 v27, v32;
	v33 =	vld [tilespmem:s28+$0x3B0];
	_ =	sdelay $0x4  }
0x1f6: {  	[tilespmem:v34+s18+$0x0] =	vst.idx.msk $0xffff, v33  }
0x1f7: {  	v34 =	vadd.s32 v28, v32;
	v33 =	vld [tilespmem:s28+$0x3C0];
	_ =	sdelay $0x4  }
0x1f8: {  	[tilespmem:v34+s18+$0x0] =	vst.idx.msk $0xffff, v33  }
0x1f9: {  	v34 =	vadd.s32 v29, v32;
	v33 =	vld [tilespmem:s28+$0x3D0];
	_ =	sdelay $0x4  }
0x1fa: {  	[tilespmem:v34+s18+$0x0] =	vst.idx.msk $0xffff, v33  }
0x1fb: {  	v34 =	vadd.s32 v30, v32;
	v33 =	vld [tilespmem:s28+$0x3E0];
	_ =	sdelay $0x4  }
0x1fc: {  	[tilespmem:v34+s18+$0x0] =	vst.idx.msk $0xffff, v33  }
0x1fd: {  	v34 =	vadd.s32 v31, v32;
	v33 =	vld [tilespmem:s28+$0x3F0]  }
.Ltmp6:
0x1fe: {  	(pc) =	sbr.rel @!p1 .LBB2_11-.Ltmp6, $2  }
0x1ff: {  	_ =	sdelay $0x2  }
0x200: {  	v32 =	vadd.s32 $0x8, v32;
	s28 =	sshra.s32 s29, $0x2;
	s29 =	sadd.s32 $0x800, s29;
	[tilespmem:v34+s18+$0x0] =	vst.idx.msk $0xffff, v33  }
0x201: {  	v33 =	vld [tilespmem:s28+$0x200];
	v34 =	vadd.s32 v0, v32;
	_ =	sdelay $0x4  }
0x202: {  	[tilespmem:v34+s18+$0x0] =	vst.idx.msk $0xffff, v33  }
0x203: {  	v61 =	vadd.s32 v1, v32;
	v33 =	vld [tilespmem:s28+$0x210];
	_ =	sdelay $0x4  }
0x204: {  	[tilespmem:v61+s18+$0x0] =	vst.idx.msk $0xffff, v33  }
0x205: {  	v62 =	vadd.s32 v2, v32;
	v33 =	vld [tilespmem:s28+$0x220];
	_ =	sdelay $0x4  }
0x206: {  	[tilespmem:v62+s18+$0x0] =	vst.idx.msk $0xffff, v33  }
0x207: {  	v63 =	vadd.s32 v3, v32;
	v33 =	vld [tilespmem:s28+$0x230];
	_ =	sdelay $0x4  }
0x208: {  	[tilespmem:v63+s18+$0x0] =	vst.idx.msk $0xffff, v33  }
0x209: {  	v36 =	vadd.s32 v4, v32;
	v33 =	vld [tilespmem:s28+$0x240];
	_ =	sdelay $0x4  }
0x20a: {  	[tilespmem:v36+s18+$0x0] =	vst.idx.msk $0xffff, v33  }
0x20b: {  	v37 =	vadd.s32 v5, v32;
	v33 =	vld [tilespmem:s28+$0x250];
	_ =	sdelay $0x4  }
0x20c: {  	[tilespmem:v37+s18+$0x0] =	vst.idx.msk $0xffff, v33  }
0x20d: {  	v38 =	vadd.s32 v6, v32;
	v33 =	vld [tilespmem:s28+$0x260];
	_ =	sdelay $0x4  }
0x20e: {  	[tilespmem:v38+s18+$0x0] =	vst.idx.msk $0xffff, v33  }
0x20f: {  	v39 =	vadd.s32 v7, v32;
	v33 =	vld [tilespmem:s28+$0x270];
	_ =	sdelay $0x4  }
0x210: {  	[tilespmem:v39+s18+$0x0] =	vst.idx.msk $0xffff, v33  }
0x211: {  	v40 =	vadd.s32 v8, v32;
	v33 =	vld [tilespmem:s28+$0x280];
	_ =	sdelay $0x4  }
0x212: {  	[tilespmem:v40+s18+$0x0] =	vst.idx.msk $0xffff, v33  }
0x213: {  	v41 =	vadd.s32 v9, v32;
	v33 =	vld [tilespmem:s28+$0x290];
	_ =	sdelay $0x4  }
0x214: {  	[tilespmem:v41+s18+$0x0] =	vst.idx.msk $0xffff, v33  }
0x215: {  	v42 =	vadd.s32 v10, v32;
	v33 =	vld [tilespmem:s28+$0x2A0];
	_ =	sdelay $0x4  }
0x216: {  	[tilespmem:v42+s18+$0x0] =	vst.idx.msk $0xffff, v33  }
0x217: {  	v43 =	vadd.s32 v11, v32;
	v33 =	vld [tilespmem:s28+$0x2B0];
	_ =	sdelay $0x4  }
0x218: {  	[tilespmem:v43+s18+$0x0] =	vst.idx.msk $0xffff, v33  }
0x219: {  	v44 =	vadd.s32 v12, v32;
	v33 =	vld [tilespmem:s28+$0x2C0];
	_ =	sdelay $0x4  }
0x21a: {  	[tilespmem:v44+s18+$0x0] =	vst.idx.msk $0xffff, v33  }
0x21b: {  	v45 =	vadd.s32 v13, v32;
	v33 =	vld [tilespmem:s28+$0x2D0];
	_ =	sdelay $0x4  }
0x21c: {  	[tilespmem:v45+s18+$0x0] =	vst.idx.msk $0xffff, v33  }
0x21d: {  	v46 =	vadd.s32 v14, v32;
	v33 =	vld [tilespmem:s28+$0x2E0];
	_ =	sdelay $0x4  }
0x21e: {  	[tilespmem:v46+s18+$0x0] =	vst.idx.msk $0xffff, v33  }
0x21f: {  	v47 =	vadd.s32 v15, v32;
	v33 =	vld [tilespmem:s28+$0x2F0];
	_ =	sdelay $0x4  }
0x220: {  	[tilespmem:v47+s18+$0x0] =	vst.idx.msk $0xffff, v33  }
0x221: {  	v48 =	vadd.s32 v16, v32;
	v33 =	vld [tilespmem:s28+$0x300];
	_ =	sdelay $0x4  }
0x222: {  	[tilespmem:v48+s18+$0x0] =	vst.idx.msk $0xffff, v33  }
0x223: {  	v49 =	vadd.s32 v17, v32;
	v33 =	vld [tilespmem:s28+$0x310];
	_ =	sdelay $0x4  }
0x224: {  	[tilespmem:v49+s18+$0x0] =	vst.idx.msk $0xffff, v33  }
0x225: {  	v50 =	vadd.s32 v18, v32;
	v33 =	vld [tilespmem:s28+$0x320];
	_ =	sdelay $0x4  }
0x226: {  	[tilespmem:v50+s18+$0x0] =	vst.idx.msk $0xffff, v33  }
0x227: {  	v51 =	vadd.s32 v19, v32;
	v33 =	vld [tilespmem:s28+$0x330];
	_ =	sdelay $0x4  }
0x228: {  	[tilespmem:v51+s18+$0x0] =	vst.idx.msk $0xffff, v33  }
0x229: {  	v52 =	vadd.s32 v20, v32;
	v33 =	vld [tilespmem:s28+$0x340];
	_ =	sdelay $0x4  }
0x22a: {  	[tilespmem:v52+s18+$0x0] =	vst.idx.msk $0xffff, v33  }
0x22b: {  	v53 =	vadd.s32 v21, v32;
	v33 =	vld [tilespmem:s28+$0x350];
	_ =	sdelay $0x4  }
0x22c: {  	[tilespmem:v53+s18+$0x0] =	vst.idx.msk $0xffff, v33  }
0x22d: {  	v54 =	vadd.s32 v22, v32;
	v33 =	vld [tilespmem:s28+$0x360];
	_ =	sdelay $0x4  }
0x22e: {  	[tilespmem:v54+s18+$0x0] =	vst.idx.msk $0xffff, v33  }
0x22f: {  	v55 =	vadd.s32 v23, v32;
	v33 =	vld [tilespmem:s28+$0x370];
	_ =	sdelay $0x4  }
0x230: {  	[tilespmem:v55+s18+$0x0] =	vst.idx.msk $0xffff, v33  }
0x231: {  	v56 =	vadd.s32 v24, v32;
	v33 =	vld [tilespmem:s28+$0x380];
	_ =	sdelay $0x4  }
0x232: {  	[tilespmem:v56+s18+$0x0] =	vst.idx.msk $0xffff, v33  }
0x233: {  	v57 =	vadd.s32 v25, v32;
	v33 =	vld [tilespmem:s28+$0x390];
	_ =	sdelay $0x4  }
0x234: {  	[tilespmem:v57+s18+$0x0] =	vst.idx.msk $0xffff, v33  }
0x235: {  	v58 =	vadd.s32 v26, v32;
	v33 =	vld [tilespmem:s28+$0x3A0];
	_ =	sdelay $0x4  }
0x236: {  	[tilespmem:v58+s18+$0x0] =	vst.idx.msk $0xffff, v33  }
0x237: {  	v59 =	vadd.s32 v27, v32;
	v33 =	vld [tilespmem:s28+$0x3B0];
	_ =	sdelay $0x4  }
0x238: {  	[tilespmem:v59+s18+$0x0] =	vst.idx.msk $0xffff, v33  }
0x239: {  	v60 =	vadd.s32 v28, v32;
	v33 =	vld [tilespmem:s28+$0x3C0];
	_ =	sdelay $0x4  }
0x23a: {  	[tilespmem:v60+s18+$0x0] =	vst.idx.msk $0xffff, v33  }
0x23b: {  	v61 =	vadd.s32 v29, v32;
	v33 =	vld [tilespmem:s28+$0x3D0];
	_ =	sdelay $0x4  }
0x23c: {  	[tilespmem:v61+s18+$0x0] =	vst.idx.msk $0xffff, v33  }
0x23d: {  	v62 =	vadd.s32 v30, v32;
	v33 =	vld [tilespmem:s28+$0x3E0];
	_ =	sdelay $0x4  }
0x23e: {  	[tilespmem:v62+s18+$0x0] =	vst.idx.msk $0xffff, v33  }
0x23f: {  	v63 =	vadd.s32 v31, v32;
	v33 =	vld [tilespmem:s28+$0x3F0];
	_ =	sdelay $0x4  }
0x240: {  	s0 =	simm.s32 $0x4200;
	[tilespmem:v63+s18+$0x0] =	vst.idx.msk $0xffff, v33  }
0x241: {  	[hbm4b:s26+s4] =	stream.linear.scatter [tilespmem:s0], [sflag:$0x4], $0x80, $0x38;
	[tilespmem:$0x8600] =	vst v63  }
0x242: {  	s8 =	simm.s32 $0x4288;
	s2 =	sadd.s32 $0x10, s26  }
0x243: {  	[hbm4b:s2+s4] =	stream.linear.scatter [tilespmem:s8], [sflag:$0x4], $0x80, $0x38;
	[tilespmem:$0x8600] =	vst v63  }
0x244: {  	s10 =	simm.s32 $0x4310;
	s29 =	sadd.s32 $0x20, s26;
	s30 =	simm.s32 $0x4398  }
0x245: {  	[hbm4b:s29+s4] =	stream.linear.scatter [tilespmem:s10], [sflag:$0x4], $0x80, $0x38;
	[tilespmem:$0x8600] =	vst v63  }
0x246: {  	s31 =	sadd.s32 $0x30, s26;
	s28 =	simm.s32 $0x440;
	s0 =	simm.s32 $0x45B8  }
0x247: {  	[hbm4b:s31+s4] =	stream.linear.scatter [tilespmem:s30], [sflag:$0x4], $0x80, $0x38;
	[tilespmem:$0x8600] =	vst v63  }
0x248: {  	s2 =	simm.s32 $0x4420;
	s8 =	sadd.s32 $0x40, s26;
	s10 =	simm.s32 $0x44A8  }
0x249: {  	[hbm4b:s8+s4] =	stream.linear.scatter [tilespmem:s2], [sflag:$0x4], $0x80, $0x38;
	[tilespmem:$0x8600] =	vst v63  }
0x24a: {  	s29 =	sadd.s32 $0x50, s26;
	s30 =	simm.s32 $0x4530;
	s31 =	sadd.s32 $0x60, s26  }
0x24b: {  	[hbm4b:s29+s4] =	stream.linear.scatter [tilespmem:s10], [sflag:$0x4], $0x80, $0x38;
	[tilespmem:$0x8600] =	vst v63  }
0x24c: {  	s2 =	simm.s32 $0x2200;
	s8 =	sadd.s32 $0x70, s26;
	s26 =	sadd.s32 $0x1000, s26  }
0x24d: {  	[hbm4b:s31+s4] =	stream.linear.scatter [tilespmem:s30], [sflag:$0x4], $0x80, $0x38;
	[tilespmem:$0x8600] =	vst v63  }
.LBB2_13:
0x24e: {  	[hbm4b:s8+s4] =	stream.linear.scatter [tilespmem:s0], [sflag:$0x4], $0x80, $0x38;
	[tilespmem:$0x8600] =	vst v63  }
0x24f: {  	s0 =	smov.u32 s28;
	s8 =	smov.u32 s2  }
0x250: {  	s10 =	sadd.s32 $0x1100, s2;
	s28 =	sshra.s32 s8, $0x2;
	s8 =	sadd.s32 $0x4200, s0  }
0x251: {  	[hbm4b:s26+s4] =	stream.linear.scatter [tilespmem:s8], [sflag:$0x4], $0x80, $0x38;
	[tilespmem:$0x8600] =	vst v63  }
0x252: {  	p1 =	sne.s32 s2, $0x7700;
	s2 =	sadd.s32 $0x4288, s0;
	s8 =	sadd.s32 $0x10, s26  }
0x253: {  	[hbm4b:s8+s4] =	stream.linear.scatter [tilespmem:s2], [sflag:$0x4], $0x80, $0x38;
	[tilespmem:$0x8600] =	vst v63  }
0x254: {  	s2 =	sadd.s32 $0x4310, s0;
	s8 =	sadd.s32 $0x20, s26  }
0x255: {  	[hbm4b:s8+s4] =	stream.linear.scatter [tilespmem:s2], [sflag:$0x4], $0x80, $0x38;
	[tilespmem:$0x8600] =	vst v63  }
0x256: {  	s2 =	sadd.s32 $0x4398, s0;
	s8 =	sadd.s32 $0x30, s26  }
0x257: {  	[hbm4b:s8+s4] =	stream.linear.scatter [tilespmem:s2], [sflag:$0x4], $0x80, $0x38;
	[tilespmem:$0x8600] =	vst v63  }
0x258: {  	s2 =	sadd.s32 $0x4420, s0;
	s8 =	sadd.s32 $0x40, s26  }
0x259: {  	[hbm4b:s8+s4] =	stream.linear.scatter [tilespmem:s2], [sflag:$0x4], $0x80, $0x38;
	[tilespmem:$0x8600] =	vst v63  }
.Ltmp7:
0x25a: {  	s2 =	sadd.s32 $0x44A8, s0;
	s8 =	sadd.s32 $0x50, s26;
	(pc) =	sbr.rel @p1 .LBB2_13-.Ltmp7, $4  }
0x25b: {  	[hbm4b:s8+s4] =	stream.linear.scatter [tilespmem:s2], [sflag:$0x4], $0x80, $0x38;
	[tilespmem:$0x8600] =	vst v63  }
0x25c: {  	s2 =	sadd.s32 $0x4530, s0;
	s8 =	sadd.s32 $0x60, s26;
	s0 =	sadd.s32 $0x45B8, s0  }
0x25d: {  	[hbm4b:s8+s4] =	stream.linear.scatter [tilespmem:s2], [sflag:$0x4], $0x80, $0x38;
	[tilespmem:$0x8600] =	vst v63  }
0x25e: {  	s8 =	sadd.s32 $0x70, s26;
	s26 =	sadd.s32 $0x1000, s26;
	s2 =	smov.u32 s10  }
0x25f: {  	[hbm4b:s8+s4] =	stream.linear.scatter [tilespmem:s0], [sflag:$0x4], $0x80, $0x38;
	[tilespmem:$0x8600] =	vst v63  }
0x260: {  	s10 =	sadd.s32 $0x4200, s28  }
0x261: {  	[hbm4b:s26+s4] =	stream.linear.scatter [tilespmem:s10], [sflag:$0x4], $0x80, $0x38;
	[tilespmem:$0x8600] =	vst v63  }
0x262: {  	s29 =	sadd.s32 $0x4288, s28;
	s2 =	sadd.s32 $0x10, s26  }
0x263: {  	[hbm4b:s2+s4] =	stream.linear.scatter [tilespmem:s29], [sflag:$0x4], $0x80, $0x38;
	[tilespmem:$0x8600] =	vst v63  }
0x264: {  	s30 =	sadd.s32 $0x4310, s28;
	s31 =	sadd.s32 $0x20, s26  }
0x265: {  	[hbm4b:s31+s4] =	stream.linear.scatter [tilespmem:s30], [sflag:$0x4], $0x80, $0x38;
	[tilespmem:$0x8600] =	vst v63  }
0x266: {  	s8 =	sadd.s32 $0x30, s26;
	s2 =	sadd.s32 $0x4398, s28  }
0x267: {  	[hbm4b:s8+s4] =	stream.linear.scatter [tilespmem:s2], [sflag:$0x4], $0x80, $0x38;
	[tilespmem:$0x8600] =	vst v63  }
0x268: {  	s10 =	sadd.s32 $0x4420, s28;
	s29 =	sadd.s32 $0x40, s26  }
0x269: {  	[hbm4b:s29+s4] =	stream.linear.scatter [tilespmem:s10], [sflag:$0x4], $0x80, $0x38;
	[tilespmem:$0x8600] =	vst v63  }
0x26a: {  	s30 =	sadd.s32 $0x44A8, s28;
	s31 =	sadd.s32 $0x50, s26  }
0x26b: {  	[hbm4b:s31+s4] =	stream.linear.scatter [tilespmem:s30], [sflag:$0x4], $0x80, $0x38;
	[tilespmem:$0x8600] =	vst v63  }
0x26c: {  	s8 =	sadd.s32 $0x4530, s28;
	s10 =	sadd.s32 $0x60, s26  }
0x26d: {  	[hbm4b:s10+s4] =	stream.linear.scatter [tilespmem:s8], [sflag:$0x4], $0x80, $0x38;
	[tilespmem:$0x8600] =	vst v63  }
0x26e: {  	s29 =	sadd.s32 $0x45B8, s28;
	s30 =	sadd.s32 $0x70, s26  }
0x26f: {  	[hbm4b:s30+s4] =	stream.linear.scatter [tilespmem:s29], [sflag:$0x4], $0x80, $0x38;
	[tilespmem:$0x8600] =	vst v63  }
0x270: {  	_ =	swait.ge [sflag:s19], $0x2000  }
0x271: {  	[sflag:s19] =	ssyncset.done $0x0  }
0x272: {  	s31 =	sshll.u32 s25, $0x12;
	[sflag:s19] =	ssyncadd.s32 $0xFFFFE000  }
0x273: {  	s0 =	sor.u32 s5, s31;
	_ =	swait.ge [sflag:s22], $0x2000  }
0x274: {  	s28 =	simm.s32 $0x800;
	s0 =	sshrl.u32 s0, $0x3;
	[sflag:s22] =	ssyncset.done $0x0  }
0x275: {  	v32 =	vimm.s32 $0x0;
	s26 =	simm.s32 $0x0;
	s25 =	sadd.s32 s3, s0;
	[sflag:s22] =	ssyncadd.s32 $0xFFFFE000  }
.LBB2_15:
0x276: {  	p1 =	seq.s32 s28, $0x7800;
	v33 =	vld [tilespmem:s26+$0x2200];
	v34 =	vadd.s32 v0, v32;
	_ =	sdelay $0x4  }
0x277: {  	[tilespmem:v34+s20+$0x0] =	vst.idx.msk $0xffff, v33  }
0x278: {  	v34 =	vadd.s32 v1, v32;
	v33 =	vld [tilespmem:s26+$0x2210];
	_ =	sdelay $0x4  }
0x279: {  	[tilespmem:v34+s20+$0x0] =	vst.idx.msk $0xffff, v33  }
0x27a: {  	v34 =	vadd.s32 v2, v32;
	v33 =	vld [tilespmem:s26+$0x2220];
	_ =	sdelay $0x4  }
0x27b: {  	[tilespmem:v34+s20+$0x0] =	vst.idx.msk $0xffff, v33  }
0x27c: {  	v34 =	vadd.s32 v3, v32;
	v33 =	vld [tilespmem:s26+$0x2230];
	_ =	sdelay $0x4  }
0x27d: {  	[tilespmem:v34+s20+$0x0] =	vst.idx.msk $0xffff, v33  }
0x27e: {  	v34 =	vadd.s32 v4, v32;
	v33 =	vld [tilespmem:s26+$0x2240];
	_ =	sdelay $0x4  }
0x27f: {  	[tilespmem:v34+s20+$0x0] =	vst.idx.msk $0xffff, v33  }
0x280: {  	v34 =	vadd.s32 v5, v32;
	v33 =	vld [tilespmem:s26+$0x2250];
	_ =	sdelay $0x4  }
0x281: {  	[tilespmem:v34+s20+$0x0] =	vst.idx.msk $0xffff, v33  }
0x282: {  	v34 =	vadd.s32 v6, v32;
	v33 =	vld [tilespmem:s26+$0x2260];
	_ =	sdelay $0x4  }
0x283: {  	[tilespmem:v34+s20+$0x0] =	vst.idx.msk $0xffff, v33  }
0x284: {  	v34 =	vadd.s32 v7, v32;
	v33 =	vld [tilespmem:s26+$0x2270];
	_ =	sdelay $0x4  }
0x285: {  	[tilespmem:v34+s20+$0x0] =	vst.idx.msk $0xffff, v33  }
0x286: {  	v34 =	vadd.s32 v8, v32;
	v33 =	vld [tilespmem:s26+$0x2280];
	_ =	sdelay $0x4  }
0x287: {  	[tilespmem:v34+s20+$0x0] =	vst.idx.msk $0xffff, v33  }
0x288: {  	v34 =	vadd.s32 v9, v32;
	v33 =	vld [tilespmem:s26+$0x2290];
	_ =	sdelay $0x4  }
0x289: {  	[tilespmem:v34+s20+$0x0] =	vst.idx.msk $0xffff, v33  }
0x28a: {  	v34 =	vadd.s32 v10, v32;
	v33 =	vld [tilespmem:s26+$0x22A0];
	_ =	sdelay $0x4  }
0x28b: {  	[tilespmem:v34+s20+$0x0] =	vst.idx.msk $0xffff, v33  }
0x28c: {  	v34 =	vadd.s32 v11, v32;
	v33 =	vld [tilespmem:s26+$0x22B0];
	_ =	sdelay $0x4  }
0x28d: {  	[tilespmem:v34+s20+$0x0] =	vst.idx.msk $0xffff, v33  }
0x28e: {  	v34 =	vadd.s32 v12, v32;
	v33 =	vld [tilespmem:s26+$0x22C0];
	_ =	sdelay $0x4  }
0x28f: {  	[tilespmem:v34+s20+$0x0] =	vst.idx.msk $0xffff, v33  }
0x290: {  	v34 =	vadd.s32 v13, v32;
	v33 =	vld [tilespmem:s26+$0x22D0];
	_ =	sdelay $0x4  }
0x291: {  	[tilespmem:v34+s20+$0x0] =	vst.idx.msk $0xffff, v33  }
0x292: {  	v34 =	vadd.s32 v14, v32;
	v33 =	vld [tilespmem:s26+$0x22E0];
	_ =	sdelay $0x4  }
0x293: {  	[tilespmem:v34+s20+$0x0] =	vst.idx.msk $0xffff, v33  }
0x294: {  	v34 =	vadd.s32 v15, v32;
	v33 =	vld [tilespmem:s26+$0x22F0];
	_ =	sdelay $0x4  }
0x295: {  	[tilespmem:v34+s20+$0x0] =	vst.idx.msk $0xffff, v33  }
0x296: {  	v34 =	vadd.s32 v16, v32;
	v33 =	vld [tilespmem:s26+$0x2300];
	_ =	sdelay $0x4  }
0x297: {  	[tilespmem:v34+s20+$0x0] =	vst.idx.msk $0xffff, v33  }
0x298: {  	v34 =	vadd.s32 v17, v32;
	v33 =	vld [tilespmem:s26+$0x2310];
	_ =	sdelay $0x4  }
0x299: {  	[tilespmem:v34+s20+$0x0] =	vst.idx.msk $0xffff, v33  }
0x29a: {  	v34 =	vadd.s32 v18, v32;
	v33 =	vld [tilespmem:s26+$0x2320];
	_ =	sdelay $0x4  }
0x29b: {  	[tilespmem:v34+s20+$0x0] =	vst.idx.msk $0xffff, v33  }
0x29c: {  	v34 =	vadd.s32 v19, v32;
	v33 =	vld [tilespmem:s26+$0x2330];
	_ =	sdelay $0x4  }
0x29d: {  	[tilespmem:v34+s20+$0x0] =	vst.idx.msk $0xffff, v33  }
0x29e: {  	v34 =	vadd.s32 v20, v32;
	v33 =	vld [tilespmem:s26+$0x2340];
	_ =	sdelay $0x4  }
0x29f: {  	[tilespmem:v34+s20+$0x0] =	vst.idx.msk $0xffff, v33  }
0x2a0: {  	v34 =	vadd.s32 v21, v32;
	v33 =	vld [tilespmem:s26+$0x2350];
	_ =	sdelay $0x4  }
0x2a1: {  	[tilespmem:v34+s20+$0x0] =	vst.idx.msk $0xffff, v33  }
0x2a2: {  	v34 =	vadd.s32 v22, v32;
	v33 =	vld [tilespmem:s26+$0x2360];
	_ =	sdelay $0x4  }
0x2a3: {  	[tilespmem:v34+s20+$0x0] =	vst.idx.msk $0xffff, v33  }
0x2a4: {  	v34 =	vadd.s32 v23, v32;
	v33 =	vld [tilespmem:s26+$0x2370];
	_ =	sdelay $0x4  }
0x2a5: {  	[tilespmem:v34+s20+$0x0] =	vst.idx.msk $0xffff, v33  }
0x2a6: {  	v34 =	vadd.s32 v24, v32;
	v33 =	vld [tilespmem:s26+$0x2380];
	_ =	sdelay $0x4  }
0x2a7: {  	[tilespmem:v34+s20+$0x0] =	vst.idx.msk $0xffff, v33  }
0x2a8: {  	v34 =	vadd.s32 v25, v32;
	v33 =	vld [tilespmem:s26+$0x2390];
	_ =	sdelay $0x4  }
0x2a9: {  	[tilespmem:v34+s20+$0x0] =	vst.idx.msk $0xffff, v33  }
0x2aa: {  	v34 =	vadd.s32 v26, v32;
	v33 =	vld [tilespmem:s26+$0x23A0];
	_ =	sdelay $0x4  }
0x2ab: {  	[tilespmem:v34+s20+$0x0] =	vst.idx.msk $0xffff, v33  }
0x2ac: {  	v34 =	vadd.s32 v27, v32;
	v33 =	vld [tilespmem:s26+$0x23B0];
	_ =	sdelay $0x4  }
0x2ad: {  	[tilespmem:v34+s20+$0x0] =	vst.idx.msk $0xffff, v33  }
0x2ae: {  	v34 =	vadd.s32 v28, v32;
	v33 =	vld [tilespmem:s26+$0x23C0];
	_ =	sdelay $0x4  }
0x2af: {  	[tilespmem:v34+s20+$0x0] =	vst.idx.msk $0xffff, v33  }
0x2b0: {  	v34 =	vadd.s32 v29, v32;
	v33 =	vld [tilespmem:s26+$0x23D0];
	_ =	sdelay $0x4  }
0x2b1: {  	[tilespmem:v34+s20+$0x0] =	vst.idx.msk $0xffff, v33  }
0x2b2: {  	v34 =	vadd.s32 v30, v32;
	v33 =	vld [tilespmem:s26+$0x23E0];
	_ =	sdelay $0x4  }
0x2b3: {  	[tilespmem:v34+s20+$0x0] =	vst.idx.msk $0xffff, v33  }
0x2b4: {  	v34 =	vadd.s32 v31, v32;
	v33 =	vld [tilespmem:s26+$0x23F0]  }
.Ltmp8:
0x2b5: {  	(pc) =	sbr.rel @!p1 .LBB2_15-.Ltmp8, $2  }
0x2b6: {  	_ =	sdelay $0x2  }
0x2b7: {  	v32 =	vadd.s32 $0x8, v32;
	s26 =	sshra.s32 s28, $0x2;
	s28 =	sadd.s32 $0x800, s28;
	[tilespmem:v34+s20+$0x0] =	vst.idx.msk $0xffff, v33  }
0x2b8: {  	v33 =	vld [tilespmem:s26+$0x2200];
	v34 =	vadd.s32 v0, v32;
	_ =	sdelay $0x4  }
0x2b9: {  	[tilespmem:v34+s20+$0x0] =	vst.idx.msk $0xffff, v33  }
0x2ba: {  	v61 =	vadd.s32 v1, v32;
	v33 =	vld [tilespmem:s26+$0x2210];
	_ =	sdelay $0x4  }
0x2bb: {  	[tilespmem:v61+s20+$0x0] =	vst.idx.msk $0xffff, v33  }
0x2bc: {  	v62 =	vadd.s32 v2, v32;
	v33 =	vld [tilespmem:s26+$0x2220];
	_ =	sdelay $0x4  }
0x2bd: {  	[tilespmem:v62+s20+$0x0] =	vst.idx.msk $0xffff, v33  }
0x2be: {  	v63 =	vadd.s32 v3, v32;
	v33 =	vld [tilespmem:s26+$0x2230];
	_ =	sdelay $0x4  }
0x2bf: {  	[tilespmem:v63+s20+$0x0] =	vst.idx.msk $0xffff, v33  }
0x2c0: {  	v36 =	vadd.s32 v4, v32;
	v33 =	vld [tilespmem:s26+$0x2240];
	_ =	sdelay $0x4  }
0x2c1: {  	[tilespmem:v36+s20+$0x0] =	vst.idx.msk $0xffff, v33  }
0x2c2: {  	v37 =	vadd.s32 v5, v32;
	v33 =	vld [tilespmem:s26+$0x2250];
	_ =	sdelay $0x4  }
0x2c3: {  	[tilespmem:v37+s20+$0x0] =	vst.idx.msk $0xffff, v33  }
0x2c4: {  	v38 =	vadd.s32 v6, v32;
	v33 =	vld [tilespmem:s26+$0x2260];
	_ =	sdelay $0x4  }
0x2c5: {  	[tilespmem:v38+s20+$0x0] =	vst.idx.msk $0xffff, v33  }
0x2c6: {  	v39 =	vadd.s32 v7, v32;
	v33 =	vld [tilespmem:s26+$0x2270];
	_ =	sdelay $0x4  }
0x2c7: {  	[tilespmem:v39+s20+$0x0] =	vst.idx.msk $0xffff, v33  }
0x2c8: {  	v40 =	vadd.s32 v8, v32;
	v33 =	vld [tilespmem:s26+$0x2280];
	_ =	sdelay $0x4  }
0x2c9: {  	[tilespmem:v40+s20+$0x0] =	vst.idx.msk $0xffff, v33  }
0x2ca: {  	v41 =	vadd.s32 v9, v32;
	v33 =	vld [tilespmem:s26+$0x2290];
	_ =	sdelay $0x4  }
0x2cb: {  	[tilespmem:v41+s20+$0x0] =	vst.idx.msk $0xffff, v33  }
0x2cc: {  	v42 =	vadd.s32 v10, v32;
	v33 =	vld [tilespmem:s26+$0x22A0];
	_ =	sdelay $0x4  }
0x2cd: {  	[tilespmem:v42+s20+$0x0] =	vst.idx.msk $0xffff, v33  }
0x2ce: {  	v43 =	vadd.s32 v11, v32;
	v33 =	vld [tilespmem:s26+$0x22B0];
	_ =	sdelay $0x4  }
0x2cf: {  	[tilespmem:v43+s20+$0x0] =	vst.idx.msk $0xffff, v33  }
0x2d0: {  	v44 =	vadd.s32 v12, v32;
	v33 =	vld [tilespmem:s26+$0x22C0];
	_ =	sdelay $0x4  }
0x2d1: {  	[tilespmem:v44+s20+$0x0] =	vst.idx.msk $0xffff, v33  }
0x2d2: {  	v45 =	vadd.s32 v13, v32;
	v33 =	vld [tilespmem:s26+$0x22D0];
	_ =	sdelay $0x4  }
0x2d3: {  	[tilespmem:v45+s20+$0x0] =	vst.idx.msk $0xffff, v33  }
0x2d4: {  	v46 =	vadd.s32 v14, v32;
	v33 =	vld [tilespmem:s26+$0x22E0];
	_ =	sdelay $0x4  }
0x2d5: {  	[tilespmem:v46+s20+$0x0] =	vst.idx.msk $0xffff, v33  }
0x2d6: {  	v47 =	vadd.s32 v15, v32;
	v33 =	vld [tilespmem:s26+$0x22F0];
	_ =	sdelay $0x4  }
0x2d7: {  	[tilespmem:v47+s20+$0x0] =	vst.idx.msk $0xffff, v33  }
0x2d8: {  	v48 =	vadd.s32 v16, v32;
	v33 =	vld [tilespmem:s26+$0x2300];
	_ =	sdelay $0x4  }
0x2d9: {  	[tilespmem:v48+s20+$0x0] =	vst.idx.msk $0xffff, v33  }
0x2da: {  	v49 =	vadd.s32 v17, v32;
	v33 =	vld [tilespmem:s26+$0x2310];
	_ =	sdelay $0x4  }
0x2db: {  	[tilespmem:v49+s20+$0x0] =	vst.idx.msk $0xffff, v33  }
0x2dc: {  	v50 =	vadd.s32 v18, v32;
	v33 =	vld [tilespmem:s26+$0x2320];
	_ =	sdelay $0x4  }
0x2dd: {  	[tilespmem:v50+s20+$0x0] =	vst.idx.msk $0xffff, v33  }
0x2de: {  	v51 =	vadd.s32 v19, v32;
	v33 =	vld [tilespmem:s26+$0x2330];
	_ =	sdelay $0x4  }
0x2df: {  	[tilespmem:v51+s20+$0x0] =	vst.idx.msk $0xffff, v33  }
0x2e0: {  	v52 =	vadd.s32 v20, v32;
	v33 =	vld [tilespmem:s26+$0x2340];
	_ =	sdelay $0x4  }
0x2e1: {  	[tilespmem:v52+s20+$0x0] =	vst.idx.msk $0xffff, v33  }
0x2e2: {  	v53 =	vadd.s32 v21, v32;
	v33 =	vld [tilespmem:s26+$0x2350];
	_ =	sdelay $0x4  }
0x2e3: {  	[tilespmem:v53+s20+$0x0] =	vst.idx.msk $0xffff, v33  }
0x2e4: {  	v54 =	vadd.s32 v22, v32;
	v33 =	vld [tilespmem:s26+$0x2360];
	_ =	sdelay $0x4  }
0x2e5: {  	[tilespmem:v54+s20+$0x0] =	vst.idx.msk $0xffff, v33  }
0x2e6: {  	v55 =	vadd.s32 v23, v32;
	v33 =	vld [tilespmem:s26+$0x2370];
	_ =	sdelay $0x4  }
0x2e7: {  	[tilespmem:v55+s20+$0x0] =	vst.idx.msk $0xffff, v33  }
0x2e8: {  	v56 =	vadd.s32 v24, v32;
	v33 =	vld [tilespmem:s26+$0x2380];
	_ =	sdelay $0x4  }
0x2e9: {  	[tilespmem:v56+s20+$0x0] =	vst.idx.msk $0xffff, v33  }
0x2ea: {  	v57 =	vadd.s32 v25, v32;
	v33 =	vld [tilespmem:s26+$0x2390];
	_ =	sdelay $0x4  }
0x2eb: {  	[tilespmem:v57+s20+$0x0] =	vst.idx.msk $0xffff, v33  }
0x2ec: {  	v58 =	vadd.s32 v26, v32;
	v33 =	vld [tilespmem:s26+$0x23A0];
	_ =	sdelay $0x4  }
0x2ed: {  	[tilespmem:v58+s20+$0x0] =	vst.idx.msk $0xffff, v33  }
0x2ee: {  	v59 =	vadd.s32 v27, v32;
	v33 =	vld [tilespmem:s26+$0x23B0];
	_ =	sdelay $0x4  }
0x2ef: {  	[tilespmem:v59+s20+$0x0] =	vst.idx.msk $0xffff, v33  }
0x2f0: {  	v60 =	vadd.s32 v28, v32;
	v33 =	vld [tilespmem:s26+$0x23C0];
	_ =	sdelay $0x4  }
0x2f1: {  	[tilespmem:v60+s20+$0x0] =	vst.idx.msk $0xffff, v33  }
0x2f2: {  	v61 =	vadd.s32 v29, v32;
	v33 =	vld [tilespmem:s26+$0x23D0];
	_ =	sdelay $0x4  }
0x2f3: {  	[tilespmem:v61+s20+$0x0] =	vst.idx.msk $0xffff, v33  }
0x2f4: {  	v62 =	vadd.s32 v30, v32;
	v33 =	vld [tilespmem:s26+$0x23E0];
	_ =	sdelay $0x4  }
0x2f5: {  	[tilespmem:v62+s20+$0x0] =	vst.idx.msk $0xffff, v33  }
0x2f6: {  	v63 =	vadd.s32 v31, v32;
	v33 =	vld [tilespmem:s26+$0x23F0];
	_ =	sdelay $0x4  }
0x2f7: {  	s0 =	simm.s32 $0x6400;
	[tilespmem:v63+s20+$0x0] =	vst.idx.msk $0xffff, v33  }
0x2f8: {  	[hbm4b:s25+s4] =	stream.linear.scatter [tilespmem:s0], [sflag:$0x5], $0x80, $0x38;
	[tilespmem:$0x8600] =	vst v63  }
0x2f9: {  	s29 =	simm.s32 $0x6488;
	s2 =	sadd.s32 $0x10, s25  }
0x2fa: {  	[hbm4b:s2+s4] =	stream.linear.scatter [tilespmem:s29], [sflag:$0x5], $0x80, $0x38;
	[tilespmem:$0x8600] =	vst v63  }
0x2fb: {  	s30 =	simm.s32 $0x6510;
	s31 =	sadd.s32 $0x20, s25;
	s8 =	sadd.s32 $0x30, s25  }
0x2fc: {  	[hbm4b:s31+s4] =	stream.linear.scatter [tilespmem:s30], [sflag:$0x5], $0x80, $0x38;
	[tilespmem:$0x8600] =	vst v63  }
0x2fd: {  	s10 =	simm.s32 $0x6620;
	s28 =	simm.s32 $0x66A8;
	s2 =	simm.s32 $0x6598  }
0x2fe: {  	[hbm4b:s8+s4] =	stream.linear.scatter [tilespmem:s2], [sflag:$0x5], $0x80, $0x38;
	[tilespmem:$0x8600] =	vst v63  }
0x2ff: {  	s26 =	sadd.s32 $0x40, s25;
	s0 =	simm.s32 $0x67B8;
	s29 =	sadd.s32 $0x50, s25  }
0x300: {  	[hbm4b:s26+s4] =	stream.linear.scatter [tilespmem:s10], [sflag:$0x5], $0x80, $0x38;
	[tilespmem:$0x8600] =	vst v63  }
0x301: {  	s30 =	simm.s32 $0x6730;
	s31 =	sadd.s32 $0x60, s25;
	s2 =	simm.s32 $0x2200  }
0x302: {  	[hbm4b:s29+s4] =	stream.linear.scatter [tilespmem:s28], [sflag:$0x5], $0x80, $0x38;
	[tilespmem:$0x8600] =	vst v63  }
0x303: {  	s8 =	sadd.s32 $0x70, s25;
	s25 =	sadd.s32 $0x1000, s25;
	s26 =	simm.s32 $0x440  }
0x304: {  	[hbm4b:s31+s4] =	stream.linear.scatter [tilespmem:s30], [sflag:$0x5], $0x80, $0x38;
	[tilespmem:$0x8600] =	vst v63  }
.LBB2_17:
0x305: {  	[hbm4b:s8+s4] =	stream.linear.scatter [tilespmem:s0], [sflag:$0x5], $0x80, $0x38;
	[tilespmem:$0x8600] =	vst v63  }
0x306: {  	s0 =	smov.u32 s26;
	s8 =	smov.u32 s2  }
0x307: {  	s10 =	sadd.s32 $0x1100, s2;
	s26 =	sshra.s32 s8, $0x2;
	s8 =	sadd.s32 $0x6400, s0  }
0x308: {  	[hbm4b:s25+s4] =	stream.linear.scatter [tilespmem:s8], [sflag:$0x5], $0x80, $0x38;
	[tilespmem:$0x8600] =	vst v63  }
0x309: {  	p1 =	sne.s32 s2, $0x7700;
	s2 =	sadd.s32 $0x6488, s0;
	s8 =	sadd.s32 $0x10, s25  }
0x30a: {  	[hbm4b:s8+s4] =	stream.linear.scatter [tilespmem:s2], [sflag:$0x5], $0x80, $0x38;
	[tilespmem:$0x8600] =	vst v63  }
0x30b: {  	s2 =	sadd.s32 $0x6510, s0;
	s8 =	sadd.s32 $0x20, s25  }
0x30c: {  	[hbm4b:s8+s4] =	stream.linear.scatter [tilespmem:s2], [sflag:$0x5], $0x80, $0x38;
	[tilespmem:$0x8600] =	vst v63  }
0x30d: {  	s2 =	sadd.s32 $0x6598, s0;
	s8 =	sadd.s32 $0x30, s25  }
0x30e: {  	[hbm4b:s8+s4] =	stream.linear.scatter [tilespmem:s2], [sflag:$0x5], $0x80, $0x38;
	[tilespmem:$0x8600] =	vst v63  }
0x30f: {  	s2 =	sadd.s32 $0x6620, s0;
	s8 =	sadd.s32 $0x40, s25  }
0x310: {  	[hbm4b:s8+s4] =	stream.linear.scatter [tilespmem:s2], [sflag:$0x5], $0x80, $0x38;
	[tilespmem:$0x8600] =	vst v63  }
.Ltmp9:
0x311: {  	s2 =	sadd.s32 $0x66A8, s0;
	s8 =	sadd.s32 $0x50, s25;
	(pc) =	sbr.rel @p1 .LBB2_17-.Ltmp9, $4  }
0x312: {  	[hbm4b:s8+s4] =	stream.linear.scatter [tilespmem:s2], [sflag:$0x5], $0x80, $0x38;
	[tilespmem:$0x8600] =	vst v63  }
0x313: {  	s2 =	sadd.s32 $0x6730, s0;
	s8 =	sadd.s32 $0x60, s25;
	s0 =	sadd.s32 $0x67B8, s0  }
0x314: {  	[hbm4b:s8+s4] =	stream.linear.scatter [tilespmem:s2], [sflag:$0x5], $0x80, $0x38;
	[tilespmem:$0x8600] =	vst v63  }
0x315: {  	s8 =	sadd.s32 $0x70, s25;
	s25 =	sadd.s32 $0x1000, s25;
	s2 =	smov.u32 s10  }
0x316: {  	[hbm4b:s8+s4] =	stream.linear.scatter [tilespmem:s0], [sflag:$0x5], $0x80, $0x38;
	[tilespmem:$0x8600] =	vst v63  }
0x317: {  	s30 =	sadd.s32 $0x6400, s26  }
0x318: {  	[hbm4b:s25+s4] =	stream.linear.scatter [tilespmem:s30], [sflag:$0x5], $0x80, $0x38;
	[tilespmem:$0x8600] =	vst v63  }
0x319: {  	s31 =	sadd.s32 $0x6488, s26;
	s2 =	sadd.s32 $0x10, s25  }
0x31a: {  	[hbm4b:s2+s4] =	stream.linear.scatter [tilespmem:s31], [sflag:$0x5], $0x80, $0x38;
	[tilespmem:$0x8600] =	vst v63  }
0x31b: {  	s8 =	sadd.s32 $0x6510, s26;
	s10 =	sadd.s32 $0x20, s25  }
0x31c: {  	[hbm4b:s10+s4] =	stream.linear.scatter [tilespmem:s8], [sflag:$0x5], $0x80, $0x38;
	[tilespmem:$0x8600] =	vst v63  }
0x31d: {  	s28 =	sadd.s32 $0x6598, s26;
	s29 =	sadd.s32 $0x30, s25  }
0x31e: {  	[hbm4b:s29+s4] =	stream.linear.scatter [tilespmem:s28], [sflag:$0x5], $0x80, $0x38;
	[tilespmem:$0x8600] =	vst v63  }
0x31f: {  	s30 =	sadd.s32 $0x6620, s26;
	s31 =	sadd.s32 $0x40, s25  }
0x320: {  	[hbm4b:s31+s4] =	stream.linear.scatter [tilespmem:s30], [sflag:$0x5], $0x80, $0x38;
	[tilespmem:$0x8600] =	vst v63  }
0x321: {  	s8 =	sadd.s32 $0x66A8, s26;
	s10 =	sadd.s32 $0x50, s25  }
0x322: {  	[hbm4b:s10+s4] =	stream.linear.scatter [tilespmem:s8], [sflag:$0x5], $0x80, $0x38;
	[tilespmem:$0x8600] =	vst v63  }
.Ltmp10:
0x323: {  	_ = 	snop;
	(pc) =	sbr.rel @p0 .LBB2_20-.Ltmp10, $4  }
0x324: {  	s28 =	sadd.s32 $0x6730, s26;
	s29 =	sadd.s32 $0x60, s25  }
0x325: {  	[hbm4b:s29+s4] =	stream.linear.scatter [tilespmem:s28], [sflag:$0x5], $0x80, $0x38;
	[tilespmem:$0x8600] =	vst v63  }
0x326: {  	s30 =	sadd.s32 $0x67B8, s26;
	s31 =	sadd.s32 $0x70, s25  }
0x327: {  	[hbm4b:s31+s4] =	stream.linear.scatter [tilespmem:s30], [sflag:$0x5], $0x80, $0x38;
	[tilespmem:$0x8600] =	vst v63  }
0x328: {  	_ =	swait.ge [sflag:s12], $0x80  }
0x329: {  	[sflag:s12] =	ssyncset.done $0x0  }
.Ltmp11:
0x32a: {  	[sflag:s12] =	ssyncadd.s32 $0xFFFFFF80;
	(pc) =	sbr.rel .LBB2_2-.Ltmp11, $4  }
0x32b: {  	_ =	swait.ge [sflag:s12], $0x80  }
0x32c: {  	[sflag:s12] =	ssyncset.done $0x0  }
0x32d: {  	s24 =	sadd.s32 $0x1, s24;
	[sflag:s12] =	ssyncadd.s32 $0xFFFFFF80  }
0x32e: {  	[tilespmem:s13], [sflag:$0x2] =	stream.indirect.gather [hbm4b:s7+s11], $0x40, s4, s11, $0xb8;
	[tilespmem:$0x8600] =	vst v63  }
.LBB2_21:
0x32f: {  	_ =	sfence.sel $0x180000  }
0x330: {  	[bflag:$0x0] =	sbarrier.arrive $0xFFFF  }
0x331: {  	_ =	strace $0x90000047  }
0x332: {  	s0 =	stileid.u32;
	[bflag:$0x2] =	sbarrier.arrive $0xFFFF  }
0x333: {  	p0 =	sne.s32 s0, $0x0;
	s0 =	rddreg [dreg:$0x3]  }
0x334: {  	s0 =	sadd.s32 @!p0 $0x100000, s0  }
0x335: {  	[sflag:s0] =	ssyncadd.tile.s32 @!p0 $0x1;
	_ =	shalt  }
.Lfunc_end2:
_tile_overlayer_lowered:
.L_overlay_start_2:
0x336: {  	(tag) =	ssettag $0x2  }
0x337: {  	s0 =	rddreg [dreg:$0x0];
	s2 =	stileid.u32  }
0x338: {  	s1 =	rddreg [dreg:$0x1];
	p0 =	sne.s32 s2, $0x0  }
0x339: {  	s3 =	rddreg [dreg:$0x2];
	[bflag:$0x3] =	sbarrier.arrive $0xFFFF;
	s2 =	simm.s32 @!p0 $0x1C06  }
0x33a: {  	[timem:s3], [sflag:s2] =	dma.local @!p0 [hbm:s0], s1  }
0x33b: {  	s0 =	simm.s32 @!p0 $0x6  }
0x33c: {  	_ =	swait.ge @!p0 [sflag:s0], s1  }
0x33d: {  	s1 =	ssub.s32 @!p0 $0x0, s1;
	[sflag:s0] =	ssyncset.done @!p0 $0x0  }
0x33e: {  	[sflag:s0] =	ssyncadd.s32 @!p0 s1  }
0x33f: {  	[bflag:$0x3] =	sbarrier.arrive $0xFFFF  }
0x340: {  	_ =	shalt  }

</sc_bundles>
